<compile_context>
chip_gen: v7x
topology: tpu7x:2x2x1
jax: 0.10.2.dev20260603
libtpu: 0.0.44.dev20260713+nightly
codegen_flags: <defaults>
</compile_context>

<pallas_src>
import functools

import jax
import jax.numpy as jnp
from jax import lax
from jax.experimental import pallas as pl
from jax.experimental.pallas import tpu as pltpu
from jax.experimental.pallas import tpu_sc as plsc

L = 200
B = 4096
D = 32
CHUNK = 128
NC, NS = 2, 16
NW = NC * NS
NCHUNKS = (L * B) // CHUNK
CPL = B // CHUNK
NBUF = 5
PG = 2
KS = 2
S = 4
LS = L // S
NCH_S = NCHUNKS // S
ROWS_PER_L = (B * D) // 128

_mesh = plsc.VectorSubcoreMesh(
    core_axis_name="c", subcore_axis_name="s", num_cores=NC, num_subcores=NS
)


def _make_embed(nchunks, s0):
    cpw = nchunks // NW

    @functools.partial(
        pl.kernel,
        out_type=jax.ShapeDtypeStruct((nchunks, CHUNK, D), jnp.float32),
        mesh=_mesh,
        scratch_types=[
            pltpu.VMEM((3 * B,), jnp.int32),
            pltpu.VMEM((cpw, CHUNK), jnp.int32),
            pltpu.VMEM((NBUF, CHUNK, D), jnp.float32),
            pltpu.SemaphoreType.DMA,
            pltpu.SemaphoreType.DMA,
        ],
        compiler_params=pltpu.CompilerParams(
            use_tc_tiling_on_sc=False, needs_layout_passes=False
        ),
    )
    def embed(table_hbm, xt_hbm, out_hbm, xrow_v, idx_v, ring, sem_g, sem_s):
        wid = lax.axis_index("s") * NC + lax.axis_index("c")
        c0 = wid * cpw
        gc0 = s0 + c0

        lo = jnp.minimum(gc0 // CPL, L - 3)
        pltpu.sync_copy(xt_hbm.at[pl.ds(lo * B, 3 * B)], xrow_v)

        vi = lax.iota(jnp.int32, 16)
        v0 = (B // 4) * (vi & 3) + (vi >> 2)

        def perm_body(j, _):
            gc = gc0 + j
            roff = (gc // CPL - lo) * B + (gc % CPL) * (CHUNK // 4)
            for t in range(CHUNK // 16):
                vals = plsc.load_gather(xrow_v, [v0 + (roff + 4 * t)])
                idx_v[j, pl.ds(t * 16, 16)] = vals
            return 0

        lax.fori_loop(0, cpw, perm_body, 0)

        def issue_gather(j):
            pltpu.async_copy(
                table_hbm.at[idx_v.at[j]], ring.at[j % NBUF], sem_g
            )

        def wait_gather():
            pltpu.make_async_copy(
                table_hbm.at[idx_v.at[0]], ring.at[0], sem_g
            ).wait()

        def issue_scatter(j):
            pltpu.async_copy(ring.at[j % NBUF], out_hbm.at[c0 + j], sem_s)

        def wait_scatter():
            pltpu.make_async_copy(ring.at[0], out_hbm.at[0], sem_s).wait()

        for j in range(PG + 1):
            issue_gather(j)

        def body(j, _):
            wait_gather()
            issue_scatter(j)

            @pl.when(j >= KS)
            def _():
                wait_scatter()

            @pl.when(j + PG + 1 < cpw)
            def _():
                issue_gather(j + PG + 1)

            return 0

        lax.fori_loop(0, cpw, body, 0)
        for _ in range(KS):
            wait_scatter()

    return embed


_embed_slices = [_make_embed(NCH_S, s * NCH_S) for s in range(S)]


def _transpose_block(flat_ref, out_ref):
    xt = flat_ref[...].T
    for h in range(4):
        out_ref[0, :, h * ROWS_PER_L:(h + 1) * ROWS_PER_L] = (
            xt[h * D:(h + 1) * D, :]
        )


def _transpose_block_acc(flat_ref, acc_ref, out_ref):
    del acc_ref
    _transpose_block(flat_ref, out_ref)


def _make_to_ldb(s):
    if s == 0:
        return pl.pallas_call(
            _transpose_block,
            grid=(LS,),
            in_specs=[pl.BlockSpec((ROWS_PER_L, 128), lambda l: (l, 0))],
            out_specs=pl.BlockSpec((1, D, B), lambda l: (l, 0, 0)),
            out_shape=jax.ShapeDtypeStruct((L, D, B), jnp.float32),
        )
    return pl.pallas_call(
        _transpose_block_acc,
        grid=(LS,),
        in_specs=[
            pl.BlockSpec((ROWS_PER_L, 128), lambda l: (l, 0)),
            pl.BlockSpec(memory_space=pl.ANY),
        ],
        out_specs=pl.BlockSpec((1, D, B), lambda l, _s=s: (_s * LS + l, 0, 0)),
        out_shape=jax.ShapeDtypeStruct((L, D, B), jnp.float32),
        input_output_aliases={1: 0},
    )


_to_ldb_slices = [_make_to_ldb(s) for s in range(S)]


def kernel(x, table):
    xt = jnp.transpose(x).reshape(L * B)
    ldb = None
    for s in range(S):
        g = _embed_slices[s](table, xt)
        flat = g.reshape(LS * ROWS_PER_L, 128)
        ldb = _to_ldb_slices[s](flat) if s == 0 else _to_ldb_slices[s](flat, ldb)
    return jnp.transpose(ldb, (0, 2, 1))

# --- scband reference (transcript-rebuilt; emitter-appended) ---
"""Pipeline reference for scband-embedding-block-63702954934591 (READ-ONLY COPY).

The authoritative reference and input builder live on the scoring server;
editing this copy changes nothing except your own understanding.
"""

import jax, jax.numpy as jnp
import numpy as np

VOCAB = 100000
EMBD_DIMS = 32
BATCH = 4096
HIST = 200

def setup_inputs(seed: int = 0) -> dict:
    key = jax.random.key(seed)
    k1, k2 = jax.random.split(key)
    # indices into the embedding table (table has VOCAB + 1 rows)
    x = jax.random.randint(k1, (BATCH, HIST), 0, VOCAB, dtype=jnp.int32)
    # learned embedding table, corresponds to embd_matrix copied into nn.Embedding
    table = jax.random.normal(k2, (VOCAB + 1, EMBD_DIMS), dtype=jnp.float32) * 0.02
    return {"x": x, "table": table}

def reference(x, table):
    # nn.Embedding lookup: gather rows of table
    embd = jnp.take(table, x, axis=0)            # [B, L, D]
    # .permute(1, 0, 2)
    return jnp.transpose(embd, (1, 0, 2))        # [L, B, D]

if __name__ == "__main__":
    import jax
    _d = setup_inputs()
    print(jax.jit(kernel)(*tuple(_d.values())))

</pallas_src>

<mosaic_0001>
#map = affine_map<(d0, d1) -> (0, 0)>
#map1 = affine_map<(d0, d1) -> (0)>
#map2 = affine_map<(d0, d1) -> (0, 0, 0)>
module attributes {stable_mosaic.version = 14 : i64} {
  func.func @embed(%arg0: i32, %arg1: i32, %arg2: memref<100001x32xf32, #tpu.memory_space<hbm>>, %arg3: memref<819200xi32, #tpu.memory_space<hbm>>, %arg4: memref<1600x128x32xf32, #tpu.memory_space<hbm>>, %arg5: memref<12288xi32, #tpu.memory_space<vmem>>, %arg6: memref<50x128xi32, #tpu.memory_space<vmem>>, %arg7: memref<5x128x32xf32, #tpu.memory_space<vmem>>, %arg8: memref<!tpu.dma_semaphore, #tpu.memory_space<semaphore_mem>>, %arg9: memref<!tpu.dma_semaphore, #tpu.memory_space<semaphore_mem>>) attributes {dimension_semantics = [#tpu.dimension_semantics<core_parallel>, #tpu.dimension_semantics<subcore_parallel>], iteration_bounds = array<i64: 2, 16>, scalar_prefetch = 0 : i64, scratch_operands = 5 : i64, tpu.core_type = #tpu.core_type<sc_vector_subcore>, window_params = [{transform_indices = #map}, {transform_indices = #map1}, {transform_indices = #map2}]} {
    %mul3A = arith.constant 2 : i32
    %mul3A_0 = arith.muli %arg1, %mul3A : i32
    %add3A = arith.addi %mul3A_0, %arg0 : i32
    %mul3A_1 = arith.constant 50 : i32
    %mul3A_2 = arith.muli %add3A, %mul3A_1 : i32
    %add3A_3 = arith.constant 0 : i32
    %add3A_4 = arith.addi %add3A_3, %mul3A_2 : i32
    %jit3A = arith.constant 32 : i32
    %div3A = arith.divsi %add3A_4, %jit3A : i32
    %sign3A = arith.constant 0 : i32
    %sign3A_5 = arith.cmpi sgt, %add3A_4, %sign3A : i32
    %sign3A_6 = arith.extui %sign3A_5 : i1 to i32
    %sign3A_7 = arith.constant 0 : i32
    %sign3A_8 = arith.cmpi slt, %add3A_4, %sign3A_7 : i32
    %sign3A_9 = arith.extui %sign3A_8 : i1 to i32
    %sign3A_10 = arith.subi %sign3A_6, %sign3A_9 : i32
    %sign3A_11 = arith.constant 0 : i32
    %sign3A_12 = arith.cmpi sgt, %jit3A, %sign3A_11 : i32
    %sign3A_13 = arith.extui %sign3A_12 : i1 to i32
    %sign3A_14 = arith.constant 0 : i32
    %sign3A_15 = arith.cmpi slt, %jit3A, %sign3A_14 : i32
    %sign3A_16 = arith.extui %sign3A_15 : i1 to i32
    %sign3A_17 = arith.subi %sign3A_13, %sign3A_16 : i32
    %ne3A = arith.cmpi ne, %sign3A_10, %sign3A_17 : i32
    %rem3A = arith.remsi %add3A_4, %jit3A : i32
    %ne3A_18 = arith.constant 0 : i32
    %ne3A_19 = arith.cmpi ne, %rem3A, %ne3A_18 : i32
    %and3A = arith.andi %ne3A, %ne3A_19 : i1
    %sub3A = arith.constant 1 : i32
    %sub3A_20 = arith.subi %div3A, %sub3A : i32
    %select_n3A = arith.select %and3A, %sub3A_20, %div3A : i32
    %min3A = arith.constant 197 : i32
    %min3A_21 = arith.minsi %select_n3A, %min3A : i32
    %mul3A_22 = arith.constant 4096 : i32
    %mul3A_23 = arith.muli %min3A_21, %mul3A_22 : i32
    "tpu.region"() ({
      %run_scoped3A = tpu.sem_alloc : memref<!tpu.dma_semaphore, #tpu.memory_space<semaphore_mem>>
      %dma_start3A_116 = tpu.memref_slice %arg3[%mul3A_23] : memref<819200xi32, #tpu.memory_space<hbm>> -> memref<12288xi32, #tpu.memory_space<hbm>>
      %dma_start3A_117 = tpu.memref_slice %arg3[%mul3A_23] : memref<819200xi32, #tpu.memory_space<hbm>> -> memref<12288xi32, #tpu.memory_space<hbm>>
      tpu.enqueue_dma source(%dma_start3A_117 : memref<12288xi32, #tpu.memory_space<hbm>>) target(%arg5 : memref<12288xi32, #tpu.memory_space<vmem>>) target_semaphore(%run_scoped3A : memref<!tpu.dma_semaphore, #tpu.memory_space<semaphore_mem>>)
      %dma_wait3A_118 = tpu.memref_slice %arg3[%mul3A_23] : memref<819200xi32, #tpu.memory_space<hbm>> -> memref<12288xi32, #tpu.memory_space<hbm>>
      %dma_wait3A_119 = tpu.memref_slice %arg3[%mul3A_23] : memref<819200xi32, #tpu.memory_space<hbm>> -> memref<12288xi32, #tpu.memory_space<hbm>>
      tpu.wait_dma2 semaphore(%run_scoped3A : memref<!tpu.dma_semaphore, #tpu.memory_space<semaphore_mem>>) src(%dma_wait3A_119 : memref<12288xi32, #tpu.memory_space<hbm>>) dst(%arg5 : memref<12288xi32, #tpu.memory_space<vmem>>)
      tpu.yield
    }) : () -> ()
    %iota3A = tpu.iota {dimensions = array<i32: 0>} : vector<16xi32>
    %and3A_24 = arith.constant 3 : i32
    %and3A_25 = vector.broadcast %and3A_24 : i32 to vector<16xi32>
    %and3A_26 = arith.andi %iota3A, %and3A_25 : vector<16xi32>
    %mul3A_27 = arith.constant 1024 : i32
    %mul3A_28 = vector.broadcast %mul3A_27 : i32 to vector<16xi32>
    %mul3A_29 = arith.muli %mul3A_28, %and3A_26 : vector<16xi32>
    %shift_right_arithmetic3A = arith.constant 2 : i32
    %shift_right_arithmetic3A_30 = vector.broadcast %shift_right_arithmetic3A : i32 to vector<16xi32>
    %shift_right_arithmetic3A_31 = arith.shrsi %iota3A, %shift_right_arithmetic3A_30 : vector<16xi32>
    %add3A_32 = arith.addi %mul3A_29, %shift_right_arithmetic3A_31 : vector<16xi32>
    %scan3A = arith.constant 0 : i32
    %scan3A_33 = arith.constant 0 : i32
    %scan3A_34 = arith.constant 50 : i32
    %scan3A_35 = arith.addi %scan3A_33, %scan3A_34 : i32
    %scan3A_36 = arith.constant 1 : i32
    %scan3A_37 = scf.for %scan3A_116 = %scan3A_33 to %scan3A_35 step %scan3A_36 iter_args(%scan3A_117 = %scan3A) -> (i32)  : i32 {
      %add3A_118 = arith.addi %add3A_4, %scan3A_116 : i32
      %jit3A_119 = arith.constant 32 : i32
      %div3A_120 = arith.divsi %add3A_118, %jit3A_119 : i32
      %sign3A_121 = arith.constant 0 : i32
      %sign3A_122 = arith.cmpi sgt, %add3A_118, %sign3A_121 : i32
      %sign3A_123 = arith.extui %sign3A_122 : i1 to i32
      %sign3A_124 = arith.constant 0 : i32
      %sign3A_125 = arith.cmpi slt, %add3A_118, %sign3A_124 : i32
      %sign3A_126 = arith.extui %sign3A_125 : i1 to i32
      %sign3A_127 = arith.subi %sign3A_123, %sign3A_126 : i32
      %sign3A_128 = arith.constant 0 : i32
      %sign3A_129 = arith.cmpi sgt, %jit3A_119, %sign3A_128 : i32
      %sign3A_130 = arith.extui %sign3A_129 : i1 to i32
      %sign3A_131 = arith.constant 0 : i32
      %sign3A_132 = arith.cmpi slt, %jit3A_119, %sign3A_131 : i32
      %sign3A_133 = arith.extui %sign3A_132 : i1 to i32
      %sign3A_134 = arith.subi %sign3A_130, %sign3A_133 : i32
      %ne3A_135 = arith.cmpi ne, %sign3A_127, %sign3A_134 : i32
      %rem3A_136 = arith.remsi %add3A_118, %jit3A_119 : i32
      %ne3A_137 = arith.constant 0 : i32
      %ne3A_138 = arith.cmpi ne, %rem3A_136, %ne3A_137 : i32
      %and3A_139 = arith.andi %ne3A_135, %ne3A_138 : i1
      %sub3A_140 = arith.constant 1 : i32
      %sub3A_141 = arith.subi %div3A_120, %sub3A_140 : i32
      %select_n3A_142 = arith.select %and3A_139, %sub3A_141, %div3A_120 : i32
      %sub3A_143 = arith.subi %select_n3A_142, %min3A_21 : i32
      %mul3A_144 = arith.constant 4096 : i32
      %mul3A_145 = arith.muli %sub3A_143, %mul3A_144 : i32
      %jit3A_146 = arith.constant 32 : i32
      %eq3A = arith.constant 0 : i32
      %eq3A_147 = arith.cmpi eq, %jit3A_146, %eq3A : i32
      %jit3A_148 = arith.constant 1 : i32
      %select_n3A_149 = arith.select %eq3A_147, %jit3A_148, %jit3A_146 : i32
      %rem3A_150 = arith.remsi %add3A_118, %select_n3A_149 : i32
      %ne3A_151 = arith.constant 0 : i32
      %ne3A_152 = arith.cmpi ne, %rem3A_150, %ne3A_151 : i32
      %lt3A = arith.constant 0 : i32
      %lt3A_153 = arith.cmpi slt, %rem3A_150, %lt3A : i32
      %lt3A_154 = arith.constant 0 : i32
      %lt3A_155 = arith.cmpi slt, %select_n3A_149, %lt3A_154 : i32
      %ne3A_156 = arith.xori %lt3A_153, %lt3A_155 : i1
      %and3A_157 = arith.andi %ne3A_156, %ne3A_152 : i1
      %add3A_158 = arith.addi %rem3A_150, %select_n3A_149 : i32
      %select_n3A_159 = arith.select %and3A_157, %add3A_158, %rem3A_150 : i32
      %mul3A_160 = arith.constant 32 : i32
      %mul3A_161 = arith.muli %select_n3A_159, %mul3A_160 : i32
      %add3A_162 = arith.addi %mul3A_145, %mul3A_161 : i32
      %add3A_163 = arith.constant 0 : i32
      %add3A_164 = arith.addi %add3A_162, %add3A_163 : i32
      %add3A_165 = vector.broadcast %add3A_164 : i32 to vector<16xi32>
      %add3A_166 = arith.addi %add3A_32, %add3A_165 : vector<16xi32>
      %gather3A = tpu.vector_load_idx %arg5[%add3A_166] : memref<12288xi32, #tpu.memory_space<vmem>>[vector<16xi32>], vector<16xi32>,
      %swap3A = arith.index_cast %scan3A_116 : i32 to index
      %swap3A_167 = arith.constant 0 : index
      %swap3A_168 = tpu.vector_load %arg6[%swap3A, %swap3A_167] {strides = array<i32>} : memref<50x128xi32, #tpu.memory_space<vmem>>, vector<16xi32>,
      tpu.vector_store %arg6[%swap3A, %swap3A_167], %gather3A {strides = array<i32>} : memref<50x128xi32, #tpu.memory_space<vmem>>, vector<16xi32>,
      %add3A_169 = arith.constant 4 : i32
      %add3A_170 = arith.addi %add3A_162, %add3A_169 : i32
      %add3A_171 = vector.broadcast %add3A_170 : i32 to vector<16xi32>
      %add3A_172 = arith.addi %add3A_32, %add3A_171 : vector<16xi32>
      %gather3A_173 = tpu.vector_load_idx %arg5[%add3A_172] : memref<12288xi32, #tpu.memory_space<vmem>>[vector<16xi32>], vector<16xi32>,
      %swap3A_174 = arith.index_cast %scan3A_116 : i32 to index
      %swap3A_175 = arith.constant 16 : index
      %swap3A_176 = tpu.vector_load %arg6[%swap3A_174, %swap3A_175] {strides = array<i32>} : memref<50x128xi32, #tpu.memory_space<vmem>>, vector<16xi32>,
      tpu.vector_store %arg6[%swap3A_174, %swap3A_175], %gather3A_173 {strides = array<i32>} : memref<50x128xi32, #tpu.memory_space<vmem>>, vector<16xi32>,
      %add3A_177 = arith.constant 8 : i32
      %add3A_178 = arith.addi %add3A_162, %add3A_177 : i32
      %add3A_179 = vector.broadcast %add3A_178 : i32 to vector<16xi32>
      %add3A_180 = arith.addi %add3A_32, %add3A_179 : vector<16xi32>
      %gather3A_181 = tpu.vector_load_idx %arg5[%add3A_180] : memref<12288xi32, #tpu.memory_space<vmem>>[vector<16xi32>], vector<16xi32>,
      %swap3A_182 = arith.index_cast %scan3A_116 : i32 to index
      %swap3A_183 = arith.constant 32 : index
      %swap3A_184 = tpu.vector_load %arg6[%swap3A_182, %swap3A_183] {strides = array<i32>} : memref<50x128xi32, #tpu.memory_space<vmem>>, vector<16xi32>,
      tpu.vector_store %arg6[%swap3A_182, %swap3A_183], %gather3A_181 {strides = array<i32>} : memref<50x128xi32, #tpu.memory_space<vmem>>, vector<16xi32>,
      %add3A_185 = arith.constant 12 : i32
      %add3A_186 = arith.addi %add3A_162, %add3A_185 : i32
      %add3A_187 = vector.broadcast %add3A_186 : i32 to vector<16xi32>
      %add3A_188 = arith.addi %add3A_32, %add3A_187 : vector<16xi32>
      %gather3A_189 = tpu.vector_load_idx %arg5[%add3A_188] : memref<12288xi32, #tpu.memory_space<vmem>>[vector<16xi32>], vector<16xi32>,
      %swap3A_190 = arith.index_cast %scan3A_116 : i32 to index
      %swap3A_191 = arith.constant 48 : index
      %swap3A_192 = tpu.vector_load %arg6[%swap3A_190, %swap3A_191] {strides = array<i32>} : memref<50x128xi32, #tpu.memory_space<vmem>>, vector<16xi32>,
      tpu.vector_store %arg6[%swap3A_190, %swap3A_191], %gather3A_189 {strides = array<i32>} : memref<50x128xi32, #tpu.memory_space<vmem>>, vector<16xi32>,
      %add3A_193 = arith.constant 16 : i32
      %add3A_194 = arith.addi %add3A_162, %add3A_193 : i32
      %add3A_195 = vector.broadcast %add3A_194 : i32 to vector<16xi32>
      %add3A_196 = arith.addi %add3A_32, %add3A_195 : vector<16xi32>
      %gather3A_197 = tpu.vector_load_idx %arg5[%add3A_196] : memref<12288xi32, #tpu.memory_space<vmem>>[vector<16xi32>], vector<16xi32>,
      %swap3A_198 = arith.index_cast %scan3A_116 : i32 to index
      %swap3A_199 = arith.constant 64 : index
      %swap3A_200 = tpu.vector_load %arg6[%swap3A_198, %swap3A_199] {strides = array<i32>} : memref<50x128xi32, #tpu.memory_space<vmem>>, vector<16xi32>,
      tpu.vector_store %arg6[%swap3A_198, %swap3A_199], %gather3A_197 {strides = array<i32>} : memref<50x128xi32, #tpu.memory_space<vmem>>, vector<16xi32>,
      %add3A_201 = arith.constant 20 : i32
      %add3A_202 = arith.addi %add3A_162, %add3A_201 : i32
      %add3A_203 = vector.broadcast %add3A_202 : i32 to vector<16xi32>
      %add3A_204 = arith.addi %add3A_32, %add3A_203 : vector<16xi32>
      %gather3A_205 = tpu.vector_load_idx %arg5[%add3A_204] : memref<12288xi32, #tpu.memory_space<vmem>>[vector<16xi32>], vector<16xi32>,
      %swap3A_206 = arith.index_cast %scan3A_116 : i32 to index
      %swap3A_207 = arith.constant 80 : index
      %swap3A_208 = tpu.vector_load %arg6[%swap3A_206, %swap3A_207] {strides = array<i32>} : memref<50x128xi32, #tpu.memory_space<vmem>>, vector<16xi32>,
      tpu.vector_store %arg6[%swap3A_206, %swap3A_207], %gather3A_205 {strides = array<i32>} : memref<50x128xi32, #tpu.memory_space<vmem>>, vector<16xi32>,
      %add3A_209 = arith.constant 24 : i32
      %add3A_210 = arith.addi %add3A_162, %add3A_209 : i32
      %add3A_211 = vector.broadcast %add3A_210 : i32 to vector<16xi32>
      %add3A_212 = arith.addi %add3A_32, %add3A_211 : vector<16xi32>
      %gather3A_213 = tpu.vector_load_idx %arg5[%add3A_212] : memref<12288xi32, #tpu.memory_space<vmem>>[vector<16xi32>], vector<16xi32>,
      %swap3A_214 = arith.index_cast %scan3A_116 : i32 to index
      %swap3A_215 = arith.constant 96 : index
      %swap3A_216 = tpu.vector_load %arg6[%swap3A_214, %swap3A_215] {strides = array<i32>} : memref<50x128xi32, #tpu.memory_space<vmem>>, vector<16xi32>,
      tpu.vector_store %arg6[%swap3A_214, %swap3A_215], %gather3A_213 {strides = array<i32>} : memref<50x128xi32, #tpu.memory_space<vmem>>, vector<16xi32>,
      %add3A_217 = arith.constant 28 : i32
      %add3A_218 = arith.addi %add3A_162, %add3A_217 : i32
      %add3A_219 = vector.broadcast %add3A_218 : i32 to vector<16xi32>
      %add3A_220 = arith.addi %add3A_32, %add3A_219 : vector<16xi32>
      %gather3A_221 = tpu.vector_load_idx %arg5[%add3A_220] : memref<12288xi32, #tpu.memory_space<vmem>>[vector<16xi32>], vector<16xi32>,
      %swap3A_222 = arith.index_cast %scan3A_116 : i32 to index
      %swap3A_223 = arith.constant 112 : index
      %swap3A_224 = tpu.vector_load %arg6[%swap3A_222, %swap3A_223] {strides = array<i32>} : memref<50x128xi32, #tpu.memory_space<vmem>>, vector<16xi32>,
      tpu.vector_store %arg6[%swap3A_222, %swap3A_223], %gather3A_221 {strides = array<i32>} : memref<50x128xi32, #tpu.memory_space<vmem>>, vector<16xi32>,
      %scan3A_225 = arith.constant 0 : i32
      scf.yield %scan3A_225 : i32
    }
    %scan3A_38 = arith.constant 50 : i32
    %dma_start3A = arith.constant 0 : i32
    %dma_start3A_39 = arith.constant 0 : i32
    %dma_start3A_40 = arith.constant 0 : i32
    %dma_start3A_41 = arith.constant 0 : i32
    %dma_start3A_42 = tpu.memref_slice %arg7[%dma_start3A_39, %dma_start3A_40, %dma_start3A_41] : memref<5x128x32xf32, #tpu.memory_space<vmem>> -> memref<1x128x32xf32, #tpu.memory_space<vmem>>
    %dma_start3A_43 = tpu.memref_squeeze %dma_start3A_42 : memref<1x128x32xf32, #tpu.memory_space<vmem>> -> memref<128x32xf32, #tpu.memory_space<vmem>>
    %dma_start3A_44 = arith.constant 0 : i32
    %dma_start3A_45 = tpu.memref_slice %arg6[%dma_start3A, %dma_start3A_44] : memref<50x128xi32, #tpu.memory_space<vmem>> -> memref<1x128xi32, #tpu.memory_space<vmem>>
    %dma_start3A_46 = tpu.memref_squeeze %dma_start3A_45 : memref<1x128xi32, #tpu.memory_space<vmem>> -> memref<128xi32, #tpu.memory_space<vmem>>
    %dma_start3A_47 = arith.constant 0 : i32
    %dma_start3A_48 = arith.constant 0 : i32
    %dma_start3A_49 = tpu.memref_slice %arg2[%dma_start3A_47, %dma_start3A_48] : memref<100001x32xf32, #tpu.memory_space<hbm>> -> memref<100001x32xf32, #tpu.memory_space<hbm>>
    tpu.enqueue_indirect_dma source(%dma_start3A_49 : memref<100001x32xf32, #tpu.memory_space<hbm>>) target(%dma_start3A_43 : memref<128x32xf32, #tpu.memory_space<vmem>>) offsets(%dma_start3A_46 : memref<128xi32, #tpu.memory_space<vmem>>) semaphore(%arg8 : memref<!tpu.dma_semaphore, #tpu.memory_space<semaphore_mem>>)
    %dma_start3A_50 = arith.constant 1 : i32
    %dma_start3A_51 = arith.constant 1 : i32
    %dma_start3A_52 = arith.constant 0 : i32
    %dma_start3A_53 = arith.constant 0 : i32
    %dma_start3A_54 = tpu.memref_slice %arg7[%dma_start3A_51, %dma_start3A_52, %dma_start3A_53] : memref<5x128x32xf32, #tpu.memory_space<vmem>> -> memref<1x128x32xf32, #tpu.memory_space<vmem>>
    %dma_start3A_55 = tpu.memref_squeeze %dma_start3A_54 : memref<1x128x32xf32, #tpu.memory_space<vmem>> -> memref<128x32xf32, #tpu.memory_space<vmem>>
    %dma_start3A_56 = arith.constant 0 : i32
    %dma_start3A_57 = tpu.memref_slice %arg6[%dma_start3A_50, %dma_start3A_56] : memref<50x128xi32, #tpu.memory_space<vmem>> -> memref<1x128xi32, #tpu.memory_space<vmem>>
    %dma_start3A_58 = tpu.memref_squeeze %dma_start3A_57 : memref<1x128xi32, #tpu.memory_space<vmem>> -> memref<128xi32, #tpu.memory_space<vmem>>
    %dma_start3A_59 = arith.constant 0 : i32
    %dma_start3A_60 = arith.constant 0 : i32
    %dma_start3A_61 = tpu.memref_slice %arg2[%dma_start3A_59, %dma_start3A_60] : memref<100001x32xf32, #tpu.memory_space<hbm>> -> memref<100001x32xf32, #tpu.memory_space<hbm>>
    tpu.enqueue_indirect_dma source(%dma_start3A_61 : memref<100001x32xf32, #tpu.memory_space<hbm>>) target(%dma_start3A_55 : memref<128x32xf32, #tpu.memory_space<vmem>>) offsets(%dma_start3A_58 : memref<128xi32, #tpu.memory_space<vmem>>) semaphore(%arg8 : memref<!tpu.dma_semaphore, #tpu.memory_space<semaphore_mem>>)
    %dma_start3A_62 = arith.constant 2 : i32
    %dma_start3A_63 = arith.constant 2 : i32
    %dma_start3A_64 = arith.constant 0 : i32
    %dma_start3A_65 = arith.constant 0 : i32
    %dma_start3A_66 = tpu.memref_slice %arg7[%dma_start3A_63, %dma_start3A_64, %dma_start3A_65] : memref<5x128x32xf32, #tpu.memory_space<vmem>> -> memref<1x128x32xf32, #tpu.memory_space<vmem>>
    %dma_start3A_67 = tpu.memref_squeeze %dma_start3A_66 : memref<1x128x32xf32, #tpu.memory_space<vmem>> -> memref<128x32xf32, #tpu.memory_space<vmem>>
    %dma_start3A_68 = arith.constant 0 : i32
    %dma_start3A_69 = tpu.memref_slice %arg6[%dma_start3A_62, %dma_start3A_68] : memref<50x128xi32, #tpu.memory_space<vmem>> -> memref<1x128xi32, #tpu.memory_space<vmem>>
    %dma_start3A_70 = tpu.memref_squeeze %dma_start3A_69 : memref<1x128xi32, #tpu.memory_space<vmem>> -> memref<128xi32, #tpu.memory_space<vmem>>
    %dma_start3A_71 = arith.constant 0 : i32
    %dma_start3A_72 = arith.constant 0 : i32
    %dma_start3A_73 = tpu.memref_slice %arg2[%dma_start3A_71, %dma_start3A_72] : memref<100001x32xf32, #tpu.memory_space<hbm>> -> memref<100001x32xf32, #tpu.memory_space<hbm>>
    tpu.enqueue_indirect_dma source(%dma_start3A_73 : memref<100001x32xf32, #tpu.memory_space<hbm>>) target(%dma_start3A_67 : memref<128x32xf32, #tpu.memory_space<vmem>>) offsets(%dma_start3A_70 : memref<128xi32, #tpu.memory_space<vmem>>) semaphore(%arg8 : memref<!tpu.dma_semaphore, #tpu.memory_space<semaphore_mem>>)
    %scan3A_74 = arith.constant 0 : i32
    %scan3A_75 = arith.constant 0 : i32
    %scan3A_76 = arith.constant 50 : i32
    %scan3A_77 = arith.addi %scan3A_75, %scan3A_76 : i32
    %scan3A_78 = arith.constant 1 : i32
    %scan3A_79 = scf.for %scan3A_116 = %scan3A_75 to %scan3A_77 step %scan3A_78 iter_args(%scan3A_117 = %scan3A_74) -> (i32)  : i32 {
      %dma_wait3A_118 = arith.constant 0 : i32
      %dma_wait3A_119 = arith.constant 0 : i32
      %dma_wait3A_120 = arith.constant 0 : i32
      %dma_wait3A_121 = arith.constant 0 : i32
      %dma_wait3A_122 = tpu.memref_slice %arg7[%dma_wait3A_119, %dma_wait3A_120, %dma_wait3A_121] : memref<5x128x32xf32, #tpu.memory_space<vmem>> -> memref<1x128x32xf32, #tpu.memory_space<vmem>>
      %dma_wait3A_123 = tpu.memref_squeeze %dma_wait3A_122 : memref<1x128x32xf32, #tpu.memory_space<vmem>> -> memref<128x32xf32, #tpu.memory_space<vmem>>
      %dma_wait3A_124 = arith.constant 0 : i32
      %dma_wait3A_125 = tpu.memref_slice %arg6[%dma_wait3A_118, %dma_wait3A_124] : memref<50x128xi32, #tpu.memory_space<vmem>> -> memref<1x128xi32, #tpu.memory_space<vmem>>
      %dma_wait3A_126 = tpu.memref_squeeze %dma_wait3A_125 : memref<1x128xi32, #tpu.memory_space<vmem>> -> memref<128xi32, #tpu.memory_space<vmem>>
      %dma_wait3A_127 = arith.constant 0 : i32
      %dma_wait3A_128 = arith.constant 0 : i32
      %dma_wait3A_129 = tpu.memref_slice %arg2[%dma_wait3A_127, %dma_wait3A_128] : memref<100001x32xf32, #tpu.memory_space<hbm>> -> memref<100001x32xf32, #tpu.memory_space<hbm>>
      tpu.wait_indirect_dma semaphore(%arg8 : memref<!tpu.dma_semaphore, #tpu.memory_space<semaphore_mem>>) src(%dma_wait3A_129 : memref<100001x32xf32, #tpu.memory_space<hbm>>) dst(%dma_wait3A_123 : memref<128x32xf32, #tpu.memory_space<vmem>>)
      %jit3A_130 = arith.constant 5 : i32
      %eq3A = arith.constant 0 : i32
      %eq3A_131 = arith.cmpi eq, %jit3A_130, %eq3A : i32
      %jit3A_132 = arith.constant 1 : i32
      %select_n3A_133 = arith.select %eq3A_131, %jit3A_132, %jit3A_130 : i32
      %rem3A_134 = arith.remsi %scan3A_116, %select_n3A_133 : i32
      %ne3A_135 = arith.constant 0 : i32
      %ne3A_136 = arith.cmpi ne, %rem3A_134, %ne3A_135 : i32
      %lt3A = arith.constant 0 : i32
      %lt3A_137 = arith.cmpi slt, %rem3A_134, %lt3A : i32
      %lt3A_138 = arith.constant 0 : i32
      %lt3A_139 = arith.cmpi slt, %select_n3A_133, %lt3A_138 : i32
      %ne3A_140 = arith.xori %lt3A_137, %lt3A_139 : i1
      %and3A_141 = arith.andi %ne3A_140, %ne3A_136 : i1
      %add3A_142 = arith.addi %rem3A_134, %select_n3A_133 : i32
      %select_n3A_143 = arith.select %and3A_141, %add3A_142, %rem3A_134 : i32
      %add3A_144 = arith.addi %mul3A_2, %scan3A_116 : i32
      %dma_start3A_145 = arith.constant 0 : i32
      %dma_start3A_146 = arith.constant 0 : i32
      %dma_start3A_147 = tpu.memref_slice %arg7[%select_n3A_143, %dma_start3A_145, %dma_start3A_146] : memref<5x128x32xf32, #tpu.memory_space<vmem>> -> memref<1x128x32xf32, #tpu.memory_space<vmem>>
      %dma_start3A_148 = tpu.memref_squeeze %dma_start3A_147 : memref<1x128x32xf32, #tpu.memory_space<vmem>> -> memref<128x32xf32, #tpu.memory_space<vmem>>
      %dma_start3A_149 = arith.constant 0 : i32
      %dma_start3A_150 = arith.constant 0 : i32
      %dma_start3A_151 = tpu.memref_slice %arg4[%add3A_144, %dma_start3A_149, %dma_start3A_150] : memref<1600x128x32xf32, #tpu.memory_space<hbm>> -> memref<1x128x32xf32, #tpu.memory_space<hbm>>
      %dma_start3A_152 = tpu.memref_squeeze %dma_start3A_151 : memref<1x128x32xf32, #tpu.memory_space<hbm>> -> memref<128x32xf32, #tpu.memory_space<hbm>>
      %dma_start3A_153 = arith.constant 0 : i32
      %dma_start3A_154 = arith.constant 0 : i32
      %dma_start3A_155 = tpu.memref_slice %arg4[%add3A_144, %dma_start3A_153, %dma_start3A_154] : memref<1600x128x32xf32, #tpu.memory_space<hbm>> -> memref<1x128x32xf32, #tpu.memory_space<hbm>>
      %dma_start3A_156 = tpu.memref_squeeze %dma_start3A_155 : memref<1x128x32xf32, #tpu.memory_space<hbm>> -> memref<128x32xf32, #tpu.memory_space<hbm>>
      %dma_start3A_157 = arith.constant 0 : i32
      %dma_start3A_158 = arith.constant 0 : i32
      %dma_start3A_159 = tpu.memref_slice %arg7[%select_n3A_143, %dma_start3A_157, %dma_start3A_158] : memref<5x128x32xf32, #tpu.memory_space<vmem>> -> memref<1x128x32xf32, #tpu.memory_space<vmem>>
      %dma_start3A_160 = tpu.memref_squeeze %dma_start3A_159 : memref<1x128x32xf32, #tpu.memory_space<vmem>> -> memref<128x32xf32, #tpu.memory_space<vmem>>
      tpu.enqueue_dma source(%dma_start3A_160 : memref<128x32xf32, #tpu.memory_space<vmem>>) target(%dma_start3A_156 : memref<128x32xf32, #tpu.memory_space<hbm>>) target_semaphore(%arg9 : memref<!tpu.dma_semaphore, #tpu.memory_space<semaphore_mem>>)
      %ge3A = arith.constant 2 : i32
      %ge3A_161 = arith.cmpi sge, %scan3A_116, %ge3A : i32
      %convert_element_type3A = arith.extui %ge3A_161 : i1 to i32
      %cond3A = arith.constant 0 : i32
      %cond3A_162 = arith.cmpi ne, %convert_element_type3A, %cond3A : i32
      scf.if %cond3A_162 {
        %dma_wait3A_173 = arith.constant 0 : i32
        %dma_wait3A_174 = arith.constant 0 : i32
        %dma_wait3A_175 = arith.constant 0 : i32
        %dma_wait3A_176 = arith.constant 0 : i32
        %dma_wait3A_177 = tpu.memref_slice %arg7[%dma_wait3A_173, %dma_wait3A_175, %dma_wait3A_176] : memref<5x128x32xf32, #tpu.memory_space<vmem>> -> memref<1x128x32xf32, #tpu.memory_space<vmem>>
        %dma_wait3A_178 = tpu.memref_squeeze %dma_wait3A_177 : memref<1x128x32xf32, #tpu.memory_space<vmem>> -> memref<128x32xf32, #tpu.memory_space<vmem>>
        %dma_wait3A_179 = arith.constant 0 : i32
        %dma_wait3A_180 = arith.constant 0 : i32
        %dma_wait3A_181 = tpu.memref_slice %arg4[%dma_wait3A_174, %dma_wait3A_179, %dma_wait3A_180] : memref<1600x128x32xf32, #tpu.memory_space<hbm>> -> memref<1x128x32xf32, #tpu.memory_space<hbm>>
        %dma_wait3A_182 = tpu.memref_squeeze %dma_wait3A_181 : memref<1x128x32xf32, #tpu.memory_space<hbm>> -> memref<128x32xf32, #tpu.memory_space<hbm>>
        %dma_wait3A_183 = arith.constant 0 : i32
        %dma_wait3A_184 = arith.constant 0 : i32
        %dma_wait3A_185 = tpu.memref_slice %arg4[%dma_wait3A_174, %dma_wait3A_183, %dma_wait3A_184] : memref<1600x128x32xf32, #tpu.memory_space<hbm>> -> memref<1x128x32xf32, #tpu.memory_space<hbm>>
        %dma_wait3A_186 = tpu.memref_squeeze %dma_wait3A_185 : memref<1x128x32xf32, #tpu.memory_space<hbm>> -> memref<128x32xf32, #tpu.memory_space<hbm>>
        %dma_wait3A_187 = arith.constant 0 : i32
        %dma_wait3A_188 = arith.constant 0 : i32
        %dma_wait3A_189 = tpu.memref_slice %arg7[%dma_wait3A_173, %dma_wait3A_187, %dma_wait3A_188] : memref<5x128x32xf32, #tpu.memory_space<vmem>> -> memref<1x128x32xf32, #tpu.memory_space<vmem>>
        %dma_wait3A_190 = tpu.memref_squeeze %dma_wait3A_189 : memref<1x128x32xf32, #tpu.memory_space<vmem>> -> memref<128x32xf32, #tpu.memory_space<vmem>>
        tpu.wait_dma2 semaphore(%arg9 : memref<!tpu.dma_semaphore, #tpu.memory_space<semaphore_mem>>) src(%dma_wait3A_190 : memref<128x32xf32, #tpu.memory_space<vmem>>) dst(%dma_wait3A_186 : memref<128x32xf32, #tpu.memory_space<hbm>>)
      } else {
      }
      %add3A_163 = arith.constant 2 : i32
      %add3A_164 = arith.addi %scan3A_116, %add3A_163 : i32
      %add3A_165 = arith.constant 1 : i32
      %add3A_166 = arith.addi %add3A_164, %add3A_165 : i32
      %lt3A_167 = arith.constant 50 : i32
      %lt3A_168 = arith.cmpi slt, %add3A_166, %lt3A_167 : i32
      %convert_element_type3A_169 = arith.extui %lt3A_168 : i1 to i32
      %cond3A_170 = arith.constant 0 : i32
      %cond3A_171 = arith.cmpi ne, %convert_element_type3A_169, %cond3A_170 : i32
      scf.if %cond3A_171 {
        %add3A_173 = arith.constant 2 : i32
        %add3A_174 = arith.addi %scan3A_116, %add3A_173 : i32
        %add3A_175 = arith.constant 1 : i32
        %add3A_176 = arith.addi %add3A_174, %add3A_175 : i32
        %jit3A_177 = arith.constant 5 : i32
        %eq3A_178 = arith.constant 0 : i32
        %eq3A_179 = arith.cmpi eq, %jit3A_177, %eq3A_178 : i32
        %jit3A_180 = arith.constant 1 : i32
        %select_n3A_181 = arith.select %eq3A_179, %jit3A_180, %jit3A_177 : i32
        %rem3A_182 = arith.remsi %add3A_176, %select_n3A_181 : i32
        %ne3A_183 = arith.constant 0 : i32
        %ne3A_184 = arith.cmpi ne, %rem3A_182, %ne3A_183 : i32
        %lt3A_185 = arith.constant 0 : i32
        %lt3A_186 = arith.cmpi slt, %rem3A_182, %lt3A_185 : i32
        %lt3A_187 = arith.constant 0 : i32
        %lt3A_188 = arith.cmpi slt, %select_n3A_181, %lt3A_187 : i32
        %ne3A_189 = arith.xori %lt3A_186, %lt3A_188 : i1
        %and3A_190 = arith.andi %ne3A_189, %ne3A_184 : i1
        %add3A_191 = arith.addi %rem3A_182, %select_n3A_181 : i32
        %select_n3A_192 = arith.select %and3A_190, %add3A_191, %rem3A_182 : i32
        %dma_start3A_193 = arith.constant 0 : i32
        %dma_start3A_194 = arith.constant 0 : i32
        %dma_start3A_195 = tpu.memref_slice %arg7[%select_n3A_192, %dma_start3A_193, %dma_start3A_194] : memref<5x128x32xf32, #tpu.memory_space<vmem>> -> memref<1x128x32xf32, #tpu.memory_space<vmem>>
        %dma_start3A_196 = tpu.memref_squeeze %dma_start3A_195 : memref<1x128x32xf32, #tpu.memory_space<vmem>> -> memref<128x32xf32, #tpu.memory_space<vmem>>
        %dma_start3A_197 = arith.constant 0 : i32
        %dma_start3A_198 = tpu.memref_slice %arg6[%add3A_176, %dma_start3A_197] : memref<50x128xi32, #tpu.memory_space<vmem>> -> memref<1x128xi32, #tpu.memory_space<vmem>>
        %dma_start3A_199 = tpu.memref_squeeze %dma_start3A_198 : memref<1x128xi32, #tpu.memory_space<vmem>> -> memref<128xi32, #tpu.memory_space<vmem>>
        %dma_start3A_200 = arith.constant 0 : i32
        %dma_start3A_201 = arith.constant 0 : i32
        %dma_start3A_202 = tpu.memref_slice %arg2[%dma_start3A_200, %dma_start3A_201] : memref<100001x32xf32, #tpu.memory_space<hbm>> -> memref<100001x32xf32, #tpu.memory_space<hbm>>
        tpu.enqueue_indirect_dma source(%dma_start3A_202 : memref<100001x32xf32, #tpu.memory_space<hbm>>) target(%dma_start3A_196 : memref<128x32xf32, #tpu.memory_space<vmem>>) offsets(%dma_start3A_199 : memref<128xi32, #tpu.memory_space<vmem>>) semaphore(%arg8 : memref<!tpu.dma_semaphore, #tpu.memory_space<semaphore_mem>>)
      } else {
      }
      %scan3A_172 = arith.constant 0 : i32
      scf.yield %scan3A_172 : i32
    }
    %scan3A_80 = arith.constant 50 : i32
    %dma_wait3A = arith.constant 0 : i32
    %dma_wait3A_81 = arith.constant 0 : i32
    %dma_wait3A_82 = arith.constant 0 : i32
    %dma_wait3A_83 = arith.constant 0 : i32
    %dma_wait3A_84 = tpu.memref_slice %arg7[%dma_wait3A, %dma_wait3A_82, %dma_wait3A_83] : memref<5x128x32xf32, #tpu.memory_space<vmem>> -> memref<1x128x32xf32, #tpu.memory_space<vmem>>
    %dma_wait3A_85 = tpu.memref_squeeze %dma_wait3A_84 : memref<1x128x32xf32, #tpu.memory_space<vmem>> -> memref<128x32xf32, #tpu.memory_space<vmem>>
    %dma_wait3A_86 = arith.constant 0 : i32
    %dma_wait3A_87 = arith.constant 0 : i32
    %dma_wait3A_88 = tpu.memref_slice %arg4[%dma_wait3A_81, %dma_wait3A_86, %dma_wait3A_87] : memref<1600x128x32xf32, #tpu.memory_space<hbm>> -> memref<1x128x32xf32, #tpu.memory_space<hbm>>
    %dma_wait3A_89 = tpu.memref_squeeze %dma_wait3A_88 : memref<1x128x32xf32, #tpu.memory_space<hbm>> -> memref<128x32xf32, #tpu.memory_space<hbm>>
    %dma_wait3A_90 = arith.constant 0 : i32
    %dma_wait3A_91 = arith.constant 0 : i32
    %dma_wait3A_92 = tpu.memref_slice %arg4[%dma_wait3A_81, %dma_wait3A_90, %dma_wait3A_91] : memref<1600x128x32xf32, #tpu.memory_space<hbm>> -> memref<1x128x32xf32, #tpu.memory_space<hbm>>
    %dma_wait3A_93 = tpu.memref_squeeze %dma_wait3A_92 : memref<1x128x32xf32, #tpu.memory_space<hbm>> -> memref<128x32xf32, #tpu.memory_space<hbm>>
    %dma_wait3A_94 = arith.constant 0 : i32
    %dma_wait3A_95 = arith.constant 0 : i32
    %dma_wait3A_96 = tpu.memref_slice %arg7[%dma_wait3A, %dma_wait3A_94, %dma_wait3A_95] : memref<5x128x32xf32, #tpu.memory_space<vmem>> -> memref<1x128x32xf32, #tpu.memory_space<vmem>>
    %dma_wait3A_97 = tpu.memref_squeeze %dma_wait3A_96 : memref<1x128x32xf32, #tpu.memory_space<vmem>> -> memref<128x32xf32, #tpu.memory_space<vmem>>
    tpu.wait_dma2 semaphore(%arg9 : memref<!tpu.dma_semaphore, #tpu.memory_space<semaphore_mem>>) src(%dma_wait3A_97 : memref<128x32xf32, #tpu.memory_space<vmem>>) dst(%dma_wait3A_93 : memref<128x32xf32, #tpu.memory_space<hbm>>)
    %dma_wait3A_98 = arith.constant 0 : i32
    %dma_wait3A_99 = arith.constant 0 : i32
    %dma_wait3A_100 = arith.constant 0 : i32
    %dma_wait3A_101 = arith.constant 0 : i32
    %dma_wait3A_102 = tpu.memref_slice %arg7[%dma_wait3A_98, %dma_wait3A_100, %dma_wait3A_101] : memref<5x128x32xf32, #tpu.memory_space<vmem>> -> memref<1x128x32xf32, #tpu.memory_space<vmem>>
    %dma_wait3A_103 = tpu.memref_squeeze %dma_wait3A_102 : memref<1x128x32xf32, #tpu.memory_space<vmem>> -> memref<128x32xf32, #tpu.memory_space<vmem>>
    %dma_wait3A_104 = arith.constant 0 : i32
    %dma_wait3A_105 = arith.constant 0 : i32
    %dma_wait3A_106 = tpu.memref_slice %arg4[%dma_wait3A_99, %dma_wait3A_104, %dma_wait3A_105] : memref<1600x128x32xf32, #tpu.memory_space<hbm>> -> memref<1x128x32xf32, #tpu.memory_space<hbm>>
    %dma_wait3A_107 = tpu.memref_squeeze %dma_wait3A_106 : memref<1x128x32xf32, #tpu.memory_space<hbm>> -> memref<128x32xf32, #tpu.memory_space<hbm>>
    %dma_wait3A_108 = arith.constant 0 : i32
    %dma_wait3A_109 = arith.constant 0 : i32
    %dma_wait3A_110 = tpu.memref_slice %arg4[%dma_wait3A_99, %dma_wait3A_108, %dma_wait3A_109] : memref<1600x128x32xf32, #tpu.memory_space<hbm>> -> memref<1x128x32xf32, #tpu.memory_space<hbm>>
    %dma_wait3A_111 = tpu.memref_squeeze %dma_wait3A_110 : memref<1x128x32xf32, #tpu.memory_space<hbm>> -> memref<128x32xf32, #tpu.memory_space<hbm>>
    %dma_wait3A_112 = arith.constant 0 : i32
    %dma_wait3A_113 = arith.constant 0 : i32
    %dma_wait3A_114 = tpu.memref_slice %arg7[%dma_wait3A_98, %dma_wait3A_112, %dma_wait3A_113] : memref<5x128x32xf32, #tpu.memory_space<vmem>> -> memref<1x128x32xf32, #tpu.memory_space<vmem>>
    %dma_wait3A_115 = tpu.memref_squeeze %dma_wait3A_114 : memref<1x128x32xf32, #tpu.memory_space<vmem>> -> memref<128x32xf32, #tpu.memory_space<vmem>>
    tpu.wait_dma2 semaphore(%arg9 : memref<!tpu.dma_semaphore, #tpu.memory_space<semaphore_mem>>) src(%dma_wait3A_115 : memref<128x32xf32, #tpu.memory_space<vmem>>) dst(%dma_wait3A_111 : memref<128x32xf32, #tpu.memory_space<hbm>>)
    return
  }
}

#map = affine_map<(d0, d1) -> (0, 0)>
#map1 = affine_map<(d0, d1) -> (0)>
#map2 = affine_map<(d0, d1) -> (0, 0, 0)>
module attributes {stable_mosaic.version = 14 : i64} {
  func.func @embed(%arg0: i32, %arg1: i32, %arg2: memref<100001x32xf32, #tpu.memory_space<hbm>>, %arg3: memref<819200xi32, #tpu.memory_space<hbm>>, %arg4: memref<1600x128x32xf32, #tpu.memory_space<hbm>>, %arg5: memref<12288xi32, #tpu.memory_space<vmem>>, %arg6: memref<50x128xi32, #tpu.memory_space<vmem>>, %arg7: memref<5x128x32xf32, #tpu.memory_space<vmem>>, %arg8: memref<!tpu.dma_semaphore, #tpu.memory_space<semaphore_mem>>, %arg9: memref<!tpu.dma_semaphore, #tpu.memory_space<semaphore_mem>>) attributes {dimension_semantics = [#tpu.dimension_semantics<core_parallel>, #tpu.dimension_semantics<subcore_parallel>], iteration_bounds = array<i64: 2, 16>, scalar_prefetch = 0 : i64, scratch_operands = 5 : i64, tpu.core_type = #tpu.core_type<sc_vector_subcore>, window_params = [{transform_indices = #map}, {transform_indices = #map1}, {transform_indices = #map2}]} {
    %mul3A = arith.constant 2 : i32
    %mul3A_0 = arith.muli %arg1, %mul3A : i32
    %add3A = arith.addi %mul3A_0, %arg0 : i32
    %mul3A_1 = arith.constant 50 : i32
    %mul3A_2 = arith.muli %add3A, %mul3A_1 : i32
    %add3A_3 = arith.constant 3200 : i32
    %add3A_4 = arith.addi %add3A_3, %mul3A_2 : i32
    %jit3A = arith.constant 32 : i32
    %div3A = arith.divsi %add3A_4, %jit3A : i32
    %sign3A = arith.constant 0 : i32
    %sign3A_5 = arith.cmpi sgt, %add3A_4, %sign3A : i32
    %sign3A_6 = arith.extui %sign3A_5 : i1 to i32
    %sign3A_7 = arith.constant 0 : i32
    %sign3A_8 = arith.cmpi slt, %add3A_4, %sign3A_7 : i32
    %sign3A_9 = arith.extui %sign3A_8 : i1 to i32
    %sign3A_10 = arith.subi %sign3A_6, %sign3A_9 : i32
    %sign3A_11 = arith.constant 0 : i32
    %sign3A_12 = arith.cmpi sgt, %jit3A, %sign3A_11 : i32
    %sign3A_13 = arith.extui %sign3A_12 : i1 to i32
    %sign3A_14 = arith.constant 0 : i32
    %sign3A_15 = arith.cmpi slt, %jit3A, %sign3A_14 : i32
    %sign3A_16 = arith.extui %sign3A_15 : i1 to i32
    %sign3A_17 = arith.subi %sign3A_13, %sign3A_16 : i32
    %ne3A = arith.cmpi ne, %sign3A_10, %sign3A_17 : i32
    %rem3A = arith.remsi %add3A_4, %jit3A : i32
    %ne3A_18 = arith.constant 0 : i32
    %ne3A_19 = arith.cmpi ne, %rem3A, %ne3A_18 : i32
    %and3A = arith.andi %ne3A, %ne3A_19 : i1
    %sub3A = arith.constant 1 : i32
    %sub3A_20 = arith.subi %div3A, %sub3A : i32
    %select_n3A = arith.select %and3A, %sub3A_20, %div3A : i32
    %min3A = arith.constant 197 : i32
    %min3A_21 = arith.minsi %select_n3A, %min3A : i32
    %mul3A_22 = arith.constant 4096 : i32
    %mul3A_23 = arith.muli %min3A_21, %mul3A_22 : i32
    "tpu.region"() ({
      %run_scoped3A = tpu.sem_alloc : memref<!tpu.dma_semaphore, #tpu.memory_space<semaphore_mem>>
      %dma_start3A_116 = tpu.memref_slice %arg3[%mul3A_23] : memref<819200xi32, #tpu.memory_space<hbm>> -> memref<12288xi32, #tpu.memory_space<hbm>>
      %dma_start3A_117 = tpu.memref_slice %arg3[%mul3A_23] : memref<819200xi32, #tpu.memory_space<hbm>> -> memref<12288xi32, #tpu.memory_space<hbm>>
      tpu.enqueue_dma source(%dma_start3A_117 : memref<12288xi32, #tpu.memory_space<hbm>>) target(%arg5 : memref<12288xi32, #tpu.memory_space<vmem>>) target_semaphore(%run_scoped3A : memref<!tpu.dma_semaphore, #tpu.memory_space<semaphore_mem>>)
      %dma_wait3A_118 = tpu.memref_slice %arg3[%mul3A_23] : memref<819200xi32, #tpu.memory_space<hbm>> -> memref<12288xi32, #tpu.memory_space<hbm>>
      %dma_wait3A_119 = tpu.memref_slice %arg3[%mul3A_23] : memref<819200xi32, #tpu.memory_space<hbm>> -> memref<12288xi32, #tpu.memory_space<hbm>>
      tpu.wait_dma2 semaphore(%run_scoped3A : memref<!tpu.dma_semaphore, #tpu.memory_space<semaphore_mem>>) src(%dma_wait3A_119 : memref<12288xi32, #tpu.memory_space<hbm>>) dst(%arg5 : memref<12288xi32, #tpu.memory_space<vmem>>)
      tpu.yield
    }) : () -> ()
    %iota3A = tpu.iota {dimensions = array<i32: 0>} : vector<16xi32>
    %and3A_24 = arith.constant 3 : i32
    %and3A_25 = vector.broadcast %and3A_24 : i32 to vector<16xi32>
    %and3A_26 = arith.andi %iota3A, %and3A_25 : vector<16xi32>
    %mul3A_27 = arith.constant 1024 : i32
    %mul3A_28 = vector.broadcast %mul3A_27 : i32 to vector<16xi32>
    %mul3A_29 = arith.muli %mul3A_28, %and3A_26 : vector<16xi32>
    %shift_right_arithmetic3A = arith.constant 2 : i32
    %shift_right_arithmetic3A_30 = vector.broadcast %shift_right_arithmetic3A : i32 to vector<16xi32>
    %shift_right_arithmetic3A_31 = arith.shrsi %iota3A, %shift_right_arithmetic3A_30 : vector<16xi32>
    %add3A_32 = arith.addi %mul3A_29, %shift_right_arithmetic3A_31 : vector<16xi32>
    %scan3A = arith.constant 0 : i32
    %scan3A_33 = arith.constant 0 : i32
    %scan3A_34 = arith.constant 50 : i32
    %scan3A_35 = arith.addi %scan3A_33, %scan3A_34 : i32
    %scan3A_36 = arith.constant 1 : i32
    %scan3A_37 = scf.for %scan3A_116 = %scan3A_33 to %scan3A_35 step %scan3A_36 iter_args(%scan3A_117 = %scan3A) -> (i32)  : i32 {
      %add3A_118 = arith.addi %add3A_4, %scan3A_116 : i32
      %jit3A_119 = arith.constant 32 : i32
      %div3A_120 = arith.divsi %add3A_118, %jit3A_119 : i32
      %sign3A_121 = arith.constant 0 : i32
      %sign3A_122 = arith.cmpi sgt, %add3A_118, %sign3A_121 : i32
      %sign3A_123 = arith.extui %sign3A_122 : i1 to i32
      %sign3A_124 = arith.constant 0 : i32
      %sign3A_125 = arith.cmpi slt, %add3A_118, %sign3A_124 : i32
      %sign3A_126 = arith.extui %sign3A_125 : i1 to i32
      %sign3A_127 = arith.subi %sign3A_123, %sign3A_126 : i32
      %sign3A_128 = arith.constant 0 : i32
      %sign3A_129 = arith.cmpi sgt, %jit3A_119, %sign3A_128 : i32
      %sign3A_130 = arith.extui %sign3A_129 : i1 to i32
      %sign3A_131 = arith.constant 0 : i32
      %sign3A_132 = arith.cmpi slt, %jit3A_119, %sign3A_131 : i32
      %sign3A_133 = arith.extui %sign3A_132 : i1 to i32
      %sign3A_134 = arith.subi %sign3A_130, %sign3A_133 : i32
      %ne3A_135 = arith.cmpi ne, %sign3A_127, %sign3A_134 : i32
      %rem3A_136 = arith.remsi %add3A_118, %jit3A_119 : i32
      %ne3A_137 = arith.constant 0 : i32
      %ne3A_138 = arith.cmpi ne, %rem3A_136, %ne3A_137 : i32
      %and3A_139 = arith.andi %ne3A_135, %ne3A_138 : i1
      %sub3A_140 = arith.constant 1 : i32
      %sub3A_141 = arith.subi %div3A_120, %sub3A_140 : i32
      %select_n3A_142 = arith.select %and3A_139, %sub3A_141, %div3A_120 : i32
      %sub3A_143 = arith.subi %select_n3A_142, %min3A_21 : i32
      %mul3A_144 = arith.constant 4096 : i32
      %mul3A_145 = arith.muli %sub3A_143, %mul3A_144 : i32
      %jit3A_146 = arith.constant 32 : i32
      %eq3A = arith.constant 0 : i32
      %eq3A_147 = arith.cmpi eq, %jit3A_146, %eq3A : i32
      %jit3A_148 = arith.constant 1 : i32
      %select_n3A_149 = arith.select %eq3A_147, %jit3A_148, %jit3A_146 : i32
      %rem3A_150 = arith.remsi %add3A_118, %select_n3A_149 : i32
      %ne3A_151 = arith.constant 0 : i32
      %ne3A_152 = arith.cmpi ne, %rem3A_150, %ne3A_151 : i32
      %lt3A = arith.constant 0 : i32
      %lt3A_153 = arith.cmpi slt, %rem3A_150, %lt3A : i32
      %lt3A_154 = arith.constant 0 : i32
      %lt3A_155 = arith.cmpi slt, %select_n3A_149, %lt3A_154 : i32
      %ne3A_156 = arith.xori %lt3A_153, %lt3A_155 : i1
      %and3A_157 = arith.andi %ne3A_156, %ne3A_152 : i1
      %add3A_158 = arith.addi %rem3A_150, %select_n3A_149 : i32
      %select_n3A_159 = arith.select %and3A_157, %add3A_158, %rem3A_150 : i32
      %mul3A_160 = arith.constant 32 : i32
      %mul3A_161 = arith.muli %select_n3A_159, %mul3A_160 : i32
      %add3A_162 = arith.addi %mul3A_145, %mul3A_161 : i32
      %add3A_163 = arith.constant 0 : i32
      %add3A_164 = arith.addi %add3A_162, %add3A_163 : i32
      %add3A_165 = vector.broadcast %add3A_164 : i32 to vector<16xi32>
      %add3A_166 = arith.addi %add3A_32, %add3A_165 : vector<16xi32>
      %gather3A = tpu.vector_load_idx %arg5[%add3A_166] : memref<12288xi32, #tpu.memory_space<vmem>>[vector<16xi32>], vector<16xi32>,
      %swap3A = arith.index_cast %scan3A_116 : i32 to index
      %swap3A_167 = arith.constant 0 : index
      %swap3A_168 = tpu.vector_load %arg6[%swap3A, %swap3A_167] {strides = array<i32>} : memref<50x128xi32, #tpu.memory_space<vmem>>, vector<16xi32>,
      tpu.vector_store %arg6[%swap3A, %swap3A_167], %gather3A {strides = array<i32>} : memref<50x128xi32, #tpu.memory_space<vmem>>, vector<16xi32>,
      %add3A_169 = arith.constant 4 : i32
      %add3A_170 = arith.addi %add3A_162, %add3A_169 : i32
      %add3A_171 = vector.broadcast %add3A_170 : i32 to vector<16xi32>
      %add3A_172 = arith.addi %add3A_32, %add3A_171 : vector<16xi32>
      %gather3A_173 = tpu.vector_load_idx %arg5[%add3A_172] : memref<12288xi32, #tpu.memory_space<vmem>>[vector<16xi32>], vector<16xi32>,
      %swap3A_174 = arith.index_cast %scan3A_116 : i32 to index
      %swap3A_175 = arith.constant 16 : index
      %swap3A_176 = tpu.vector_load %arg6[%swap3A_174, %swap3A_175] {strides = array<i32>} : memref<50x128xi32, #tpu.memory_space<vmem>>, vector<16xi32>,
      tpu.vector_store %arg6[%swap3A_174, %swap3A_175], %gather3A_173 {strides = array<i32>} : memref<50x128xi32, #tpu.memory_space<vmem>>, vector<16xi32>,
      %add3A_177 = arith.constant 8 : i32
      %add3A_178 = arith.addi %add3A_162, %add3A_177 : i32
      %add3A_179 = vector.broadcast %add3A_178 : i32 to vector<16xi32>
      %add3A_180 = arith.addi %add3A_32, %add3A_179 : vector<16xi32>
      %gather3A_181 = tpu.vector_load_idx %arg5[%add3A_180] : memref<12288xi32, #tpu.memory_space<vmem>>[vector<16xi32>], vector<16xi32>,
      %swap3A_182 = arith.index_cast %scan3A_116 : i32 to index
      %swap3A_183 = arith.constant 32 : index
      %swap3A_184 = tpu.vector_load %arg6[%swap3A_182, %swap3A_183] {strides = array<i32>} : memref<50x128xi32, #tpu.memory_space<vmem>>, vector<16xi32>,
      tpu.vector_store %arg6[%swap3A_182, %swap3A_183], %gather3A_181 {strides = array<i32>} : memref<50x128xi32, #tpu.memory_space<vmem>>, vector<16xi32>,
      %add3A_185 = arith.constant 12 : i32
      %add3A_186 = arith.addi %add3A_162, %add3A_185 : i32
      %add3A_187 = vector.broadcast %add3A_186 : i32 to vector<16xi32>
      %add3A_188 = arith.addi %add3A_32, %add3A_187 : vector<16xi32>
      %gather3A_189 = tpu.vector_load_idx %arg5[%add3A_188] : memref<12288xi32, #tpu.memory_space<vmem>>[vector<16xi32>], vector<16xi32>,
      %swap3A_190 = arith.index_cast %scan3A_116 : i32 to index
      %swap3A_191 = arith.constant 48 : index
      %swap3A_192 = tpu.vector_load %arg6[%swap3A_190, %swap3A_191] {strides = array<i32>} : memref<50x128xi32, #tpu.memory_space<vmem>>, vector<16xi32>,
      tpu.vector_store %arg6[%swap3A_190, %swap3A_191], %gather3A_189 {strides = array<i32>} : memref<50x128xi32, #tpu.memory_space<vmem>>, vector<16xi32>,
      %add3A_193 = arith.constant 16 : i32
      %add3A_194 = arith.addi %add3A_162, %add3A_193 : i32
      %add3A_195 = vector.broadcast %add3A_194 : i32 to vector<16xi32>
      %add3A_196 = arith.addi %add3A_32, %add3A_195 : vector<16xi32>
      %gather3A_197 = tpu.vector_load_idx %arg5[%add3A_196] : memref<12288xi32, #tpu.memory_space<vmem>>[vector<16xi32>], vector<16xi32>,
      %swap3A_198 = arith.index_cast %scan3A_116 : i32 to index
      %swap3A_199 = arith.constant 64 : index
      %swap3A_200 = tpu.vector_load %arg6[%swap3A_198, %swap3A_199] {strides = array<i32>} : memref<50x128xi32, #tpu.memory_space<vmem>>, vector<16xi32>,
      tpu.vector_store %arg6[%swap3A_198, %swap3A_199], %gather3A_197 {strides = array<i32>} : memref<50x128xi32, #tpu.memory_space<vmem>>, vector<16xi32>,
      %add3A_201 = arith.constant 20 : i32
      %add3A_202 = arith.addi %add3A_162, %add3A_201 : i32
      %add3A_203 = vector.broadcast %add3A_202 : i32 to vector<16xi32>
      %add3A_204 = arith.addi %add3A_32, %add3A_203 : vector<16xi32>
      %gather3A_205 = tpu.vector_load_idx %arg5[%add3A_204] : memref<12288xi32, #tpu.memory_space<vmem>>[vector<16xi32>], vector<16xi32>,
      %swap3A_206 = arith.index_cast %scan3A_116 : i32 to index
      %swap3A_207 = arith.constant 80 : index
      %swap3A_208 = tpu.vector_load %arg6[%swap3A_206, %swap3A_207] {strides = array<i32>} : memref<50x128xi32, #tpu.memory_space<vmem>>, vector<16xi32>,
      tpu.vector_store %arg6[%swap3A_206, %swap3A_207], %gather3A_205 {strides = array<i32>} : memref<50x128xi32, #tpu.memory_space<vmem>>, vector<16xi32>,
      %add3A_209 = arith.constant 24 : i32
      %add3A_210 = arith.addi %add3A_162, %add3A_209 : i32
      %add3A_211 = vector.broadcast %add3A_210 : i32 to vector<16xi32>
      %add3A_212 = arith.addi %add3A_32, %add3A_211 : vector<16xi32>
      %gather3A_213 = tpu.vector_load_idx %arg5[%add3A_212] : memref<12288xi32, #tpu.memory_space<vmem>>[vector<16xi32>], vector<16xi32>,
      %swap3A_214 = arith.index_cast %scan3A_116 : i32 to index
      %swap3A_215 = arith.constant 96 : index
      %swap3A_216 = tpu.vector_load %arg6[%swap3A_214, %swap3A_215] {strides = array<i32>} : memref<50x128xi32, #tpu.memory_space<vmem>>, vector<16xi32>,
      tpu.vector_store %arg6[%swap3A_214, %swap3A_215], %gather3A_213 {strides = array<i32>} : memref<50x128xi32, #tpu.memory_space<vmem>>, vector<16xi32>,
      %add3A_217 = arith.constant 28 : i32
      %add3A_218 = arith.addi %add3A_162, %add3A_217 : i32
      %add3A_219 = vector.broadcast %add3A_218 : i32 to vector<16xi32>
      %add3A_220 = arith.addi %add3A_32, %add3A_219 : vector<16xi32>
      %gather3A_221 = tpu.vector_load_idx %arg5[%add3A_220] : memref<12288xi32, #tpu.memory_space<vmem>>[vector<16xi32>], vector<16xi32>,
      %swap3A_222 = arith.index_cast %scan3A_116 : i32 to index
      %swap3A_223 = arith.constant 112 : index
      %swap3A_224 = tpu.vector_load %arg6[%swap3A_222, %swap3A_223] {strides = array<i32>} : memref<50x128xi32, #tpu.memory_space<vmem>>, vector<16xi32>,
      tpu.vector_store %arg6[%swap3A_222, %swap3A_223], %gather3A_221 {strides = array<i32>} : memref<50x128xi32, #tpu.memory_space<vmem>>, vector<16xi32>,
      %scan3A_225 = arith.constant 0 : i32
      scf.yield %scan3A_225 : i32
    }
    %scan3A_38 = arith.constant 50 : i32
    %dma_start3A = arith.constant 0 : i32
    %dma_start3A_39 = arith.constant 0 : i32
    %dma_start3A_40 = arith.constant 0 : i32
    %dma_start3A_41 = arith.constant 0 : i32
    %dma_start3A_42 = tpu.memref_slice %arg7[%dma_start3A_39, %dma_start3A_40, %dma_start3A_41] : memref<5x128x32xf32, #tpu.memory_space<vmem>> -> memref<1x128x32xf32, #tpu.memory_space<vmem>>
    %dma_start3A_43 = tpu.memref_squeeze %dma_start3A_42 : memref<1x128x32xf32, #tpu.memory_space<vmem>> -> memref<128x32xf32, #tpu.memory_space<vmem>>
    %dma_start3A_44 = arith.constant 0 : i32
    %dma_start3A_45 = tpu.memref_slice %arg6[%dma_start3A, %dma_start3A_44] : memref<50x128xi32, #tpu.memory_space<vmem>> -> memref<1x128xi32, #tpu.memory_space<vmem>>
    %dma_start3A_46 = tpu.memref_squeeze %dma_start3A_45 : memref<1x128xi32, #tpu.memory_space<vmem>> -> memref<128xi32, #tpu.memory_space<vmem>>
    %dma_start3A_47 = arith.constant 0 : i32
    %dma_start3A_48 = arith.constant 0 : i32
    %dma_start3A_49 = tpu.memref_slice %arg2[%dma_start3A_47, %dma_start3A_48] : memref<100001x32xf32, #tpu.memory_space<hbm>> -> memref<100001x32xf32, #tpu.memory_space<hbm>>
    tpu.enqueue_indirect_dma source(%dma_start3A_49 : memref<100001x32xf32, #tpu.memory_space<hbm>>) target(%dma_start3A_43 : memref<128x32xf32, #tpu.memory_space<vmem>>) offsets(%dma_start3A_46 : memref<128xi32, #tpu.memory_space<vmem>>) semaphore(%arg8 : memref<!tpu.dma_semaphore, #tpu.memory_space<semaphore_mem>>)
    %dma_start3A_50 = arith.constant 1 : i32
    %dma_start3A_51 = arith.constant 1 : i32
    %dma_start3A_52 = arith.constant 0 : i32
    %dma_start3A_53 = arith.constant 0 : i32
    %dma_start3A_54 = tpu.memref_slice %arg7[%dma_start3A_51, %dma_start3A_52, %dma_start3A_53] : memref<5x128x32xf32, #tpu.memory_space<vmem>> -> memref<1x128x32xf32, #tpu.memory_space<vmem>>
    %dma_start3A_55 = tpu.memref_squeeze %dma_start3A_54 : memref<1x128x32xf32, #tpu.memory_space<vmem>> -> memref<128x32xf32, #tpu.memory_space<vmem>>
    %dma_start3A_56 = arith.constant 0 : i32
    %dma_start3A_57 = tpu.memref_slice %arg6[%dma_start3A_50, %dma_start3A_56] : memref<50x128xi32, #tpu.memory_space<vmem>> -> memref<1x128xi32, #tpu.memory_space<vmem>>
    %dma_start3A_58 = tpu.memref_squeeze %dma_start3A_57 : memref<1x128xi32, #tpu.memory_space<vmem>> -> memref<128xi32, #tpu.memory_space<vmem>>
    %dma_start3A_59 = arith.constant 0 : i32
    %dma_start3A_60 = arith.constant 0 : i32
    %dma_start3A_61 = tpu.memref_slice %arg2[%dma_start3A_59, %dma_start3A_60] : memref<100001x32xf32, #tpu.memory_space<hbm>> -> memref<100001x32xf32, #tpu.memory_space<hbm>>
    tpu.enqueue_indirect_dma source(%dma_start3A_61 : memref<100001x32xf32, #tpu.memory_space<hbm>>) target(%dma_start3A_55 : memref<128x32xf32, #tpu.memory_space<vmem>>) offsets(%dma_start3A_58 : memref<128xi32, #tpu.memory_space<vmem>>) semaphore(%arg8 : memref<!tpu.dma_semaphore, #tpu.memory_space<semaphore_mem>>)
    %dma_start3A_62 = arith.constant 2 : i32
    %dma_start3A_63 = arith.constant 2 : i32
    %dma_start3A_64 = arith.constant 0 : i32
    %dma_start3A_65 = arith.constant 0 : i32
    %dma_start3A_66 = tpu.memref_slice %arg7[%dma_start3A_63, %dma_start3A_64, %dma_start3A_65] : memref<5x128x32xf32, #tpu.memory_space<vmem>> -> memref<1x128x32xf32, #tpu.memory_space<vmem>>
    %dma_start3A_67 = tpu.memref_squeeze %dma_start3A_66 : memref<1x128x32xf32, #tpu.memory_space<vmem>> -> memref<128x32xf32, #tpu.memory_space<vmem>>
    %dma_start3A_68 = arith.constant 0 : i32
    %dma_start3A_69 = tpu.memref_slice %arg6[%dma_start3A_62, %dma_start3A_68] : memref<50x128xi32, #tpu.memory_space<vmem>> -> memref<1x128xi32, #tpu.memory_space<vmem>>
    %dma_start3A_70 = tpu.memref_squeeze %dma_start3A_69 : memref<1x128xi32, #tpu.memory_space<vmem>> -> memref<128xi32, #tpu.memory_space<vmem>>
    %dma_start3A_71 = arith.constant 0 : i32
    %dma_start3A_72 = arith.constant 0 : i32
    %dma_start3A_73 = tpu.memref_slice %arg2[%dma_start3A_71, %dma_start3A_72] : memref<100001x32xf32, #tpu.memory_space<hbm>> -> memref<100001x32xf32, #tpu.memory_space<hbm>>
    tpu.enqueue_indirect_dma source(%dma_start3A_73 : memref<100001x32xf32, #tpu.memory_space<hbm>>) target(%dma_start3A_67 : memref<128x32xf32, #tpu.memory_space<vmem>>) offsets(%dma_start3A_70 : memref<128xi32, #tpu.memory_space<vmem>>) semaphore(%arg8 : memref<!tpu.dma_semaphore, #tpu.memory_space<semaphore_mem>>)
    %scan3A_74 = arith.constant 0 : i32
    %scan3A_75 = arith.constant 0 : i32
    %scan3A_76 = arith.constant 50 : i32
    %scan3A_77 = arith.addi %scan3A_75, %scan3A_76 : i32
    %scan3A_78 = arith.constant 1 : i32
    %scan3A_79 = scf.for %scan3A_116 = %scan3A_75 to %scan3A_77 step %scan3A_78 iter_args(%scan3A_117 = %scan3A_74) -> (i32)  : i32 {
      %dma_wait3A_118 = arith.constant 0 : i32
      %dma_wait3A_119 = arith.constant 0 : i32
      %dma_wait3A_120 = arith.constant 0 : i32
      %dma_wait3A_121 = arith.constant 0 : i32
      %dma_wait3A_122 = tpu.memref_slice %arg7[%dma_wait3A_119, %dma_wait3A_120, %dma_wait3A_121] : memref<5x128x32xf32, #tpu.memory_space<vmem>> -> memref<1x128x32xf32, #tpu.memory_space<vmem>>
      %dma_wait3A_123 = tpu.memref_squeeze %dma_wait3A_122 : memref<1x128x32xf32, #tpu.memory_space<vmem>> -> memref<128x32xf32, #tpu.memory_space<vmem>>
      %dma_wait3A_124 = arith.constant 0 : i32
      %dma_wait3A_125 = tpu.memref_slice %arg6[%dma_wait3A_118, %dma_wait3A_124] : memref<50x128xi32, #tpu.memory_space<vmem>> -> memref<1x128xi32, #tpu.memory_space<vmem>>
      %dma_wait3A_126 = tpu.memref_squeeze %dma_wait3A_125 : memref<1x128xi32, #tpu.memory_space<vmem>> -> memref<128xi32, #tpu.memory_space<vmem>>
      %dma_wait3A_127 = arith.constant 0 : i32
      %dma_wait3A_128 = arith.constant 0 : i32
      %dma_wait3A_129 = tpu.memref_slice %arg2[%dma_wait3A_127, %dma_wait3A_128] : memref<100001x32xf32, #tpu.memory_space<hbm>> -> memref<100001x32xf32, #tpu.memory_space<hbm>>
      tpu.wait_indirect_dma semaphore(%arg8 : memref<!tpu.dma_semaphore, #tpu.memory_space<semaphore_mem>>) src(%dma_wait3A_129 : memref<100001x32xf32, #tpu.memory_space<hbm>>) dst(%dma_wait3A_123 : memref<128x32xf32, #tpu.memory_space<vmem>>)
      %jit3A_130 = arith.constant 5 : i32
      %eq3A = arith.constant 0 : i32
      %eq3A_131 = arith.cmpi eq, %jit3A_130, %eq3A : i32
      %jit3A_132 = arith.constant 1 : i32
      %select_n3A_133 = arith.select %eq3A_131, %jit3A_132, %jit3A_130 : i32
      %rem3A_134 = arith.remsi %scan3A_116, %select_n3A_133 : i32
      %ne3A_135 = arith.constant 0 : i32
      %ne3A_136 = arith.cmpi ne, %rem3A_134, %ne3A_135 : i32
      %lt3A = arith.constant 0 : i32
      %lt3A_137 = arith.cmpi slt, %rem3A_134, %lt3A : i32
      %lt3A_138 = arith.constant 0 : i32
      %lt3A_139 = arith.cmpi slt, %select_n3A_133, %lt3A_138 : i32
      %ne3A_140 = arith.xori %lt3A_137, %lt3A_139 : i1
      %and3A_141 = arith.andi %ne3A_140, %ne3A_136 : i1
      %add3A_142 = arith.addi %rem3A_134, %select_n3A_133 : i32
      %select_n3A_143 = arith.select %and3A_141, %add3A_142, %rem3A_134 : i32
      %add3A_144 = arith.addi %mul3A_2, %scan3A_116 : i32
      %dma_start3A_145 = arith.constant 0 : i32
      %dma_start3A_146 = arith.constant 0 : i32
      %dma_start3A_147 = tpu.memref_slice %arg7[%select_n3A_143, %dma_start3A_145, %dma_start3A_146] : memref<5x128x32xf32, #tpu.memory_space<vmem>> -> memref<1x128x32xf32, #tpu.memory_space<vmem>>
      %dma_start3A_148 = tpu.memref_squeeze %dma_start3A_147 : memref<1x128x32xf32, #tpu.memory_space<vmem>> -> memref<128x32xf32, #tpu.memory_space<vmem>>
      %dma_start3A_149 = arith.constant 0 : i32
      %dma_start3A_150 = arith.constant 0 : i32
      %dma_start3A_151 = tpu.memref_slice %arg4[%add3A_144, %dma_start3A_149, %dma_start3A_150] : memref<1600x128x32xf32, #tpu.memory_space<hbm>> -> memref<1x128x32xf32, #tpu.memory_space<hbm>>
      %dma_start3A_152 = tpu.memref_squeeze %dma_start3A_151 : memref<1x128x32xf32, #tpu.memory_space<hbm>> -> memref<128x32xf32, #tpu.memory_space<hbm>>
      %dma_start3A_153 = arith.constant 0 : i32
      %dma_start3A_154 = arith.constant 0 : i32
      %dma_start3A_155 = tpu.memref_slice %arg4[%add3A_144, %dma_start3A_153, %dma_start3A_154] : memref<1600x128x32xf32, #tpu.memory_space<hbm>> -> memref<1x128x32xf32, #tpu.memory_space<hbm>>
      %dma_start3A_156 = tpu.memref_squeeze %dma_start3A_155 : memref<1x128x32xf32, #tpu.memory_space<hbm>> -> memref<128x32xf32, #tpu.memory_space<hbm>>
      %dma_start3A_157 = arith.constant 0 : i32
      %dma_start3A_158 = arith.constant 0 : i32
      %dma_start3A_159 = tpu.memref_slice %arg7[%select_n3A_143, %dma_start3A_157, %dma_start3A_158] : memref<5x128x32xf32, #tpu.memory_space<vmem>> -> memref<1x128x32xf32, #tpu.memory_space<vmem>>
      %dma_start3A_160 = tpu.memref_squeeze %dma_start3A_159 : memref<1x128x32xf32, #tpu.memory_space<vmem>> -> memref<128x32xf32, #tpu.memory_space<vmem>>
      tpu.enqueue_dma source(%dma_start3A_160 : memref<128x32xf32, #tpu.memory_space<vmem>>) target(%dma_start3A_156 : memref<128x32xf32, #tpu.memory_space<hbm>>) target_semaphore(%arg9 : memref<!tpu.dma_semaphore, #tpu.memory_space<semaphore_mem>>)
      %ge3A = arith.constant 2 : i32
      %ge3A_161 = arith.cmpi sge, %scan3A_116, %ge3A : i32
      %convert_element_type3A = arith.extui %ge3A_161 : i1 to i32
      %cond3A = arith.constant 0 : i32
      %cond3A_162 = arith.cmpi ne, %convert_element_type3A, %cond3A : i32
      scf.if %cond3A_162 {
        %dma_wait3A_173 = arith.constant 0 : i32
        %dma_wait3A_174 = arith.constant 0 : i32
        %dma_wait3A_175 = arith.constant 0 : i32
        %dma_wait3A_176 = arith.constant 0 : i32
        %dma_wait3A_177 = tpu.memref_slice %arg7[%dma_wait3A_173, %dma_wait3A_175, %dma_wait3A_176] : memref<5x128x32xf32, #tpu.memory_space<vmem>> -> memref<1x128x32xf32, #tpu.memory_space<vmem>>
        %dma_wait3A_178 = tpu.memref_squeeze %dma_wait3A_177 : memref<1x128x32xf32, #tpu.memory_space<vmem>> -> memref<128x32xf32, #tpu.memory_space<vmem>>
        %dma_wait3A_179 = arith.constant 0 : i32
        %dma_wait3A_180 = arith.constant 0 : i32
        %dma_wait3A_181 = tpu.memref_slice %arg4[%dma_wait3A_174, %dma_wait3A_179, %dma_wait3A_180] : memref<1600x128x32xf32, #tpu.memory_space<hbm>> -> memref<1x128x32xf32, #tpu.memory_space<hbm>>
        %dma_wait3A_182 = tpu.memref_squeeze %dma_wait3A_181 : memref<1x128x32xf32, #tpu.memory_space<hbm>> -> memref<128x32xf32, #tpu.memory_space<hbm>>
        %dma_wait3A_183 = arith.constant 0 : i32
        %dma_wait3A_184 = arith.constant 0 : i32
        %dma_wait3A_185 = tpu.memref_slice %arg4[%dma_wait3A_174, %dma_wait3A_183, %dma_wait3A_184] : memref<1600x128x32xf32, #tpu.memory_space<hbm>> -> memref<1x128x32xf32, #tpu.memory_space<hbm>>
        %dma_wait3A_186 = tpu.memref_squeeze %dma_wait3A_185 : memref<1x128x32xf32, #tpu.memory_space<hbm>> -> memref<128x32xf32, #tpu.memory_space<hbm>>
        %dma_wait3A_187 = arith.constant 0 : i32
        %dma_wait3A_188 = arith.constant 0 : i32
        %dma_wait3A_189 = tpu.memref_slice %arg7[%dma_wait3A_173, %dma_wait3A_187, %dma_wait3A_188] : memref<5x128x32xf32, #tpu.memory_space<vmem>> -> memref<1x128x32xf32, #tpu.memory_space<vmem>>
        %dma_wait3A_190 = tpu.memref_squeeze %dma_wait3A_189 : memref<1x128x32xf32, #tpu.memory_space<vmem>> -> memref<128x32xf32, #tpu.memory_space<vmem>>
        tpu.wait_dma2 semaphore(%arg9 : memref<!tpu.dma_semaphore, #tpu.memory_space<semaphore_mem>>) src(%dma_wait3A_190 : memref<128x32xf32, #tpu.memory_space<vmem>>) dst(%dma_wait3A_186 : memref<128x32xf32, #tpu.memory_space<hbm>>)
      } else {
      }
      %add3A_163 = arith.constant 2 : i32
      %add3A_164 = arith.addi %scan3A_116, %add3A_163 : i32
      %add3A_165 = arith.constant 1 : i32
      %add3A_166 = arith.addi %add3A_164, %add3A_165 : i32
      %lt3A_167 = arith.constant 50 : i32
      %lt3A_168 = arith.cmpi slt, %add3A_166, %lt3A_167 : i32
      %convert_element_type3A_169 = arith.extui %lt3A_168 : i1 to i32
      %cond3A_170 = arith.constant 0 : i32
      %cond3A_171 = arith.cmpi ne, %convert_element_type3A_169, %cond3A_170 : i32
      scf.if %cond3A_171 {
        %add3A_173 = arith.constant 2 : i32
        %add3A_174 = arith.addi %scan3A_116, %add3A_173 : i32
        %add3A_175 = arith.constant 1 : i32
        %add3A_176 = arith.addi %add3A_174, %add3A_175 : i32
        %jit3A_177 = arith.constant 5 : i32
        %eq3A_178 = arith.constant 0 : i32
        %eq3A_179 = arith.cmpi eq, %jit3A_177, %eq3A_178 : i32
        %jit3A_180 = arith.constant 1 : i32
        %select_n3A_181 = arith.select %eq3A_179, %jit3A_180, %jit3A_177 : i32
        %rem3A_182 = arith.remsi %add3A_176, %select_n3A_181 : i32
        %ne3A_183 = arith.constant 0 : i32
        %ne3A_184 = arith.cmpi ne, %rem3A_182, %ne3A_183 : i32
        %lt3A_185 = arith.constant 0 : i32
        %lt3A_186 = arith.cmpi slt, %rem3A_182, %lt3A_185 : i32
        %lt3A_187 = arith.constant 0 : i32
        %lt3A_188 = arith.cmpi slt, %select_n3A_181, %lt3A_187 : i32
        %ne3A_189 = arith.xori %lt3A_186, %lt3A_188 : i1
        %and3A_190 = arith.andi %ne3A_189, %ne3A_184 : i1
        %add3A_191 = arith.addi %rem3A_182, %select_n3A_181 : i32
        %select_n3A_192 = arith.select %and3A_190, %add3A_191, %rem3A_182 : i32
        %dma_start3A_193 = arith.constant 0 : i32
        %dma_start3A_194 = arith.constant 0 : i32
        %dma_start3A_195 = tpu.memref_slice %arg7[%select_n3A_192, %dma_start3A_193, %dma_start3A_194] : memref<5x128x32xf32, #tpu.memory_space<vmem>> -> memref<1x128x32xf32, #tpu.memory_space<vmem>>
        %dma_start3A_196 = tpu.memref_squeeze %dma_start3A_195 : memref<1x128x32xf32, #tpu.memory_space<vmem>> -> memref<128x32xf32, #tpu.memory_space<vmem>>
        %dma_start3A_197 = arith.constant 0 : i32
        %dma_start3A_198 = tpu.memref_slice %arg6[%add3A_176, %dma_start3A_197] : memref<50x128xi32, #tpu.memory_space<vmem>> -> memref<1x128xi32, #tpu.memory_space<vmem>>
        %dma_start3A_199 = tpu.memref_squeeze %dma_start3A_198 : memref<1x128xi32, #tpu.memory_space<vmem>> -> memref<128xi32, #tpu.memory_space<vmem>>
        %dma_start3A_200 = arith.constant 0 : i32
        %dma_start3A_201 = arith.constant 0 : i32
        %dma_start3A_202 = tpu.memref_slice %arg2[%dma_start3A_200, %dma_start3A_201] : memref<100001x32xf32, #tpu.memory_space<hbm>> -> memref<100001x32xf32, #tpu.memory_space<hbm>>
        tpu.enqueue_indirect_dma source(%dma_start3A_202 : memref<100001x32xf32, #tpu.memory_space<hbm>>) target(%dma_start3A_196 : memref<128x32xf32, #tpu.memory_space<vmem>>) offsets(%dma_start3A_199 : memref<128xi32, #tpu.memory_space<vmem>>) semaphore(%arg8 : memref<!tpu.dma_semaphore, #tpu.memory_space<semaphore_mem>>)
      } else {
      }
      %scan3A_172 = arith.constant 0 : i32
      scf.yield %scan3A_172 : i32
    }
    %scan3A_80 = arith.constant 50 : i32
    %dma_wait3A = arith.constant 0 : i32
    %dma_wait3A_81 = arith.constant 0 : i32
    %dma_wait3A_82 = arith.constant 0 : i32
    %dma_wait3A_83 = arith.constant 0 : i32
    %dma_wait3A_84 = tpu.memref_slice %arg7[%dma_wait3A, %dma_wait3A_82, %dma_wait3A_83] : memref<5x128x32xf32, #tpu.memory_space<vmem>> -> memref<1x128x32xf32, #tpu.memory_space<vmem>>
    %dma_wait3A_85 = tpu.memref_squeeze %dma_wait3A_84 : memref<1x128x32xf32, #tpu.memory_space<vmem>> -> memref<128x32xf32, #tpu.memory_space<vmem>>
    %dma_wait3A_86 = arith.constant 0 : i32
    %dma_wait3A_87 = arith.constant 0 : i32
    %dma_wait3A_88 = tpu.memref_slice %arg4[%dma_wait3A_81, %dma_wait3A_86, %dma_wait3A_87] : memref<1600x128x32xf32, #tpu.memory_space<hbm>> -> memref<1x128x32xf32, #tpu.memory_space<hbm>>
    %dma_wait3A_89 = tpu.memref_squeeze %dma_wait3A_88 : memref<1x128x32xf32, #tpu.memory_space<hbm>> -> memref<128x32xf32, #tpu.memory_space<hbm>>
    %dma_wait3A_90 = arith.constant 0 : i32
    %dma_wait3A_91 = arith.constant 0 : i32
    %dma_wait3A_92 = tpu.memref_slice %arg4[%dma_wait3A_81, %dma_wait3A_90, %dma_wait3A_91] : memref<1600x128x32xf32, #tpu.memory_space<hbm>> -> memref<1x128x32xf32, #tpu.memory_space<hbm>>
    %dma_wait3A_93 = tpu.memref_squeeze %dma_wait3A_92 : memref<1x128x32xf32, #tpu.memory_space<hbm>> -> memref<128x32xf32, #tpu.memory_space<hbm>>
    %dma_wait3A_94 = arith.constant 0 : i32
    %dma_wait3A_95 = arith.constant 0 : i32
    %dma_wait3A_96 = tpu.memref_slice %arg7[%dma_wait3A, %dma_wait3A_94, %dma_wait3A_95] : memref<5x128x32xf32, #tpu.memory_space<vmem>> -> memref<1x128x32xf32, #tpu.memory_space<vmem>>
    %dma_wait3A_97 = tpu.memref_squeeze %dma_wait3A_96 : memref<1x128x32xf32, #tpu.memory_space<vmem>> -> memref<128x32xf32, #tpu.memory_space<vmem>>
    tpu.wait_dma2 semaphore(%arg9 : memref<!tpu.dma_semaphore, #tpu.memory_space<semaphore_mem>>) src(%dma_wait3A_97 : memref<128x32xf32, #tpu.memory_space<vmem>>) dst(%dma_wait3A_93 : memref<128x32xf32, #tpu.memory_space<hbm>>)
    %dma_wait3A_98 = arith.constant 0 : i32
    %dma_wait3A_99 = arith.constant 0 : i32
    %dma_wait3A_100 = arith.constant 0 : i32
    %dma_wait3A_101 = arith.constant 0 : i32
    %dma_wait3A_102 = tpu.memref_slice %arg7[%dma_wait3A_98, %dma_wait3A_100, %dma_wait3A_101] : memref<5x128x32xf32, #tpu.memory_space<vmem>> -> memref<1x128x32xf32, #tpu.memory_space<vmem>>
    %dma_wait3A_103 = tpu.memref_squeeze %dma_wait3A_102 : memref<1x128x32xf32, #tpu.memory_space<vmem>> -> memref<128x32xf32, #tpu.memory_space<vmem>>
    %dma_wait3A_104 = arith.constant 0 : i32
    %dma_wait3A_105 = arith.constant 0 : i32
    %dma_wait3A_106 = tpu.memref_slice %arg4[%dma_wait3A_99, %dma_wait3A_104, %dma_wait3A_105] : memref<1600x128x32xf32, #tpu.memory_space<hbm>> -> memref<1x128x32xf32, #tpu.memory_space<hbm>>
    %dma_wait3A_107 = tpu.memref_squeeze %dma_wait3A_106 : memref<1x128x32xf32, #tpu.memory_space<hbm>> -> memref<128x32xf32, #tpu.memory_space<hbm>>
    %dma_wait3A_108 = arith.constant 0 : i32
    %dma_wait3A_109 = arith.constant 0 : i32
    %dma_wait3A_110 = tpu.memref_slice %arg4[%dma_wait3A_99, %dma_wait3A_108, %dma_wait3A_109] : memref<1600x128x32xf32, #tpu.memory_space<hbm>> -> memref<1x128x32xf32, #tpu.memory_space<hbm>>
    %dma_wait3A_111 = tpu.memref_squeeze %dma_wait3A_110 : memref<1x128x32xf32, #tpu.memory_space<hbm>> -> memref<128x32xf32, #tpu.memory_space<hbm>>
    %dma_wait3A_112 = arith.constant 0 : i32
    %dma_wait3A_113 = arith.constant 0 : i32
    %dma_wait3A_114 = tpu.memref_slice %arg7[%dma_wait3A_98, %dma_wait3A_112, %dma_wait3A_113] : memref<5x128x32xf32, #tpu.memory_space<vmem>> -> memref<1x128x32xf32, #tpu.memory_space<vmem>>
    %dma_wait3A_115 = tpu.memref_squeeze %dma_wait3A_114 : memref<1x128x32xf32, #tpu.memory_space<vmem>> -> memref<128x32xf32, #tpu.memory_space<vmem>>
    tpu.wait_dma2 semaphore(%arg9 : memref<!tpu.dma_semaphore, #tpu.memory_space<semaphore_mem>>) src(%dma_wait3A_115 : memref<128x32xf32, #tpu.memory_space<vmem>>) dst(%dma_wait3A_111 : memref<128x32xf32, #tpu.memory_space<hbm>>)
    return
  }
}

#map = affine_map<(d0, d1) -> (0, 0)>
#map1 = affine_map<(d0, d1) -> (0)>
#map2 = affine_map<(d0, d1) -> (0, 0, 0)>
module attributes {stable_mosaic.version = 14 : i64} {
  func.func @embed(%arg0: i32, %arg1: i32, %arg2: memref<100001x32xf32, #tpu.memory_space<hbm>>, %arg3: memref<819200xi32, #tpu.memory_space<hbm>>, %arg4: memref<1600x128x32xf32, #tpu.memory_space<hbm>>, %arg5: memref<12288xi32, #tpu.memory_space<vmem>>, %arg6: memref<50x128xi32, #tpu.memory_space<vmem>>, %arg7: memref<5x128x32xf32, #tpu.memory_space<vmem>>, %arg8: memref<!tpu.dma_semaphore, #tpu.memory_space<semaphore_mem>>, %arg9: memref<!tpu.dma_semaphore, #tpu.memory_space<semaphore_mem>>) attributes {dimension_semantics = [#tpu.dimension_semantics<core_parallel>, #tpu.dimension_semantics<subcore_parallel>], iteration_bounds = array<i64: 2, 16>, scalar_prefetch = 0 : i64, scratch_operands = 5 : i64, tpu.core_type = #tpu.core_type<sc_vector_subcore>, window_params = [{transform_indices = #map}, {transform_indices = #map1}, {transform_indices = #map2}]} {
    %mul3A = arith.constant 2 : i32
    %mul3A_0 = arith.muli %arg1, %mul3A : i32
    %add3A = arith.addi %mul3A_0, %arg0 : i32
    %mul3A_1 = arith.constant 50 : i32
    %mul3A_2 = arith.muli %add3A, %mul3A_1 : i32
    %add3A_3 = arith.constant 4800 : i32
    %add3A_4 = arith.addi %add3A_3, %mul3A_2 : i32
    %jit3A = arith.constant 32 : i32
    %div3A = arith.divsi %add3A_4, %jit3A : i32
    %sign3A = arith.constant 0 : i32
    %sign3A_5 = arith.cmpi sgt, %add3A_4, %sign3A : i32
    %sign3A_6 = arith.extui %sign3A_5 : i1 to i32
    %sign3A_7 = arith.constant 0 : i32
    %sign3A_8 = arith.cmpi slt, %add3A_4, %sign3A_7 : i32
    %sign3A_9 = arith.extui %sign3A_8 : i1 to i32
    %sign3A_10 = arith.subi %sign3A_6, %sign3A_9 : i32
    %sign3A_11 = arith.constant 0 : i32
    %sign3A_12 = arith.cmpi sgt, %jit3A, %sign3A_11 : i32
    %sign3A_13 = arith.extui %sign3A_12 : i1 to i32
    %sign3A_14 = arith.constant 0 : i32
    %sign3A_15 = arith.cmpi slt, %jit3A, %sign3A_14 : i32
    %sign3A_16 = arith.extui %sign3A_15 : i1 to i32
    %sign3A_17 = arith.subi %sign3A_13, %sign3A_16 : i32
    %ne3A = arith.cmpi ne, %sign3A_10, %sign3A_17 : i32
    %rem3A = arith.remsi %add3A_4, %jit3A : i32
    %ne3A_18 = arith.constant 0 : i32
    %ne3A_19 = arith.cmpi ne, %rem3A, %ne3A_18 : i32
    %and3A = arith.andi %ne3A, %ne3A_19 : i1
    %sub3A = arith.constant 1 : i32
    %sub3A_20 = arith.subi %div3A, %sub3A : i32
    %select_n3A = arith.select %and3A, %sub3A_20, %div3A : i32
    %min3A = arith.constant 197 : i32
    %min3A_21 = arith.minsi %select_n3A, %min3A : i32
    %mul3A_22 = arith.constant 4096 : i32
    %mul3A_23 = arith.muli %min3A_21, %mul3A_22 : i32
    "tpu.region"() ({
      %run_scoped3A = tpu.sem_alloc : memref<!tpu.dma_semaphore, #tpu.memory_space<semaphore_mem>>
      %dma_start3A_116 = tpu.memref_slice %arg3[%mul3A_23] : memref<819200xi32, #tpu.memory_space<hbm>> -> memref<12288xi32, #tpu.memory_space<hbm>>
      %dma_start3A_117 = tpu.memref_slice %arg3[%mul3A_23] : memref<819200xi32, #tpu.memory_space<hbm>> -> memref<12288xi32, #tpu.memory_space<hbm>>
      tpu.enqueue_dma source(%dma_start3A_117 : memref<12288xi32, #tpu.memory_space<hbm>>) target(%arg5 : memref<12288xi32, #tpu.memory_space<vmem>>) target_semaphore(%run_scoped3A : memref<!tpu.dma_semaphore, #tpu.memory_space<semaphore_mem>>)
      %dma_wait3A_118 = tpu.memref_slice %arg3[%mul3A_23] : memref<819200xi32, #tpu.memory_space<hbm>> -> memref<12288xi32, #tpu.memory_space<hbm>>
      %dma_wait3A_119 = tpu.memref_slice %arg3[%mul3A_23] : memref<819200xi32, #tpu.memory_space<hbm>> -> memref<12288xi32, #tpu.memory_space<hbm>>
      tpu.wait_dma2 semaphore(%run_scoped3A : memref<!tpu.dma_semaphore, #tpu.memory_space<semaphore_mem>>) src(%dma_wait3A_119 : memref<12288xi32, #tpu.memory_space<hbm>>) dst(%arg5 : memref<12288xi32, #tpu.memory_space<vmem>>)
      tpu.yield
    }) : () -> ()
    %iota3A = tpu.iota {dimensions = array<i32: 0>} : vector<16xi32>
    %and3A_24 = arith.constant 3 : i32
    %and3A_25 = vector.broadcast %and3A_24 : i32 to vector<16xi32>
    %and3A_26 = arith.andi %iota3A, %and3A_25 : vector<16xi32>
    %mul3A_27 = arith.constant 1024 : i32
    %mul3A_28 = vector.broadcast %mul3A_27 : i32 to vector<16xi32>
    %mul3A_29 = arith.muli %mul3A_28, %and3A_26 : vector<16xi32>
    %shift_right_arithmetic3A = arith.constant 2 : i32
    %shift_right_arithmetic3A_30 = vector.broadcast %shift_right_arithmetic3A : i32 to vector<16xi32>
    %shift_right_arithmetic3A_31 = arith.shrsi %iota3A, %shift_right_arithmetic3A_30 : vector<16xi32>
    %add3A_32 = arith.addi %mul3A_29, %shift_right_arithmetic3A_31 : vector<16xi32>
    %scan3A = arith.constant 0 : i32
    %scan3A_33 = arith.constant 0 : i32
    %scan3A_34 = arith.constant 50 : i32
    %scan3A_35 = arith.addi %scan3A_33, %scan3A_34 : i32
    %scan3A_36 = arith.constant 1 : i32
    %scan3A_37 = scf.for %scan3A_116 = %scan3A_33 to %scan3A_35 step %scan3A_36 iter_args(%scan3A_117 = %scan3A) -> (i32)  : i32 {
      %add3A_118 = arith.addi %add3A_4, %scan3A_116 : i32
      %jit3A_119 = arith.constant 32 : i32
      %div3A_120 = arith.divsi %add3A_118, %jit3A_119 : i32
      %sign3A_121 = arith.constant 0 : i32
      %sign3A_122 = arith.cmpi sgt, %add3A_118, %sign3A_121 : i32
      %sign3A_123 = arith.extui %sign3A_122 : i1 to i32
      %sign3A_124 = arith.constant 0 : i32
      %sign3A_125 = arith.cmpi slt, %add3A_118, %sign3A_124 : i32
      %sign3A_126 = arith.extui %sign3A_125 : i1 to i32
      %sign3A_127 = arith.subi %sign3A_123, %sign3A_126 : i32
      %sign3A_128 = arith.constant 0 : i32
      %sign3A_129 = arith.cmpi sgt, %jit3A_119, %sign3A_128 : i32
      %sign3A_130 = arith.extui %sign3A_129 : i1 to i32
      %sign3A_131 = arith.constant 0 : i32
      %sign3A_132 = arith.cmpi slt, %jit3A_119, %sign3A_131 : i32
      %sign3A_133 = arith.extui %sign3A_132 : i1 to i32
      %sign3A_134 = arith.subi %sign3A_130, %sign3A_133 : i32
      %ne3A_135 = arith.cmpi ne, %sign3A_127, %sign3A_134 : i32
      %rem3A_136 = arith.remsi %add3A_118, %jit3A_119 : i32
      %ne3A_137 = arith.constant 0 : i32
      %ne3A_138 = arith.cmpi ne, %rem3A_136, %ne3A_137 : i32
      %and3A_139 = arith.andi %ne3A_135, %ne3A_138 : i1
      %sub3A_140 = arith.constant 1 : i32
      %sub3A_141 = arith.subi %div3A_120, %sub3A_140 : i32
      %select_n3A_142 = arith.select %and3A_139, %sub3A_141, %div3A_120 : i32
      %sub3A_143 = arith.subi %select_n3A_142, %min3A_21 : i32
      %mul3A_144 = arith.constant 4096 : i32
      %mul3A_145 = arith.muli %sub3A_143, %mul3A_144 : i32
      %jit3A_146 = arith.constant 32 : i32
      %eq3A = arith.constant 0 : i32
      %eq3A_147 = arith.cmpi eq, %jit3A_146, %eq3A : i32
      %jit3A_148 = arith.constant 1 : i32
      %select_n3A_149 = arith.select %eq3A_147, %jit3A_148, %jit3A_146 : i32
      %rem3A_150 = arith.remsi %add3A_118, %select_n3A_149 : i32
      %ne3A_151 = arith.constant 0 : i32
      %ne3A_152 = arith.cmpi ne, %rem3A_150, %ne3A_151 : i32
      %lt3A = arith.constant 0 : i32
      %lt3A_153 = arith.cmpi slt, %rem3A_150, %lt3A : i32
      %lt3A_154 = arith.constant 0 : i32
      %lt3A_155 = arith.cmpi slt, %select_n3A_149, %lt3A_154 : i32
      %ne3A_156 = arith.xori %lt3A_153, %lt3A_155 : i1
      %and3A_157 = arith.andi %ne3A_156, %ne3A_152 : i1
      %add3A_158 = arith.addi %rem3A_150, %select_n3A_149 : i32
      %select_n3A_159 = arith.select %and3A_157, %add3A_158, %rem3A_150 : i32
      %mul3A_160 = arith.constant 32 : i32
      %mul3A_161 = arith.muli %select_n3A_159, %mul3A_160 : i32
      %add3A_162 = arith.addi %mul3A_145, %mul3A_161 : i32
      %add3A_163 = arith.constant 0 : i32
      %add3A_164 = arith.addi %add3A_162, %add3A_163 : i32
      %add3A_165 = vector.broadcast %add3A_164 : i32 to vector<16xi32>
      %add3A_166 = arith.addi %add3A_32, %add3A_165 : vector<16xi32>
      %gather3A = tpu.vector_load_idx %arg5[%add3A_166] : memref<12288xi32, #tpu.memory_space<vmem>>[vector<16xi32>], vector<16xi32>,
      %swap3A = arith.index_cast %scan3A_116 : i32 to index
      %swap3A_167 = arith.constant 0 : index
      %swap3A_168 = tpu.vector_load %arg6[%swap3A, %swap3A_167] {strides = array<i32>} : memref<50x128xi32, #tpu.memory_space<vmem>>, vector<16xi32>,
      tpu.vector_store %arg6[%swap3A, %swap3A_167], %gather3A {strides = array<i32>} : memref<50x128xi32, #tpu.memory_space<vmem>>, vector<16xi32>,
      %add3A_169 = arith.constant 4 : i32
      %add3A_170 = arith.addi %add3A_162, %add3A_169 : i32
      %add3A_171 = vector.broadcast %add3A_170 : i32 to vector<16xi32>
      %add3A_172 = arith.addi %add3A_32, %add3A_171 : vector<16xi32>
      %gather3A_173 = tpu.vector_load_idx %arg5[%add3A_172] : memref<12288xi32, #tpu.memory_space<vmem>>[vector<16xi32>], vector<16xi32>,
      %swap3A_174 = arith.index_cast %scan3A_116 : i32 to index
      %swap3A_175 = arith.constant 16 : index
      %swap3A_176 = tpu.vector_load %arg6[%swap3A_174, %swap3A_175] {strides = array<i32>} : memref<50x128xi32, #tpu.memory_space<vmem>>, vector<16xi32>,
      tpu.vector_store %arg6[%swap3A_174, %swap3A_175], %gather3A_173 {strides = array<i32>} : memref<50x128xi32, #tpu.memory_space<vmem>>, vector<16xi32>,
      %add3A_177 = arith.constant 8 : i32
      %add3A_178 = arith.addi %add3A_162, %add3A_177 : i32
      %add3A_179 = vector.broadcast %add3A_178 : i32 to vector<16xi32>
      %add3A_180 = arith.addi %add3A_32, %add3A_179 : vector<16xi32>
      %gather3A_181 = tpu.vector_load_idx %arg5[%add3A_180] : memref<12288xi32, #tpu.memory_space<vmem>>[vector<16xi32>], vector<16xi32>,
      %swap3A_182 = arith.index_cast %scan3A_116 : i32 to index
      %swap3A_183 = arith.constant 32 : index
      %swap3A_184 = tpu.vector_load %arg6[%swap3A_182, %swap3A_183] {strides = array<i32>} : memref<50x128xi32, #tpu.memory_space<vmem>>, vector<16xi32>,
      tpu.vector_store %arg6[%swap3A_182, %swap3A_183], %gather3A_181 {strides = array<i32>} : memref<50x128xi32, #tpu.memory_space<vmem>>, vector<16xi32>,
      %add3A_185 = arith.constant 12 : i32
      %add3A_186 = arith.addi %add3A_162, %add3A_185 : i32
      %add3A_187 = vector.broadcast %add3A_186 : i32 to vector<16xi32>
      %add3A_188 = arith.addi %add3A_32, %add3A_187 : vector<16xi32>
      %gather3A_189 = tpu.vector_load_idx %arg5[%add3A_188] : memref<12288xi32, #tpu.memory_space<vmem>>[vector<16xi32>], vector<16xi32>,
      %swap3A_190 = arith.index_cast %scan3A_116 : i32 to index
      %swap3A_191 = arith.constant 48 : index
      %swap3A_192 = tpu.vector_load %arg6[%swap3A_190, %swap3A_191] {strides = array<i32>} : memref<50x128xi32, #tpu.memory_space<vmem>>, vector<16xi32>,
      tpu.vector_store %arg6[%swap3A_190, %swap3A_191], %gather3A_189 {strides = array<i32>} : memref<50x128xi32, #tpu.memory_space<vmem>>, vector<16xi32>,
      %add3A_193 = arith.constant 16 : i32
      %add3A_194 = arith.addi %add3A_162, %add3A_193 : i32
      %add3A_195 = vector.broadcast %add3A_194 : i32 to vector<16xi32>
      %add3A_196 = arith.addi %add3A_32, %add3A_195 : vector<16xi32>
      %gather3A_197 = tpu.vector_load_idx %arg5[%add3A_196] : memref<12288xi32, #tpu.memory_space<vmem>>[vector<16xi32>], vector<16xi32>,
      %swap3A_198 = arith.index_cast %scan3A_116 : i32 to index
      %swap3A_199 = arith.constant 64 : index
      %swap3A_200 = tpu.vector_load %arg6[%swap3A_198, %swap3A_199] {strides = array<i32>} : memref<50x128xi32, #tpu.memory_space<vmem>>, vector<16xi32>,
      tpu.vector_store %arg6[%swap3A_198, %swap3A_199], %gather3A_197 {strides = array<i32>} : memref<50x128xi32, #tpu.memory_space<vmem>>, vector<16xi32>,
      %add3A_201 = arith.constant 20 : i32
      %add3A_202 = arith.addi %add3A_162, %add3A_201 : i32
      %add3A_203 = vector.broadcast %add3A_202 : i32 to vector<16xi32>
      %add3A_204 = arith.addi %add3A_32, %add3A_203 : vector<16xi32>
      %gather3A_205 = tpu.vector_load_idx %arg5[%add3A_204] : memref<12288xi32, #tpu.memory_space<vmem>>[vector<16xi32>], vector<16xi32>,
      %swap3A_206 = arith.index_cast %scan3A_116 : i32 to index
      %swap3A_207 = arith.constant 80 : index
      %swap3A_208 = tpu.vector_load %arg6[%swap3A_206, %swap3A_207] {strides = array<i32>} : memref<50x128xi32, #tpu.memory_space<vmem>>, vector<16xi32>,
      tpu.vector_store %arg6[%swap3A_206, %swap3A_207], %gather3A_205 {strides = array<i32>} : memref<50x128xi32, #tpu.memory_space<vmem>>, vector<16xi32>,
      %add3A_209 = arith.constant 24 : i32
      %add3A_210 = arith.addi %add3A_162, %add3A_209 : i32
      %add3A_211 = vector.broadcast %add3A_210 : i32 to vector<16xi32>
      %add3A_212 = arith.addi %add3A_32, %add3A_211 : vector<16xi32>
      %gather3A_213 = tpu.vector_load_idx %arg5[%add3A_212] : memref<12288xi32, #tpu.memory_space<vmem>>[vector<16xi32>], vector<16xi32>,
      %swap3A_214 = arith.index_cast %scan3A_116 : i32 to index
      %swap3A_215 = arith.constant 96 : index
      %swap3A_216 = tpu.vector_load %arg6[%swap3A_214, %swap3A_215] {strides = array<i32>} : memref<50x128xi32, #tpu.memory_space<vmem>>, vector<16xi32>,
      tpu.vector_store %arg6[%swap3A_214, %swap3A_215], %gather3A_213 {strides = array<i32>} : memref<50x128xi32, #tpu.memory_space<vmem>>, vector<16xi32>,
      %add3A_217 = arith.constant 28 : i32
      %add3A_218 = arith.addi %add3A_162, %add3A_217 : i32
      %add3A_219 = vector.broadcast %add3A_218 : i32 to vector<16xi32>
      %add3A_220 = arith.addi %add3A_32, %add3A_219 : vector<16xi32>
      %gather3A_221 = tpu.vector_load_idx %arg5[%add3A_220] : memref<12288xi32, #tpu.memory_space<vmem>>[vector<16xi32>], vector<16xi32>,
      %swap3A_222 = arith.index_cast %scan3A_116 : i32 to index
      %swap3A_223 = arith.constant 112 : index
      %swap3A_224 = tpu.vector_load %arg6[%swap3A_222, %swap3A_223] {strides = array<i32>} : memref<50x128xi32, #tpu.memory_space<vmem>>, vector<16xi32>,
      tpu.vector_store %arg6[%swap3A_222, %swap3A_223], %gather3A_221 {strides = array<i32>} : memref<50x128xi32, #tpu.memory_space<vmem>>, vector<16xi32>,
      %scan3A_225 = arith.constant 0 : i32
      scf.yield %scan3A_225 : i32
    }
    %scan3A_38 = arith.constant 50 : i32
    %dma_start3A = arith.constant 0 : i32
    %dma_start3A_39 = arith.constant 0 : i32
    %dma_start3A_40 = arith.constant 0 : i32
    %dma_start3A_41 = arith.constant 0 : i32
    %dma_start3A_42 = tpu.memref_slice %arg7[%dma_start3A_39, %dma_start3A_40, %dma_start3A_41] : memref<5x128x32xf32, #tpu.memory_space<vmem>> -> memref<1x128x32xf32, #tpu.memory_space<vmem>>
    %dma_start3A_43 = tpu.memref_squeeze %dma_start3A_42 : memref<1x128x32xf32, #tpu.memory_space<vmem>> -> memref<128x32xf32, #tpu.memory_space<vmem>>
    %dma_start3A_44 = arith.constant 0 : i32
    %dma_start3A_45 = tpu.memref_slice %arg6[%dma_start3A, %dma_start3A_44] : memref<50x128xi32, #tpu.memory_space<vmem>> -> memref<1x128xi32, #tpu.memory_space<vmem>>
    %dma_start3A_46 = tpu.memref_squeeze %dma_start3A_45 : memref<1x128xi32, #tpu.memory_space<vmem>> -> memref<128xi32, #tpu.memory_space<vmem>>
    %dma_start3A_47 = arith.constant 0 : i32
    %dma_start3A_48 = arith.constant 0 : i32
    %dma_start3A_49 = tpu.memref_slice %arg2[%dma_start3A_47, %dma_start3A_48] : memref<100001x32xf32, #tpu.memory_space<hbm>> -> memref<100001x32xf32, #tpu.memory_space<hbm>>
    tpu.enqueue_indirect_dma source(%dma_start3A_49 : memref<100001x32xf32, #tpu.memory_space<hbm>>) target(%dma_start3A_43 : memref<128x32xf32, #tpu.memory_space<vmem>>) offsets(%dma_start3A_46 : memref<128xi32, #tpu.memory_space<vmem>>) semaphore(%arg8 : memref<!tpu.dma_semaphore, #tpu.memory_space<semaphore_mem>>)
    %dma_start3A_50 = arith.constant 1 : i32
    %dma_start3A_51 = arith.constant 1 : i32
    %dma_start3A_52 = arith.constant 0 : i32
    %dma_start3A_53 = arith.constant 0 : i32
    %dma_start3A_54 = tpu.memref_slice %arg7[%dma_start3A_51, %dma_start3A_52, %dma_start3A_53] : memref<5x128x32xf32, #tpu.memory_space<vmem>> -> memref<1x128x32xf32, #tpu.memory_space<vmem>>
    %dma_start3A_55 = tpu.memref_squeeze %dma_start3A_54 : memref<1x128x32xf32, #tpu.memory_space<vmem>> -> memref<128x32xf32, #tpu.memory_space<vmem>>
    %dma_start3A_56 = arith.constant 0 : i32
    %dma_start3A_57 = tpu.memref_slice %arg6[%dma_start3A_50, %dma_start3A_56] : memref<50x128xi32, #tpu.memory_space<vmem>> -> memref<1x128xi32, #tpu.memory_space<vmem>>
    %dma_start3A_58 = tpu.memref_squeeze %dma_start3A_57 : memref<1x128xi32, #tpu.memory_space<vmem>> -> memref<128xi32, #tpu.memory_space<vmem>>
    %dma_start3A_59 = arith.constant 0 : i32
    %dma_start3A_60 = arith.constant 0 : i32
    %dma_start3A_61 = tpu.memref_slice %arg2[%dma_start3A_59, %dma_start3A_60] : memref<100001x32xf32, #tpu.memory_space<hbm>> -> memref<100001x32xf32, #tpu.memory_space<hbm>>
    tpu.enqueue_indirect_dma source(%dma_start3A_61 : memref<100001x32xf32, #tpu.memory_space<hbm>>) target(%dma_start3A_55 : memref<128x32xf32, #tpu.memory_space<vmem>>) offsets(%dma_start3A_58 : memref<128xi32, #tpu.memory_space<vmem>>) semaphore(%arg8 : memref<!tpu.dma_semaphore, #tpu.memory_space<semaphore_mem>>)
    %dma_start3A_62 = arith.constant 2 : i32
    %dma_start3A_63 = arith.constant 2 : i32
    %dma_start3A_64 = arith.constant 0 : i32
    %dma_start3A_65 = arith.constant 0 : i32
    %dma_start3A_66 = tpu.memref_slice %arg7[%dma_start3A_63, %dma_start3A_64, %dma_start3A_65] : memref<5x128x32xf32, #tpu.memory_space<vmem>> -> memref<1x128x32xf32, #tpu.memory_space<vmem>>
    %dma_start3A_67 = tpu.memref_squeeze %dma_start3A_66 : memref<1x128x32xf32, #tpu.memory_space<vmem>> -> memref<128x32xf32, #tpu.memory_space<vmem>>
    %dma_start3A_68 = arith.constant 0 : i32
    %dma_start3A_69 = tpu.memref_slice %arg6[%dma_start3A_62, %dma_start3A_68] : memref<50x128xi32, #tpu.memory_space<vmem>> -> memref<1x128xi32, #tpu.memory_space<vmem>>
    %dma_start3A_70 = tpu.memref_squeeze %dma_start3A_69 : memref<1x128xi32, #tpu.memory_space<vmem>> -> memref<128xi32, #tpu.memory_space<vmem>>
    %dma_start3A_71 = arith.constant 0 : i32
    %dma_start3A_72 = arith.constant 0 : i32
    %dma_start3A_73 = tpu.memref_slice %arg2[%dma_start3A_71, %dma_start3A_72] : memref<100001x32xf32, #tpu.memory_space<hbm>> -> memref<100001x32xf32, #tpu.memory_space<hbm>>
    tpu.enqueue_indirect_dma source(%dma_start3A_73 : memref<100001x32xf32, #tpu.memory_space<hbm>>) target(%dma_start3A_67 : memref<128x32xf32, #tpu.memory_space<vmem>>) offsets(%dma_start3A_70 : memref<128xi32, #tpu.memory_space<vmem>>) semaphore(%arg8 : memref<!tpu.dma_semaphore, #tpu.memory_space<semaphore_mem>>)
    %scan3A_74 = arith.constant 0 : i32
    %scan3A_75 = arith.constant 0 : i32
    %scan3A_76 = arith.constant 50 : i32
    %scan3A_77 = arith.addi %scan3A_75, %scan3A_76 : i32
    %scan3A_78 = arith.constant 1 : i32
    %scan3A_79 = scf.for %scan3A_116 = %scan3A_75 to %scan3A_77 step %scan3A_78 iter_args(%scan3A_117 = %scan3A_74) -> (i32)  : i32 {
      %dma_wait3A_118 = arith.constant 0 : i32
      %dma_wait3A_119 = arith.constant 0 : i32
      %dma_wait3A_120 = arith.constant 0 : i32
      %dma_wait3A_121 = arith.constant 0 : i32
      %dma_wait3A_122 = tpu.memref_slice %arg7[%dma_wait3A_119, %dma_wait3A_120, %dma_wait3A_121] : memref<5x128x32xf32, #tpu.memory_space<vmem>> -> memref<1x128x32xf32, #tpu.memory_space<vmem>>
      %dma_wait3A_123 = tpu.memref_squeeze %dma_wait3A_122 : memref<1x128x32xf32, #tpu.memory_space<vmem>> -> memref<128x32xf32, #tpu.memory_space<vmem>>
      %dma_wait3A_124 = arith.constant 0 : i32
      %dma_wait3A_125 = tpu.memref_slice %arg6[%dma_wait3A_118, %dma_wait3A_124] : memref<50x128xi32, #tpu.memory_space<vmem>> -> memref<1x128xi32, #tpu.memory_space<vmem>>
      %dma_wait3A_126 = tpu.memref_squeeze %dma_wait3A_125 : memref<1x128xi32, #tpu.memory_space<vmem>> -> memref<128xi32, #tpu.memory_space<vmem>>
      %dma_wait3A_127 = arith.constant 0 : i32
      %dma_wait3A_128 = arith.constant 0 : i32
      %dma_wait3A_129 = tpu.memref_slice %arg2[%dma_wait3A_127, %dma_wait3A_128] : memref<100001x32xf32, #tpu.memory_space<hbm>> -> memref<100001x32xf32, #tpu.memory_space<hbm>>
      tpu.wait_indirect_dma semaphore(%arg8 : memref<!tpu.dma_semaphore, #tpu.memory_space<semaphore_mem>>) src(%dma_wait3A_129 : memref<100001x32xf32, #tpu.memory_space<hbm>>) dst(%dma_wait3A_123 : memref<128x32xf32, #tpu.memory_space<vmem>>)
      %jit3A_130 = arith.constant 5 : i32
      %eq3A = arith.constant 0 : i32
      %eq3A_131 = arith.cmpi eq, %jit3A_130, %eq3A : i32
      %jit3A_132 = arith.constant 1 : i32
      %select_n3A_133 = arith.select %eq3A_131, %jit3A_132, %jit3A_130 : i32
      %rem3A_134 = arith.remsi %scan3A_116, %select_n3A_133 : i32
      %ne3A_135 = arith.constant 0 : i32
      %ne3A_136 = arith.cmpi ne, %rem3A_134, %ne3A_135 : i32
      %lt3A = arith.constant 0 : i32
      %lt3A_137 = arith.cmpi slt, %rem3A_134, %lt3A : i32
      %lt3A_138 = arith.constant 0 : i32
      %lt3A_139 = arith.cmpi slt, %select_n3A_133, %lt3A_138 : i32
      %ne3A_140 = arith.xori %lt3A_137, %lt3A_139 : i1
      %and3A_141 = arith.andi %ne3A_140, %ne3A_136 : i1
      %add3A_142 = arith.addi %rem3A_134, %select_n3A_133 : i32
      %select_n3A_143 = arith.select %and3A_141, %add3A_142, %rem3A_134 : i32
      %add3A_144 = arith.addi %mul3A_2, %scan3A_116 : i32
      %dma_start3A_145 = arith.constant 0 : i32
      %dma_start3A_146 = arith.constant 0 : i32
      %dma_start3A_147 = tpu.memref_slice %arg7[%select_n3A_143, %dma_start3A_145, %dma_start3A_146] : memref<5x128x32xf32, #tpu.memory_space<vmem>> -> memref<1x128x32xf32, #tpu.memory_space<vmem>>
      %dma_start3A_148 = tpu.memref_squeeze %dma_start3A_147 : memref<1x128x32xf32, #tpu.memory_space<vmem>> -> memref<128x32xf32, #tpu.memory_space<vmem>>
      %dma_start3A_149 = arith.constant 0 : i32
      %dma_start3A_150 = arith.constant 0 : i32
      %dma_start3A_151 = tpu.memref_slice %arg4[%add3A_144, %dma_start3A_149, %dma_start3A_150] : memref<1600x128x32xf32, #tpu.memory_space<hbm>> -> memref<1x128x32xf32, #tpu.memory_space<hbm>>
      %dma_start3A_152 = tpu.memref_squeeze %dma_start3A_151 : memref<1x128x32xf32, #tpu.memory_space<hbm>> -> memref<128x32xf32, #tpu.memory_space<hbm>>
      %dma_start3A_153 = arith.constant 0 : i32
      %dma_start3A_154 = arith.constant 0 : i32
      %dma_start3A_155 = tpu.memref_slice %arg4[%add3A_144, %dma_start3A_153, %dma_start3A_154] : memref<1600x128x32xf32, #tpu.memory_space<hbm>> -> memref<1x128x32xf32, #tpu.memory_space<hbm>>
      %dma_start3A_156 = tpu.memref_squeeze %dma_start3A_155 : memref<1x128x32xf32, #tpu.memory_space<hbm>> -> memref<128x32xf32, #tpu.memory_space<hbm>>
      %dma_start3A_157 = arith.constant 0 : i32
      %dma_start3A_158 = arith.constant 0 : i32
      %dma_start3A_159 = tpu.memref_slice %arg7[%select_n3A_143, %dma_start3A_157, %dma_start3A_158] : memref<5x128x32xf32, #tpu.memory_space<vmem>> -> memref<1x128x32xf32, #tpu.memory_space<vmem>>
      %dma_start3A_160 = tpu.memref_squeeze %dma_start3A_159 : memref<1x128x32xf32, #tpu.memory_space<vmem>> -> memref<128x32xf32, #tpu.memory_space<vmem>>
      tpu.enqueue_dma source(%dma_start3A_160 : memref<128x32xf32, #tpu.memory_space<vmem>>) target(%dma_start3A_156 : memref<128x32xf32, #tpu.memory_space<hbm>>) target_semaphore(%arg9 : memref<!tpu.dma_semaphore, #tpu.memory_space<semaphore_mem>>)
      %ge3A = arith.constant 2 : i32
      %ge3A_161 = arith.cmpi sge, %scan3A_116, %ge3A : i32
      %convert_element_type3A = arith.extui %ge3A_161 : i1 to i32
      %cond3A = arith.constant 0 : i32
      %cond3A_162 = arith.cmpi ne, %convert_element_type3A, %cond3A : i32
      scf.if %cond3A_162 {
        %dma_wait3A_173 = arith.constant 0 : i32
        %dma_wait3A_174 = arith.constant 0 : i32
        %dma_wait3A_175 = arith.constant 0 : i32
        %dma_wait3A_176 = arith.constant 0 : i32
        %dma_wait3A_177 = tpu.memref_slice %arg7[%dma_wait3A_173, %dma_wait3A_175, %dma_wait3A_176] : memref<5x128x32xf32, #tpu.memory_space<vmem>> -> memref<1x128x32xf32, #tpu.memory_space<vmem>>
        %dma_wait3A_178 = tpu.memref_squeeze %dma_wait3A_177 : memref<1x128x32xf32, #tpu.memory_space<vmem>> -> memref<128x32xf32, #tpu.memory_space<vmem>>
        %dma_wait3A_179 = arith.constant 0 : i32
        %dma_wait3A_180 = arith.constant 0 : i32
        %dma_wait3A_181 = tpu.memref_slice %arg4[%dma_wait3A_174, %dma_wait3A_179, %dma_wait3A_180] : memref<1600x128x32xf32, #tpu.memory_space<hbm>> -> memref<1x128x32xf32, #tpu.memory_space<hbm>>
        %dma_wait3A_182 = tpu.memref_squeeze %dma_wait3A_181 : memref<1x128x32xf32, #tpu.memory_space<hbm>> -> memref<128x32xf32, #tpu.memory_space<hbm>>
        %dma_wait3A_183 = arith.constant 0 : i32
        %dma_wait3A_184 = arith.constant 0 : i32
        %dma_wait3A_185 = tpu.memref_slice %arg4[%dma_wait3A_174, %dma_wait3A_183, %dma_wait3A_184] : memref<1600x128x32xf32, #tpu.memory_space<hbm>> -> memref<1x128x32xf32, #tpu.memory_space<hbm>>
        %dma_wait3A_186 = tpu.memref_squeeze %dma_wait3A_185 : memref<1x128x32xf32, #tpu.memory_space<hbm>> -> memref<128x32xf32, #tpu.memory_space<hbm>>
        %dma_wait3A_187 = arith.constant 0 : i32
        %dma_wait3A_188 = arith.constant 0 : i32
        %dma_wait3A_189 = tpu.memref_slice %arg7[%dma_wait3A_173, %dma_wait3A_187, %dma_wait3A_188] : memref<5x128x32xf32, #tpu.memory_space<vmem>> -> memref<1x128x32xf32, #tpu.memory_space<vmem>>
        %dma_wait3A_190 = tpu.memref_squeeze %dma_wait3A_189 : memref<1x128x32xf32, #tpu.memory_space<vmem>> -> memref<128x32xf32, #tpu.memory_space<vmem>>
        tpu.wait_dma2 semaphore(%arg9 : memref<!tpu.dma_semaphore, #tpu.memory_space<semaphore_mem>>) src(%dma_wait3A_190 : memref<128x32xf32, #tpu.memory_space<vmem>>) dst(%dma_wait3A_186 : memref<128x32xf32, #tpu.memory_space<hbm>>)
      } else {
      }
      %add3A_163 = arith.constant 2 : i32
      %add3A_164 = arith.addi %scan3A_116, %add3A_163 : i32
      %add3A_165 = arith.constant 1 : i32
      %add3A_166 = arith.addi %add3A_164, %add3A_165 : i32
      %lt3A_167 = arith.constant 50 : i32
      %lt3A_168 = arith.cmpi slt, %add3A_166, %lt3A_167 : i32
      %convert_element_type3A_169 = arith.extui %lt3A_168 : i1 to i32
      %cond3A_170 = arith.constant 0 : i32
      %cond3A_171 = arith.cmpi ne, %convert_element_type3A_169, %cond3A_170 : i32
      scf.if %cond3A_171 {
        %add3A_173 = arith.constant 2 : i32
        %add3A_174 = arith.addi %scan3A_116, %add3A_173 : i32
        %add3A_175 = arith.constant 1 : i32
        %add3A_176 = arith.addi %add3A_174, %add3A_175 : i32
        %jit3A_177 = arith.constant 5 : i32
        %eq3A_178 = arith.constant 0 : i32
        %eq3A_179 = arith.cmpi eq, %jit3A_177, %eq3A_178 : i32
        %jit3A_180 = arith.constant 1 : i32
        %select_n3A_181 = arith.select %eq3A_179, %jit3A_180, %jit3A_177 : i32
        %rem3A_182 = arith.remsi %add3A_176, %select_n3A_181 : i32
        %ne3A_183 = arith.constant 0 : i32
        %ne3A_184 = arith.cmpi ne, %rem3A_182, %ne3A_183 : i32
        %lt3A_185 = arith.constant 0 : i32
        %lt3A_186 = arith.cmpi slt, %rem3A_182, %lt3A_185 : i32
        %lt3A_187 = arith.constant 0 : i32
        %lt3A_188 = arith.cmpi slt, %select_n3A_181, %lt3A_187 : i32
        %ne3A_189 = arith.xori %lt3A_186, %lt3A_188 : i1
        %and3A_190 = arith.andi %ne3A_189, %ne3A_184 : i1
        %add3A_191 = arith.addi %rem3A_182, %select_n3A_181 : i32
        %select_n3A_192 = arith.select %and3A_190, %add3A_191, %rem3A_182 : i32
        %dma_start3A_193 = arith.constant 0 : i32
        %dma_start3A_194 = arith.constant 0 : i32
        %dma_start3A_195 = tpu.memref_slice %arg7[%select_n3A_192, %dma_start3A_193, %dma_start3A_194] : memref<5x128x32xf32, #tpu.memory_space<vmem>> -> memref<1x128x32xf32, #tpu.memory_space<vmem>>
        %dma_start3A_196 = tpu.memref_squeeze %dma_start3A_195 : memref<1x128x32xf32, #tpu.memory_space<vmem>> -> memref<128x32xf32, #tpu.memory_space<vmem>>
        %dma_start3A_197 = arith.constant 0 : i32
        %dma_start3A_198 = tpu.memref_slice %arg6[%add3A_176, %dma_start3A_197] : memref<50x128xi32, #tpu.memory_space<vmem>> -> memref<1x128xi32, #tpu.memory_space<vmem>>
        %dma_start3A_199 = tpu.memref_squeeze %dma_start3A_198 : memref<1x128xi32, #tpu.memory_space<vmem>> -> memref<128xi32, #tpu.memory_space<vmem>>
        %dma_start3A_200 = arith.constant 0 : i32
        %dma_start3A_201 = arith.constant 0 : i32
        %dma_start3A_202 = tpu.memref_slice %arg2[%dma_start3A_200, %dma_start3A_201] : memref<100001x32xf32, #tpu.memory_space<hbm>> -> memref<100001x32xf32, #tpu.memory_space<hbm>>
        tpu.enqueue_indirect_dma source(%dma_start3A_202 : memref<100001x32xf32, #tpu.memory_space<hbm>>) target(%dma_start3A_196 : memref<128x32xf32, #tpu.memory_space<vmem>>) offsets(%dma_start3A_199 : memref<128xi32, #tpu.memory_space<vmem>>) semaphore(%arg8 : memref<!tpu.dma_semaphore, #tpu.memory_space<semaphore_mem>>)
      } else {
      }
      %scan3A_172 = arith.constant 0 : i32
      scf.yield %scan3A_172 : i32
    }
    %scan3A_80 = arith.constant 50 : i32
    %dma_wait3A = arith.constant 0 : i32
    %dma_wait3A_81 = arith.constant 0 : i32
    %dma_wait3A_82 = arith.constant 0 : i32
    %dma_wait3A_83 = arith.constant 0 : i32
    %dma_wait3A_84 = tpu.memref_slice %arg7[%dma_wait3A, %dma_wait3A_82, %dma_wait3A_83] : memref<5x128x32xf32, #tpu.memory_space<vmem>> -> memref<1x128x32xf32, #tpu.memory_space<vmem>>
    %dma_wait3A_85 = tpu.memref_squeeze %dma_wait3A_84 : memref<1x128x32xf32, #tpu.memory_space<vmem>> -> memref<128x32xf32, #tpu.memory_space<vmem>>
    %dma_wait3A_86 = arith.constant 0 : i32
    %dma_wait3A_87 = arith.constant 0 : i32
    %dma_wait3A_88 = tpu.memref_slice %arg4[%dma_wait3A_81, %dma_wait3A_86, %dma_wait3A_87] : memref<1600x128x32xf32, #tpu.memory_space<hbm>> -> memref<1x128x32xf32, #tpu.memory_space<hbm>>
    %dma_wait3A_89 = tpu.memref_squeeze %dma_wait3A_88 : memref<1x128x32xf32, #tpu.memory_space<hbm>> -> memref<128x32xf32, #tpu.memory_space<hbm>>
    %dma_wait3A_90 = arith.constant 0 : i32
    %dma_wait3A_91 = arith.constant 0 : i32
    %dma_wait3A_92 = tpu.memref_slice %arg4[%dma_wait3A_81, %dma_wait3A_90, %dma_wait3A_91] : memref<1600x128x32xf32, #tpu.memory_space<hbm>> -> memref<1x128x32xf32, #tpu.memory_space<hbm>>
    %dma_wait3A_93 = tpu.memref_squeeze %dma_wait3A_92 : memref<1x128x32xf32, #tpu.memory_space<hbm>> -> memref<128x32xf32, #tpu.memory_space<hbm>>
    %dma_wait3A_94 = arith.constant 0 : i32
    %dma_wait3A_95 = arith.constant 0 : i32
    %dma_wait3A_96 = tpu.memref_slice %arg7[%dma_wait3A, %dma_wait3A_94, %dma_wait3A_95] : memref<5x128x32xf32, #tpu.memory_space<vmem>> -> memref<1x128x32xf32, #tpu.memory_space<vmem>>
    %dma_wait3A_97 = tpu.memref_squeeze %dma_wait3A_96 : memref<1x128x32xf32, #tpu.memory_space<vmem>> -> memref<128x32xf32, #tpu.memory_space<vmem>>
    tpu.wait_dma2 semaphore(%arg9 : memref<!tpu.dma_semaphore, #tpu.memory_space<semaphore_mem>>) src(%dma_wait3A_97 : memref<128x32xf32, #tpu.memory_space<vmem>>) dst(%dma_wait3A_93 : memref<128x32xf32, #tpu.memory_space<hbm>>)
    %dma_wait3A_98 = arith.constant 0 : i32
    %dma_wait3A_99 = arith.constant 0 : i32
    %dma_wait3A_100 = arith.constant 0 : i32
    %dma_wait3A_101 = arith.constant 0 : i32
    %dma_wait3A_102 = tpu.memref_slice %arg7[%dma_wait3A_98, %dma_wait3A_100, %dma_wait3A_101] : memref<5x128x32xf32, #tpu.memory_space<vmem>> -> memref<1x128x32xf32, #tpu.memory_space<vmem>>
    %dma_wait3A_103 = tpu.memref_squeeze %dma_wait3A_102 : memref<1x128x32xf32, #tpu.memory_space<vmem>> -> memref<128x32xf32, #tpu.memory_space<vmem>>
    %dma_wait3A_104 = arith.constant 0 : i32
    %dma_wait3A_105 = arith.constant 0 : i32
    %dma_wait3A_106 = tpu.memref_slice %arg4[%dma_wait3A_99, %dma_wait3A_104, %dma_wait3A_105] : memref<1600x128x32xf32, #tpu.memory_space<hbm>> -> memref<1x128x32xf32, #tpu.memory_space<hbm>>
    %dma_wait3A_107 = tpu.memref_squeeze %dma_wait3A_106 : memref<1x128x32xf32, #tpu.memory_space<hbm>> -> memref<128x32xf32, #tpu.memory_space<hbm>>
    %dma_wait3A_108 = arith.constant 0 : i32
    %dma_wait3A_109 = arith.constant 0 : i32
    %dma_wait3A_110 = tpu.memref_slice %arg4[%dma_wait3A_99, %dma_wait3A_108, %dma_wait3A_109] : memref<1600x128x32xf32, #tpu.memory_space<hbm>> -> memref<1x128x32xf32, #tpu.memory_space<hbm>>
    %dma_wait3A_111 = tpu.memref_squeeze %dma_wait3A_110 : memref<1x128x32xf32, #tpu.memory_space<hbm>> -> memref<128x32xf32, #tpu.memory_space<hbm>>
    %dma_wait3A_112 = arith.constant 0 : i32
    %dma_wait3A_113 = arith.constant 0 : i32
    %dma_wait3A_114 = tpu.memref_slice %arg7[%dma_wait3A_98, %dma_wait3A_112, %dma_wait3A_113] : memref<5x128x32xf32, #tpu.memory_space<vmem>> -> memref<1x128x32xf32, #tpu.memory_space<vmem>>
    %dma_wait3A_115 = tpu.memref_squeeze %dma_wait3A_114 : memref<1x128x32xf32, #tpu.memory_space<vmem>> -> memref<128x32xf32, #tpu.memory_space<vmem>>
    tpu.wait_dma2 semaphore(%arg9 : memref<!tpu.dma_semaphore, #tpu.memory_space<semaphore_mem>>) src(%dma_wait3A_115 : memref<128x32xf32, #tpu.memory_space<vmem>>) dst(%dma_wait3A_111 : memref<128x32xf32, #tpu.memory_space<hbm>>)
    return
  }
}

#map = affine_map<(d0, d1) -> (0, 0)>
#map1 = affine_map<(d0, d1) -> (0)>
#map2 = affine_map<(d0, d1) -> (0, 0, 0)>
module attributes {stable_mosaic.version = 14 : i64} {
  func.func @embed(%arg0: i32, %arg1: i32, %arg2: memref<100001x32xf32, #tpu.memory_space<hbm>>, %arg3: memref<819200xi32, #tpu.memory_space<hbm>>, %arg4: memref<1600x128x32xf32, #tpu.memory_space<hbm>>, %arg5: memref<12288xi32, #tpu.memory_space<vmem>>, %arg6: memref<50x128xi32, #tpu.memory_space<vmem>>, %arg7: memref<5x128x32xf32, #tpu.memory_space<vmem>>, %arg8: memref<!tpu.dma_semaphore, #tpu.memory_space<semaphore_mem>>, %arg9: memref<!tpu.dma_semaphore, #tpu.memory_space<semaphore_mem>>) attributes {dimension_semantics = [#tpu.dimension_semantics<core_parallel>, #tpu.dimension_semantics<subcore_parallel>], iteration_bounds = array<i64: 2, 16>, scalar_prefetch = 0 : i64, scratch_operands = 5 : i64, tpu.core_type = #tpu.core_type<sc_vector_subcore>, window_params = [{transform_indices = #map}, {transform_indices = #map1}, {transform_indices = #map2}]} {
    %mul3A = arith.constant 2 : i32
    %mul3A_0 = arith.muli %arg1, %mul3A : i32
    %add3A = arith.addi %mul3A_0, %arg0 : i32
    %mul3A_1 = arith.constant 50 : i32
    %mul3A_2 = arith.muli %add3A, %mul3A_1 : i32
    %add3A_3 = arith.constant 1600 : i32
    %add3A_4 = arith.addi %add3A_3, %mul3A_2 : i32
    %jit3A = arith.constant 32 : i32
    %div3A = arith.divsi %add3A_4, %jit3A : i32
    %sign3A = arith.constant 0 : i32
    %sign3A_5 = arith.cmpi sgt, %add3A_4, %sign3A : i32
    %sign3A_6 = arith.extui %sign3A_5 : i1 to i32
    %sign3A_7 = arith.constant 0 : i32
    %sign3A_8 = arith.cmpi slt, %add3A_4, %sign3A_7 : i32
    %sign3A_9 = arith.extui %sign3A_8 : i1 to i32
    %sign3A_10 = arith.subi %sign3A_6, %sign3A_9 : i32
    %sign3A_11 = arith.constant 0 : i32
    %sign3A_12 = arith.cmpi sgt, %jit3A, %sign3A_11 : i32
    %sign3A_13 = arith.extui %sign3A_12 : i1 to i32
    %sign3A_14 = arith.constant 0 : i32
    %sign3A_15 = arith.cmpi slt, %jit3A, %sign3A_14 : i32
    %sign3A_16 = arith.extui %sign3A_15 : i1 to i32
    %sign3A_17 = arith.subi %sign3A_13, %sign3A_16 : i32
    %ne3A = arith.cmpi ne, %sign3A_10, %sign3A_17 : i32
    %rem3A = arith.remsi %add3A_4, %jit3A : i32
    %ne3A_18 = arith.constant 0 : i32
    %ne3A_19 = arith.cmpi ne, %rem3A, %ne3A_18 : i32
    %and3A = arith.andi %ne3A, %ne3A_19 : i1
    %sub3A = arith.constant 1 : i32
    %sub3A_20 = arith.subi %div3A, %sub3A : i32
    %select_n3A = arith.select %and3A, %sub3A_20, %div3A : i32
    %min3A = arith.constant 197 : i32
    %min3A_21 = arith.minsi %select_n3A, %min3A : i32
    %mul3A_22 = arith.constant 4096 : i32
    %mul3A_23 = arith.muli %min3A_21, %mul3A_22 : i32
    "tpu.region"() ({
      %run_scoped3A = tpu.sem_alloc : memref<!tpu.dma_semaphore, #tpu.memory_space<semaphore_mem>>
      %dma_start3A_116 = tpu.memref_slice %arg3[%mul3A_23] : memref<819200xi32, #tpu.memory_space<hbm>> -> memref<12288xi32, #tpu.memory_space<hbm>>
      %dma_start3A_117 = tpu.memref_slice %arg3[%mul3A_23] : memref<819200xi32, #tpu.memory_space<hbm>> -> memref<12288xi32, #tpu.memory_space<hbm>>
      tpu.enqueue_dma source(%dma_start3A_117 : memref<12288xi32, #tpu.memory_space<hbm>>) target(%arg5 : memref<12288xi32, #tpu.memory_space<vmem>>) target_semaphore(%run_scoped3A : memref<!tpu.dma_semaphore, #tpu.memory_space<semaphore_mem>>)
      %dma_wait3A_118 = tpu.memref_slice %arg3[%mul3A_23] : memref<819200xi32, #tpu.memory_space<hbm>> -> memref<12288xi32, #tpu.memory_space<hbm>>
      %dma_wait3A_119 = tpu.memref_slice %arg3[%mul3A_23] : memref<819200xi32, #tpu.memory_space<hbm>> -> memref<12288xi32, #tpu.memory_space<hbm>>
      tpu.wait_dma2 semaphore(%run_scoped3A : memref<!tpu.dma_semaphore, #tpu.memory_space<semaphore_mem>>) src(%dma_wait3A_119 : memref<12288xi32, #tpu.memory_space<hbm>>) dst(%arg5 : memref<12288xi32, #tpu.memory_space<vmem>>)
      tpu.yield
    }) : () -> ()
    %iota3A = tpu.iota {dimensions = array<i32: 0>} : vector<16xi32>
    %and3A_24 = arith.constant 3 : i32
    %and3A_25 = vector.broadcast %and3A_24 : i32 to vector<16xi32>
    %and3A_26 = arith.andi %iota3A, %and3A_25 : vector<16xi32>
    %mul3A_27 = arith.constant 1024 : i32
    %mul3A_28 = vector.broadcast %mul3A_27 : i32 to vector<16xi32>
    %mul3A_29 = arith.muli %mul3A_28, %and3A_26 : vector<16xi32>
    %shift_right_arithmetic3A = arith.constant 2 : i32
    %shift_right_arithmetic3A_30 = vector.broadcast %shift_right_arithmetic3A : i32 to vector<16xi32>
    %shift_right_arithmetic3A_31 = arith.shrsi %iota3A, %shift_right_arithmetic3A_30 : vector<16xi32>
    %add3A_32 = arith.addi %mul3A_29, %shift_right_arithmetic3A_31 : vector<16xi32>
    %scan3A = arith.constant 0 : i32
    %scan3A_33 = arith.constant 0 : i32
    %scan3A_34 = arith.constant 50 : i32
    %scan3A_35 = arith.addi %scan3A_33, %scan3A_34 : i32
    %scan3A_36 = arith.constant 1 : i32
    %scan3A_37 = scf.for %scan3A_116 = %scan3A_33 to %scan3A_35 step %scan3A_36 iter_args(%scan3A_117 = %scan3A) -> (i32)  : i32 {
      %add3A_118 = arith.addi %add3A_4, %scan3A_116 : i32
      %jit3A_119 = arith.constant 32 : i32
      %div3A_120 = arith.divsi %add3A_118, %jit3A_119 : i32
      %sign3A_121 = arith.constant 0 : i32
      %sign3A_122 = arith.cmpi sgt, %add3A_118, %sign3A_121 : i32
      %sign3A_123 = arith.extui %sign3A_122 : i1 to i32
      %sign3A_124 = arith.constant 0 : i32
      %sign3A_125 = arith.cmpi slt, %add3A_118, %sign3A_124 : i32
      %sign3A_126 = arith.extui %sign3A_125 : i1 to i32
      %sign3A_127 = arith.subi %sign3A_123, %sign3A_126 : i32
      %sign3A_128 = arith.constant 0 : i32
      %sign3A_129 = arith.cmpi sgt, %jit3A_119, %sign3A_128 : i32
      %sign3A_130 = arith.extui %sign3A_129 : i1 to i32
      %sign3A_131 = arith.constant 0 : i32
      %sign3A_132 = arith.cmpi slt, %jit3A_119, %sign3A_131 : i32
      %sign3A_133 = arith.extui %sign3A_132 : i1 to i32
      %sign3A_134 = arith.subi %sign3A_130, %sign3A_133 : i32
      %ne3A_135 = arith.cmpi ne, %sign3A_127, %sign3A_134 : i32
      %rem3A_136 = arith.remsi %add3A_118, %jit3A_119 : i32
      %ne3A_137 = arith.constant 0 : i32
      %ne3A_138 = arith.cmpi ne, %rem3A_136, %ne3A_137 : i32
      %and3A_139 = arith.andi %ne3A_135, %ne3A_138 : i1
      %sub3A_140 = arith.constant 1 : i32
      %sub3A_141 = arith.subi %div3A_120, %sub3A_140 : i32
      %select_n3A_142 = arith.select %and3A_139, %sub3A_141, %div3A_120 : i32
      %sub3A_143 = arith.subi %select_n3A_142, %min3A_21 : i32
      %mul3A_144 = arith.constant 4096 : i32
      %mul3A_145 = arith.muli %sub3A_143, %mul3A_144 : i32
      %jit3A_146 = arith.constant 32 : i32
      %eq3A = arith.constant 0 : i32
      %eq3A_147 = arith.cmpi eq, %jit3A_146, %eq3A : i32
      %jit3A_148 = arith.constant 1 : i32
      %select_n3A_149 = arith.select %eq3A_147, %jit3A_148, %jit3A_146 : i32
      %rem3A_150 = arith.remsi %add3A_118, %select_n3A_149 : i32
      %ne3A_151 = arith.constant 0 : i32
      %ne3A_152 = arith.cmpi ne, %rem3A_150, %ne3A_151 : i32
      %lt3A = arith.constant 0 : i32
      %lt3A_153 = arith.cmpi slt, %rem3A_150, %lt3A : i32
      %lt3A_154 = arith.constant 0 : i32
      %lt3A_155 = arith.cmpi slt, %select_n3A_149, %lt3A_154 : i32
      %ne3A_156 = arith.xori %lt3A_153, %lt3A_155 : i1
      %and3A_157 = arith.andi %ne3A_156, %ne3A_152 : i1
      %add3A_158 = arith.addi %rem3A_150, %select_n3A_149 : i32
      %select_n3A_159 = arith.select %and3A_157, %add3A_158, %rem3A_150 : i32
      %mul3A_160 = arith.constant 32 : i32
      %mul3A_161 = arith.muli %select_n3A_159, %mul3A_160 : i32
      %add3A_162 = arith.addi %mul3A_145, %mul3A_161 : i32
      %add3A_163 = arith.constant 0 : i32
      %add3A_164 = arith.addi %add3A_162, %add3A_163 : i32
      %add3A_165 = vector.broadcast %add3A_164 : i32 to vector<16xi32>
      %add3A_166 = arith.addi %add3A_32, %add3A_165 : vector<16xi32>
      %gather3A = tpu.vector_load_idx %arg5[%add3A_166] : memref<12288xi32, #tpu.memory_space<vmem>>[vector<16xi32>], vector<16xi32>,
      %swap3A = arith.index_cast %scan3A_116 : i32 to index
      %swap3A_167 = arith.constant 0 : index
      %swap3A_168 = tpu.vector_load %arg6[%swap3A, %swap3A_167] {strides = array<i32>} : memref<50x128xi32, #tpu.memory_space<vmem>>, vector<16xi32>,
      tpu.vector_store %arg6[%swap3A, %swap3A_167], %gather3A {strides = array<i32>} : memref<50x128xi32, #tpu.memory_space<vmem>>, vector<16xi32>,
      %add3A_169 = arith.constant 4 : i32
      %add3A_170 = arith.addi %add3A_162, %add3A_169 : i32
      %add3A_171 = vector.broadcast %add3A_170 : i32 to vector<16xi32>
      %add3A_172 = arith.addi %add3A_32, %add3A_171 : vector<16xi32>
      %gather3A_173 = tpu.vector_load_idx %arg5[%add3A_172] : memref<12288xi32, #tpu.memory_space<vmem>>[vector<16xi32>], vector<16xi32>,
      %swap3A_174 = arith.index_cast %scan3A_116 : i32 to index
      %swap3A_175 = arith.constant 16 : index
      %swap3A_176 = tpu.vector_load %arg6[%swap3A_174, %swap3A_175] {strides = array<i32>} : memref<50x128xi32, #tpu.memory_space<vmem>>, vector<16xi32>,
      tpu.vector_store %arg6[%swap3A_174, %swap3A_175], %gather3A_173 {strides = array<i32>} : memref<50x128xi32, #tpu.memory_space<vmem>>, vector<16xi32>,
      %add3A_177 = arith.constant 8 : i32
      %add3A_178 = arith.addi %add3A_162, %add3A_177 : i32
      %add3A_179 = vector.broadcast %add3A_178 : i32 to vector<16xi32>
      %add3A_180 = arith.addi %add3A_32, %add3A_179 : vector<16xi32>
      %gather3A_181 = tpu.vector_load_idx %arg5[%add3A_180] : memref<12288xi32, #tpu.memory_space<vmem>>[vector<16xi32>], vector<16xi32>,
      %swap3A_182 = arith.index_cast %scan3A_116 : i32 to index
      %swap3A_183 = arith.constant 32 : index
      %swap3A_184 = tpu.vector_load %arg6[%swap3A_182, %swap3A_183] {strides = array<i32>} : memref<50x128xi32, #tpu.memory_space<vmem>>, vector<16xi32>,
      tpu.vector_store %arg6[%swap3A_182, %swap3A_183], %gather3A_181 {strides = array<i32>} : memref<50x128xi32, #tpu.memory_space<vmem>>, vector<16xi32>,
      %add3A_185 = arith.constant 12 : i32
      %add3A_186 = arith.addi %add3A_162, %add3A_185 : i32
      %add3A_187 = vector.broadcast %add3A_186 : i32 to vector<16xi32>
      %add3A_188 = arith.addi %add3A_32, %add3A_187 : vector<16xi32>
      %gather3A_189 = tpu.vector_load_idx %arg5[%add3A_188] : memref<12288xi32, #tpu.memory_space<vmem>>[vector<16xi32>], vector<16xi32>,
      %swap3A_190 = arith.index_cast %scan3A_116 : i32 to index
      %swap3A_191 = arith.constant 48 : index
      %swap3A_192 = tpu.vector_load %arg6[%swap3A_190, %swap3A_191] {strides = array<i32>} : memref<50x128xi32, #tpu.memory_space<vmem>>, vector<16xi32>,
      tpu.vector_store %arg6[%swap3A_190, %swap3A_191], %gather3A_189 {strides = array<i32>} : memref<50x128xi32, #tpu.memory_space<vmem>>, vector<16xi32>,
      %add3A_193 = arith.constant 16 : i32
      %add3A_194 = arith.addi %add3A_162, %add3A_193 : i32
      %add3A_195 = vector.broadcast %add3A_194 : i32 to vector<16xi32>
      %add3A_196 = arith.addi %add3A_32, %add3A_195 : vector<16xi32>
      %gather3A_197 = tpu.vector_load_idx %arg5[%add3A_196] : memref<12288xi32, #tpu.memory_space<vmem>>[vector<16xi32>], vector<16xi32>,
      %swap3A_198 = arith.index_cast %scan3A_116 : i32 to index
      %swap3A_199 = arith.constant 64 : index
      %swap3A_200 = tpu.vector_load %arg6[%swap3A_198, %swap3A_199] {strides = array<i32>} : memref<50x128xi32, #tpu.memory_space<vmem>>, vector<16xi32>,
      tpu.vector_store %arg6[%swap3A_198, %swap3A_199], %gather3A_197 {strides = array<i32>} : memref<50x128xi32, #tpu.memory_space<vmem>>, vector<16xi32>,
      %add3A_201 = arith.constant 20 : i32
      %add3A_202 = arith.addi %add3A_162, %add3A_201 : i32
      %add3A_203 = vector.broadcast %add3A_202 : i32 to vector<16xi32>
      %add3A_204 = arith.addi %add3A_32, %add3A_203 : vector<16xi32>
      %gather3A_205 = tpu.vector_load_idx %arg5[%add3A_204] : memref<12288xi32, #tpu.memory_space<vmem>>[vector<16xi32>], vector<16xi32>,
      %swap3A_206 = arith.index_cast %scan3A_116 : i32 to index
      %swap3A_207 = arith.constant 80 : index
      %swap3A_208 = tpu.vector_load %arg6[%swap3A_206, %swap3A_207] {strides = array<i32>} : memref<50x128xi32, #tpu.memory_space<vmem>>, vector<16xi32>,
      tpu.vector_store %arg6[%swap3A_206, %swap3A_207], %gather3A_205 {strides = array<i32>} : memref<50x128xi32, #tpu.memory_space<vmem>>, vector<16xi32>,
      %add3A_209 = arith.constant 24 : i32
      %add3A_210 = arith.addi %add3A_162, %add3A_209 : i32
      %add3A_211 = vector.broadcast %add3A_210 : i32 to vector<16xi32>
      %add3A_212 = arith.addi %add3A_32, %add3A_211 : vector<16xi32>
      %gather3A_213 = tpu.vector_load_idx %arg5[%add3A_212] : memref<12288xi32, #tpu.memory_space<vmem>>[vector<16xi32>], vector<16xi32>,
      %swap3A_214 = arith.index_cast %scan3A_116 : i32 to index
      %swap3A_215 = arith.constant 96 : index
      %swap3A_216 = tpu.vector_load %arg6[%swap3A_214, %swap3A_215] {strides = array<i32>} : memref<50x128xi32, #tpu.memory_space<vmem>>, vector<16xi32>,
      tpu.vector_store %arg6[%swap3A_214, %swap3A_215], %gather3A_213 {strides = array<i32>} : memref<50x128xi32, #tpu.memory_space<vmem>>, vector<16xi32>,
      %add3A_217 = arith.constant 28 : i32
      %add3A_218 = arith.addi %add3A_162, %add3A_217 : i32
      %add3A_219 = vector.broadcast %add3A_218 : i32 to vector<16xi32>
      %add3A_220 = arith.addi %add3A_32, %add3A_219 : vector<16xi32>
      %gather3A_221 = tpu.vector_load_idx %arg5[%add3A_220] : memref<12288xi32, #tpu.memory_space<vmem>>[vector<16xi32>], vector<16xi32>,
      %swap3A_222 = arith.index_cast %scan3A_116 : i32 to index
      %swap3A_223 = arith.constant 112 : index
      %swap3A_224 = tpu.vector_load %arg6[%swap3A_222, %swap3A_223] {strides = array<i32>} : memref<50x128xi32, #tpu.memory_space<vmem>>, vector<16xi32>,
      tpu.vector_store %arg6[%swap3A_222, %swap3A_223], %gather3A_221 {strides = array<i32>} : memref<50x128xi32, #tpu.memory_space<vmem>>, vector<16xi32>,
      %scan3A_225 = arith.constant 0 : i32
      scf.yield %scan3A_225 : i32
    }
    %scan3A_38 = arith.constant 50 : i32
    %dma_start3A = arith.constant 0 : i32
    %dma_start3A_39 = arith.constant 0 : i32
    %dma_start3A_40 = arith.constant 0 : i32
    %dma_start3A_41 = arith.constant 0 : i32
    %dma_start3A_42 = tpu.memref_slice %arg7[%dma_start3A_39, %dma_start3A_40, %dma_start3A_41] : memref<5x128x32xf32, #tpu.memory_space<vmem>> -> memref<1x128x32xf32, #tpu.memory_space<vmem>>
    %dma_start3A_43 = tpu.memref_squeeze %dma_start3A_42 : memref<1x128x32xf32, #tpu.memory_space<vmem>> -> memref<128x32xf32, #tpu.memory_space<vmem>>
    %dma_start3A_44 = arith.constant 0 : i32
    %dma_start3A_45 = tpu.memref_slice %arg6[%dma_start3A, %dma_start3A_44] : memref<50x128xi32, #tpu.memory_space<vmem>> -> memref<1x128xi32, #tpu.memory_space<vmem>>
    %dma_start3A_46 = tpu.memref_squeeze %dma_start3A_45 : memref<1x128xi32, #tpu.memory_space<vmem>> -> memref<128xi32, #tpu.memory_space<vmem>>
    %dma_start3A_47 = arith.constant 0 : i32
    %dma_start3A_48 = arith.constant 0 : i32
    %dma_start3A_49 = tpu.memref_slice %arg2[%dma_start3A_47, %dma_start3A_48] : memref<100001x32xf32, #tpu.memory_space<hbm>> -> memref<100001x32xf32, #tpu.memory_space<hbm>>
    tpu.enqueue_indirect_dma source(%dma_start3A_49 : memref<100001x32xf32, #tpu.memory_space<hbm>>) target(%dma_start3A_43 : memref<128x32xf32, #tpu.memory_space<vmem>>) offsets(%dma_start3A_46 : memref<128xi32, #tpu.memory_space<vmem>>) semaphore(%arg8 : memref<!tpu.dma_semaphore, #tpu.memory_space<semaphore_mem>>)
    %dma_start3A_50 = arith.constant 1 : i32
    %dma_start3A_51 = arith.constant 1 : i32
    %dma_start3A_52 = arith.constant 0 : i32
    %dma_start3A_53 = arith.constant 0 : i32
    %dma_start3A_54 = tpu.memref_slice %arg7[%dma_start3A_51, %dma_start3A_52, %dma_start3A_53] : memref<5x128x32xf32, #tpu.memory_space<vmem>> -> memref<1x128x32xf32, #tpu.memory_space<vmem>>
    %dma_start3A_55 = tpu.memref_squeeze %dma_start3A_54 : memref<1x128x32xf32, #tpu.memory_space<vmem>> -> memref<128x32xf32, #tpu.memory_space<vmem>>
    %dma_start3A_56 = arith.constant 0 : i32
    %dma_start3A_57 = tpu.memref_slice %arg6[%dma_start3A_50, %dma_start3A_56] : memref<50x128xi32, #tpu.memory_space<vmem>> -> memref<1x128xi32, #tpu.memory_space<vmem>>
    %dma_start3A_58 = tpu.memref_squeeze %dma_start3A_57 : memref<1x128xi32, #tpu.memory_space<vmem>> -> memref<128xi32, #tpu.memory_space<vmem>>
    %dma_start3A_59 = arith.constant 0 : i32
    %dma_start3A_60 = arith.constant 0 : i32
    %dma_start3A_61 = tpu.memref_slice %arg2[%dma_start3A_59, %dma_start3A_60] : memref<100001x32xf32, #tpu.memory_space<hbm>> -> memref<100001x32xf32, #tpu.memory_space<hbm>>
    tpu.enqueue_indirect_dma source(%dma_start3A_61 : memref<100001x32xf32, #tpu.memory_space<hbm>>) target(%dma_start3A_55 : memref<128x32xf32, #tpu.memory_space<vmem>>) offsets(%dma_start3A_58 : memref<128xi32, #tpu.memory_space<vmem>>) semaphore(%arg8 : memref<!tpu.dma_semaphore, #tpu.memory_space<semaphore_mem>>)
    %dma_start3A_62 = arith.constant 2 : i32
    %dma_start3A_63 = arith.constant 2 : i32
    %dma_start3A_64 = arith.constant 0 : i32
    %dma_start3A_65 = arith.constant 0 : i32
    %dma_start3A_66 = tpu.memref_slice %arg7[%dma_start3A_63, %dma_start3A_64, %dma_start3A_65] : memref<5x128x32xf32, #tpu.memory_space<vmem>> -> memref<1x128x32xf32, #tpu.memory_space<vmem>>
    %dma_start3A_67 = tpu.memref_squeeze %dma_start3A_66 : memref<1x128x32xf32, #tpu.memory_space<vmem>> -> memref<128x32xf32, #tpu.memory_space<vmem>>
    %dma_start3A_68 = arith.constant 0 : i32
    %dma_start3A_69 = tpu.memref_slice %arg6[%dma_start3A_62, %dma_start3A_68] : memref<50x128xi32, #tpu.memory_space<vmem>> -> memref<1x128xi32, #tpu.memory_space<vmem>>
    %dma_start3A_70 = tpu.memref_squeeze %dma_start3A_69 : memref<1x128xi32, #tpu.memory_space<vmem>> -> memref<128xi32, #tpu.memory_space<vmem>>
    %dma_start3A_71 = arith.constant 0 : i32
    %dma_start3A_72 = arith.constant 0 : i32
    %dma_start3A_73 = tpu.memref_slice %arg2[%dma_start3A_71, %dma_start3A_72] : memref<100001x32xf32, #tpu.memory_space<hbm>> -> memref<100001x32xf32, #tpu.memory_space<hbm>>
    tpu.enqueue_indirect_dma source(%dma_start3A_73 : memref<100001x32xf32, #tpu.memory_space<hbm>>) target(%dma_start3A_67 : memref<128x32xf32, #tpu.memory_space<vmem>>) offsets(%dma_start3A_70 : memref<128xi32, #tpu.memory_space<vmem>>) semaphore(%arg8 : memref<!tpu.dma_semaphore, #tpu.memory_space<semaphore_mem>>)
    %scan3A_74 = arith.constant 0 : i32
    %scan3A_75 = arith.constant 0 : i32
    %scan3A_76 = arith.constant 50 : i32
    %scan3A_77 = arith.addi %scan3A_75, %scan3A_76 : i32
    %scan3A_78 = arith.constant 1 : i32
    %scan3A_79 = scf.for %scan3A_116 = %scan3A_75 to %scan3A_77 step %scan3A_78 iter_args(%scan3A_117 = %scan3A_74) -> (i32)  : i32 {
      %dma_wait3A_118 = arith.constant 0 : i32
      %dma_wait3A_119 = arith.constant 0 : i32
      %dma_wait3A_120 = arith.constant 0 : i32
      %dma_wait3A_121 = arith.constant 0 : i32
      %dma_wait3A_122 = tpu.memref_slice %arg7[%dma_wait3A_119, %dma_wait3A_120, %dma_wait3A_121] : memref<5x128x32xf32, #tpu.memory_space<vmem>> -> memref<1x128x32xf32, #tpu.memory_space<vmem>>
      %dma_wait3A_123 = tpu.memref_squeeze %dma_wait3A_122 : memref<1x128x32xf32, #tpu.memory_space<vmem>> -> memref<128x32xf32, #tpu.memory_space<vmem>>
      %dma_wait3A_124 = arith.constant 0 : i32
      %dma_wait3A_125 = tpu.memref_slice %arg6[%dma_wait3A_118, %dma_wait3A_124] : memref<50x128xi32, #tpu.memory_space<vmem>> -> memref<1x128xi32, #tpu.memory_space<vmem>>
      %dma_wait3A_126 = tpu.memref_squeeze %dma_wait3A_125 : memref<1x128xi32, #tpu.memory_space<vmem>> -> memref<128xi32, #tpu.memory_space<vmem>>
      %dma_wait3A_127 = arith.constant 0 : i32
      %dma_wait3A_128 = arith.constant 0 : i32
      %dma_wait3A_129 = tpu.memref_slice %arg2[%dma_wait3A_127, %dma_wait3A_128] : memref<100001x32xf32, #tpu.memory_space<hbm>> -> memref<100001x32xf32, #tpu.memory_space<hbm>>
      tpu.wait_indirect_dma semaphore(%arg8 : memref<!tpu.dma_semaphore, #tpu.memory_space<semaphore_mem>>) src(%dma_wait3A_129 : memref<100001x32xf32, #tpu.memory_space<hbm>>) dst(%dma_wait3A_123 : memref<128x32xf32, #tpu.memory_space<vmem>>)
      %jit3A_130 = arith.constant 5 : i32
      %eq3A = arith.constant 0 : i32
      %eq3A_131 = arith.cmpi eq, %jit3A_130, %eq3A : i32
      %jit3A_132 = arith.constant 1 : i32
      %select_n3A_133 = arith.select %eq3A_131, %jit3A_132, %jit3A_130 : i32
      %rem3A_134 = arith.remsi %scan3A_116, %select_n3A_133 : i32
      %ne3A_135 = arith.constant 0 : i32
      %ne3A_136 = arith.cmpi ne, %rem3A_134, %ne3A_135 : i32
      %lt3A = arith.constant 0 : i32
      %lt3A_137 = arith.cmpi slt, %rem3A_134, %lt3A : i32
      %lt3A_138 = arith.constant 0 : i32
      %lt3A_139 = arith.cmpi slt, %select_n3A_133, %lt3A_138 : i32
      %ne3A_140 = arith.xori %lt3A_137, %lt3A_139 : i1
      %and3A_141 = arith.andi %ne3A_140, %ne3A_136 : i1
      %add3A_142 = arith.addi %rem3A_134, %select_n3A_133 : i32
      %select_n3A_143 = arith.select %and3A_141, %add3A_142, %rem3A_134 : i32
      %add3A_144 = arith.addi %mul3A_2, %scan3A_116 : i32
      %dma_start3A_145 = arith.constant 0 : i32
      %dma_start3A_146 = arith.constant 0 : i32
      %dma_start3A_147 = tpu.memref_slice %arg7[%select_n3A_143, %dma_start3A_145, %dma_start3A_146] : memref<5x128x32xf32, #tpu.memory_space<vmem>> -> memref<1x128x32xf32, #tpu.memory_space<vmem>>
      %dma_start3A_148 = tpu.memref_squeeze %dma_start3A_147 : memref<1x128x32xf32, #tpu.memory_space<vmem>> -> memref<128x32xf32, #tpu.memory_space<vmem>>
      %dma_start3A_149 = arith.constant 0 : i32
      %dma_start3A_150 = arith.constant 0 : i32
      %dma_start3A_151 = tpu.memref_slice %arg4[%add3A_144, %dma_start3A_149, %dma_start3A_150] : memref<1600x128x32xf32, #tpu.memory_space<hbm>> -> memref<1x128x32xf32, #tpu.memory_space<hbm>>
      %dma_start3A_152 = tpu.memref_squeeze %dma_start3A_151 : memref<1x128x32xf32, #tpu.memory_space<hbm>> -> memref<128x32xf32, #tpu.memory_space<hbm>>
      %dma_start3A_153 = arith.constant 0 : i32
      %dma_start3A_154 = arith.constant 0 : i32
      %dma_start3A_155 = tpu.memref_slice %arg4[%add3A_144, %dma_start3A_153, %dma_start3A_154] : memref<1600x128x32xf32, #tpu.memory_space<hbm>> -> memref<1x128x32xf32, #tpu.memory_space<hbm>>
      %dma_start3A_156 = tpu.memref_squeeze %dma_start3A_155 : memref<1x128x32xf32, #tpu.memory_space<hbm>> -> memref<128x32xf32, #tpu.memory_space<hbm>>
      %dma_start3A_157 = arith.constant 0 : i32
      %dma_start3A_158 = arith.constant 0 : i32
      %dma_start3A_159 = tpu.memref_slice %arg7[%select_n3A_143, %dma_start3A_157, %dma_start3A_158] : memref<5x128x32xf32, #tpu.memory_space<vmem>> -> memref<1x128x32xf32, #tpu.memory_space<vmem>>
      %dma_start3A_160 = tpu.memref_squeeze %dma_start3A_159 : memref<1x128x32xf32, #tpu.memory_space<vmem>> -> memref<128x32xf32, #tpu.memory_space<vmem>>
      tpu.enqueue_dma source(%dma_start3A_160 : memref<128x32xf32, #tpu.memory_space<vmem>>) target(%dma_start3A_156 : memref<128x32xf32, #tpu.memory_space<hbm>>) target_semaphore(%arg9 : memref<!tpu.dma_semaphore, #tpu.memory_space<semaphore_mem>>)
      %ge3A = arith.constant 2 : i32
      %ge3A_161 = arith.cmpi sge, %scan3A_116, %ge3A : i32
      %convert_element_type3A = arith.extui %ge3A_161 : i1 to i32
      %cond3A = arith.constant 0 : i32
      %cond3A_162 = arith.cmpi ne, %convert_element_type3A, %cond3A : i32
      scf.if %cond3A_162 {
        %dma_wait3A_173 = arith.constant 0 : i32
        %dma_wait3A_174 = arith.constant 0 : i32
        %dma_wait3A_175 = arith.constant 0 : i32
        %dma_wait3A_176 = arith.constant 0 : i32
        %dma_wait3A_177 = tpu.memref_slice %arg7[%dma_wait3A_173, %dma_wait3A_175, %dma_wait3A_176] : memref<5x128x32xf32, #tpu.memory_space<vmem>> -> memref<1x128x32xf32, #tpu.memory_space<vmem>>
        %dma_wait3A_178 = tpu.memref_squeeze %dma_wait3A_177 : memref<1x128x32xf32, #tpu.memory_space<vmem>> -> memref<128x32xf32, #tpu.memory_space<vmem>>
        %dma_wait3A_179 = arith.constant 0 : i32
        %dma_wait3A_180 = arith.constant 0 : i32
        %dma_wait3A_181 = tpu.memref_slice %arg4[%dma_wait3A_174, %dma_wait3A_179, %dma_wait3A_180] : memref<1600x128x32xf32, #tpu.memory_space<hbm>> -> memref<1x128x32xf32, #tpu.memory_space<hbm>>
        %dma_wait3A_182 = tpu.memref_squeeze %dma_wait3A_181 : memref<1x128x32xf32, #tpu.memory_space<hbm>> -> memref<128x32xf32, #tpu.memory_space<hbm>>
        %dma_wait3A_183 = arith.constant 0 : i32
        %dma_wait3A_184 = arith.constant 0 : i32
        %dma_wait3A_185 = tpu.memref_slice %arg4[%dma_wait3A_174, %dma_wait3A_183, %dma_wait3A_184] : memref<1600x128x32xf32, #tpu.memory_space<hbm>> -> memref<1x128x32xf32, #tpu.memory_space<hbm>>
        %dma_wait3A_186 = tpu.memref_squeeze %dma_wait3A_185 : memref<1x128x32xf32, #tpu.memory_space<hbm>> -> memref<128x32xf32, #tpu.memory_space<hbm>>
        %dma_wait3A_187 = arith.constant 0 : i32
        %dma_wait3A_188 = arith.constant 0 : i32
        %dma_wait3A_189 = tpu.memref_slice %arg7[%dma_wait3A_173, %dma_wait3A_187, %dma_wait3A_188] : memref<5x128x32xf32, #tpu.memory_space<vmem>> -> memref<1x128x32xf32, #tpu.memory_space<vmem>>
        %dma_wait3A_190 = tpu.memref_squeeze %dma_wait3A_189 : memref<1x128x32xf32, #tpu.memory_space<vmem>> -> memref<128x32xf32, #tpu.memory_space<vmem>>
        tpu.wait_dma2 semaphore(%arg9 : memref<!tpu.dma_semaphore, #tpu.memory_space<semaphore_mem>>) src(%dma_wait3A_190 : memref<128x32xf32, #tpu.memory_space<vmem>>) dst(%dma_wait3A_186 : memref<128x32xf32, #tpu.memory_space<hbm>>)
      } else {
      }
      %add3A_163 = arith.constant 2 : i32
      %add3A_164 = arith.addi %scan3A_116, %add3A_163 : i32
      %add3A_165 = arith.constant 1 : i32
      %add3A_166 = arith.addi %add3A_164, %add3A_165 : i32
      %lt3A_167 = arith.constant 50 : i32
      %lt3A_168 = arith.cmpi slt, %add3A_166, %lt3A_167 : i32
      %convert_element_type3A_169 = arith.extui %lt3A_168 : i1 to i32
      %cond3A_170 = arith.constant 0 : i32
      %cond3A_171 = arith.cmpi ne, %convert_element_type3A_169, %cond3A_170 : i32
      scf.if %cond3A_171 {
        %add3A_173 = arith.constant 2 : i32
        %add3A_174 = arith.addi %scan3A_116, %add3A_173 : i32
        %add3A_175 = arith.constant 1 : i32
        %add3A_176 = arith.addi %add3A_174, %add3A_175 : i32
        %jit3A_177 = arith.constant 5 : i32
        %eq3A_178 = arith.constant 0 : i32
        %eq3A_179 = arith.cmpi eq, %jit3A_177, %eq3A_178 : i32
        %jit3A_180 = arith.constant 1 : i32
        %select_n3A_181 = arith.select %eq3A_179, %jit3A_180, %jit3A_177 : i32
        %rem3A_182 = arith.remsi %add3A_176, %select_n3A_181 : i32
        %ne3A_183 = arith.constant 0 : i32
        %ne3A_184 = arith.cmpi ne, %rem3A_182, %ne3A_183 : i32
        %lt3A_185 = arith.constant 0 : i32
        %lt3A_186 = arith.cmpi slt, %rem3A_182, %lt3A_185 : i32
        %lt3A_187 = arith.constant 0 : i32
        %lt3A_188 = arith.cmpi slt, %select_n3A_181, %lt3A_187 : i32
        %ne3A_189 = arith.xori %lt3A_186, %lt3A_188 : i1
        %and3A_190 = arith.andi %ne3A_189, %ne3A_184 : i1
        %add3A_191 = arith.addi %rem3A_182, %select_n3A_181 : i32
        %select_n3A_192 = arith.select %and3A_190, %add3A_191, %rem3A_182 : i32
        %dma_start3A_193 = arith.constant 0 : i32
        %dma_start3A_194 = arith.constant 0 : i32
        %dma_start3A_195 = tpu.memref_slice %arg7[%select_n3A_192, %dma_start3A_193, %dma_start3A_194] : memref<5x128x32xf32, #tpu.memory_space<vmem>> -> memref<1x128x32xf32, #tpu.memory_space<vmem>>
        %dma_start3A_196 = tpu.memref_squeeze %dma_start3A_195 : memref<1x128x32xf32, #tpu.memory_space<vmem>> -> memref<128x32xf32, #tpu.memory_space<vmem>>
        %dma_start3A_197 = arith.constant 0 : i32
        %dma_start3A_198 = tpu.memref_slice %arg6[%add3A_176, %dma_start3A_197] : memref<50x128xi32, #tpu.memory_space<vmem>> -> memref<1x128xi32, #tpu.memory_space<vmem>>
        %dma_start3A_199 = tpu.memref_squeeze %dma_start3A_198 : memref<1x128xi32, #tpu.memory_space<vmem>> -> memref<128xi32, #tpu.memory_space<vmem>>
        %dma_start3A_200 = arith.constant 0 : i32
        %dma_start3A_201 = arith.constant 0 : i32
        %dma_start3A_202 = tpu.memref_slice %arg2[%dma_start3A_200, %dma_start3A_201] : memref<100001x32xf32, #tpu.memory_space<hbm>> -> memref<100001x32xf32, #tpu.memory_space<hbm>>
        tpu.enqueue_indirect_dma source(%dma_start3A_202 : memref<100001x32xf32, #tpu.memory_space<hbm>>) target(%dma_start3A_196 : memref<128x32xf32, #tpu.memory_space<vmem>>) offsets(%dma_start3A_199 : memref<128xi32, #tpu.memory_space<vmem>>) semaphore(%arg8 : memref<!tpu.dma_semaphore, #tpu.memory_space<semaphore_mem>>)
      } else {
      }
      %scan3A_172 = arith.constant 0 : i32
      scf.yield %scan3A_172 : i32
    }
    %scan3A_80 = arith.constant 50 : i32
    %dma_wait3A = arith.constant 0 : i32
    %dma_wait3A_81 = arith.constant 0 : i32
    %dma_wait3A_82 = arith.constant 0 : i32
    %dma_wait3A_83 = arith.constant 0 : i32
    %dma_wait3A_84 = tpu.memref_slice %arg7[%dma_wait3A, %dma_wait3A_82, %dma_wait3A_83] : memref<5x128x32xf32, #tpu.memory_space<vmem>> -> memref<1x128x32xf32, #tpu.memory_space<vmem>>
    %dma_wait3A_85 = tpu.memref_squeeze %dma_wait3A_84 : memref<1x128x32xf32, #tpu.memory_space<vmem>> -> memref<128x32xf32, #tpu.memory_space<vmem>>
    %dma_wait3A_86 = arith.constant 0 : i32
    %dma_wait3A_87 = arith.constant 0 : i32
    %dma_wait3A_88 = tpu.memref_slice %arg4[%dma_wait3A_81, %dma_wait3A_86, %dma_wait3A_87] : memref<1600x128x32xf32, #tpu.memory_space<hbm>> -> memref<1x128x32xf32, #tpu.memory_space<hbm>>
    %dma_wait3A_89 = tpu.memref_squeeze %dma_wait3A_88 : memref<1x128x32xf32, #tpu.memory_space<hbm>> -> memref<128x32xf32, #tpu.memory_space<hbm>>
    %dma_wait3A_90 = arith.constant 0 : i32
    %dma_wait3A_91 = arith.constant 0 : i32
    %dma_wait3A_92 = tpu.memref_slice %arg4[%dma_wait3A_81, %dma_wait3A_90, %dma_wait3A_91] : memref<1600x128x32xf32, #tpu.memory_space<hbm>> -> memref<1x128x32xf32, #tpu.memory_space<hbm>>
    %dma_wait3A_93 = tpu.memref_squeeze %dma_wait3A_92 : memref<1x128x32xf32, #tpu.memory_space<hbm>> -> memref<128x32xf32, #tpu.memory_space<hbm>>
    %dma_wait3A_94 = arith.constant 0 : i32
    %dma_wait3A_95 = arith.constant 0 : i32
    %dma_wait3A_96 = tpu.memref_slice %arg7[%dma_wait3A, %dma_wait3A_94, %dma_wait3A_95] : memref<5x128x32xf32, #tpu.memory_space<vmem>> -> memref<1x128x32xf32, #tpu.memory_space<vmem>>
    %dma_wait3A_97 = tpu.memref_squeeze %dma_wait3A_96 : memref<1x128x32xf32, #tpu.memory_space<vmem>> -> memref<128x32xf32, #tpu.memory_space<vmem>>
    tpu.wait_dma2 semaphore(%arg9 : memref<!tpu.dma_semaphore, #tpu.memory_space<semaphore_mem>>) src(%dma_wait3A_97 : memref<128x32xf32, #tpu.memory_space<vmem>>) dst(%dma_wait3A_93 : memref<128x32xf32, #tpu.memory_space<hbm>>)
    %dma_wait3A_98 = arith.constant 0 : i32
    %dma_wait3A_99 = arith.constant 0 : i32
    %dma_wait3A_100 = arith.constant 0 : i32
    %dma_wait3A_101 = arith.constant 0 : i32
    %dma_wait3A_102 = tpu.memref_slice %arg7[%dma_wait3A_98, %dma_wait3A_100, %dma_wait3A_101] : memref<5x128x32xf32, #tpu.memory_space<vmem>> -> memref<1x128x32xf32, #tpu.memory_space<vmem>>
    %dma_wait3A_103 = tpu.memref_squeeze %dma_wait3A_102 : memref<1x128x32xf32, #tpu.memory_space<vmem>> -> memref<128x32xf32, #tpu.memory_space<vmem>>
    %dma_wait3A_104 = arith.constant 0 : i32
    %dma_wait3A_105 = arith.constant 0 : i32
    %dma_wait3A_106 = tpu.memref_slice %arg4[%dma_wait3A_99, %dma_wait3A_104, %dma_wait3A_105] : memref<1600x128x32xf32, #tpu.memory_space<hbm>> -> memref<1x128x32xf32, #tpu.memory_space<hbm>>
    %dma_wait3A_107 = tpu.memref_squeeze %dma_wait3A_106 : memref<1x128x32xf32, #tpu.memory_space<hbm>> -> memref<128x32xf32, #tpu.memory_space<hbm>>
    %dma_wait3A_108 = arith.constant 0 : i32
    %dma_wait3A_109 = arith.constant 0 : i32
    %dma_wait3A_110 = tpu.memref_slice %arg4[%dma_wait3A_99, %dma_wait3A_108, %dma_wait3A_109] : memref<1600x128x32xf32, #tpu.memory_space<hbm>> -> memref<1x128x32xf32, #tpu.memory_space<hbm>>
    %dma_wait3A_111 = tpu.memref_squeeze %dma_wait3A_110 : memref<1x128x32xf32, #tpu.memory_space<hbm>> -> memref<128x32xf32, #tpu.memory_space<hbm>>
    %dma_wait3A_112 = arith.constant 0 : i32
    %dma_wait3A_113 = arith.constant 0 : i32
    %dma_wait3A_114 = tpu.memref_slice %arg7[%dma_wait3A_98, %dma_wait3A_112, %dma_wait3A_113] : memref<5x128x32xf32, #tpu.memory_space<vmem>> -> memref<1x128x32xf32, #tpu.memory_space<vmem>>
    %dma_wait3A_115 = tpu.memref_squeeze %dma_wait3A_114 : memref<1x128x32xf32, #tpu.memory_space<vmem>> -> memref<128x32xf32, #tpu.memory_space<vmem>>
    tpu.wait_dma2 semaphore(%arg9 : memref<!tpu.dma_semaphore, #tpu.memory_space<semaphore_mem>>) src(%dma_wait3A_115 : memref<128x32xf32, #tpu.memory_space<vmem>>) dst(%dma_wait3A_111 : memref<128x32xf32, #tpu.memory_space<hbm>>)
    return
  }
}

module attributes {stable_mosaic.version = 14 : i64} {
  func.func @_transpose_block(%arg0: i32, %arg1: memref<1024x128xf32, #tpu.memory_space<vmem>>, %arg2: memref<1x32x4096xf32, #tpu.memory_space<vmem>>) attributes {dimension_semantics = [#tpu.dimension_semantics<arbitrary>], iteration_bounds = array<i64: 50>, scalar_prefetch = 0 : i64, scratch_operands = 0 : i64, tpu.core_type = #tpu.core_type<tc>, window_params = [{transform_indices = @transform_0, window_bounds = array<i64: 1024, 128>}, {transform_indices = @transform_1, window_bounds = array<i64: 1, 32, 4096>}]} {
    %get3A = arith.constant 0 : index
    %get3A_0 = arith.constant 0 : index
    %get3A_1 = vector.load %arg1[%get3A, %get3A_0] : memref<1024x128xf32, #tpu.memory_space<vmem>>, vector<1024x128xf32>
    %transpose3A = tpu.transpose %get3A_1, [1, 0] : vector<1024x128xf32> -> vector<128x1024xf32>
    %slice3A = vector.extract_strided_slice %transpose3A {offsets = [0, 0], sizes = [32, 1024], strides = [1, 1]} : vector<128x1024xf32> to vector<32x1024xf32>
    %swap3A = arith.constant 0 : index
    %swap3A_2 = arith.constant 0 : index
    %swap3A_3 = arith.constant 0 : index
    %swap3A_4 = vector.load %arg2[%swap3A, %swap3A_2, %swap3A_3] : memref<1x32x4096xf32, #tpu.memory_space<vmem>>, vector<1x32x1024xf32>
    %swap3A_5 = vector.shape_cast %swap3A_4 : vector<1x32x1024xf32> to vector<32x1024xf32>
    %swap3A_6 = vector.shape_cast %slice3A : vector<32x1024xf32> to vector<1x32x1024xf32>
    tpu.vector_store %arg2[%swap3A, %swap3A_2, %swap3A_3], %swap3A_6 {strides = array<i32>} : memref<1x32x4096xf32, #tpu.memory_space<vmem>>, vector<1x32x1024xf32>,
    %slice3A_7 = vector.extract_strided_slice %transpose3A {offsets = [32, 0], sizes = [32, 1024], strides = [1, 1]} : vector<128x1024xf32> to vector<32x1024xf32>
    %swap3A_8 = arith.constant 0 : index
    %swap3A_9 = arith.constant 0 : index
    %swap3A_10 = arith.constant 1024 : index
    %swap3A_11 = vector.load %arg2[%swap3A_8, %swap3A_9, %swap3A_10] : memref<1x32x4096xf32, #tpu.memory_space<vmem>>, vector<1x32x1024xf32>
    %swap3A_12 = vector.shape_cast %swap3A_11 : vector<1x32x1024xf32> to vector<32x1024xf32>
    %swap3A_13 = vector.shape_cast %slice3A_7 : vector<32x1024xf32> to vector<1x32x1024xf32>
    tpu.vector_store %arg2[%swap3A_8, %swap3A_9, %swap3A_10], %swap3A_13 {strides = array<i32>} : memref<1x32x4096xf32, #tpu.memory_space<vmem>>, vector<1x32x1024xf32>,
    %slice3A_14 = vector.extract_strided_slice %transpose3A {offsets = [64, 0], sizes = [32, 1024], strides = [1, 1]} : vector<128x1024xf32> to vector<32x1024xf32>
    %swap3A_15 = arith.constant 0 : index
    %swap3A_16 = arith.constant 0 : index
    %swap3A_17 = arith.constant 2048 : index
    %swap3A_18 = vector.load %arg2[%swap3A_15, %swap3A_16, %swap3A_17] : memref<1x32x4096xf32, #tpu.memory_space<vmem>>, vector<1x32x1024xf32>
    %swap3A_19 = vector.shape_cast %swap3A_18 : vector<1x32x1024xf32> to vector<32x1024xf32>
    %swap3A_20 = vector.shape_cast %slice3A_14 : vector<32x1024xf32> to vector<1x32x1024xf32>
    tpu.vector_store %arg2[%swap3A_15, %swap3A_16, %swap3A_17], %swap3A_20 {strides = array<i32>} : memref<1x32x4096xf32, #tpu.memory_space<vmem>>, vector<1x32x1024xf32>,
    %slice3A_21 = vector.extract_strided_slice %transpose3A {offsets = [96, 0], sizes = [32, 1024], strides = [1, 1]} : vector<128x1024xf32> to vector<32x1024xf32>
    %swap3A_22 = arith.constant 0 : index
    %swap3A_23 = arith.constant 0 : index
    %swap3A_24 = arith.constant 3072 : index
    %swap3A_25 = vector.load %arg2[%swap3A_22, %swap3A_23, %swap3A_24] : memref<1x32x4096xf32, #tpu.memory_space<vmem>>, vector<1x32x1024xf32>
    %swap3A_26 = vector.shape_cast %swap3A_25 : vector<1x32x1024xf32> to vector<32x1024xf32>
    %swap3A_27 = vector.shape_cast %slice3A_21 : vector<32x1024xf32> to vector<1x32x1024xf32>
    tpu.vector_store %arg2[%swap3A_22, %swap3A_23, %swap3A_24], %swap3A_27 {strides = array<i32>} : memref<1x32x4096xf32, #tpu.memory_space<vmem>>, vector<1x32x1024xf32>,
    return
  }
  func.func @transform_0(%arg0: i32) -> (i32, i32) {
    %c0_i32 = arith.constant 0 : i32
    %c0_i32_0 = arith.constant 0 : i32
    return %arg0, %c0_i32 : i32, i32
  }
  func.func @transform_1(%arg0: i32) -> (i32, i32, i32) {
    %c0_i32 = arith.constant 0 : i32
    %c0_i32_0 = arith.constant 0 : i32
    %c0_i32_1 = arith.constant 0 : i32
    return %arg0, %c0_i32, %c0_i32_0 : i32, i32, i32
  }
}

module attributes {stable_mosaic.version = 14 : i64} {
  func.func @_transpose_block_acc(%arg0: i32, %arg1: memref<1024x128xf32, #tpu.memory_space<vmem>>, %arg2: memref<200x32x4096xf32, #tpu.memory_space<any>>, %arg3: memref<1x32x4096xf32, #tpu.memory_space<vmem>>) attributes {dimension_semantics = [#tpu.dimension_semantics<arbitrary>], iteration_bounds = array<i64: 50>, scalar_prefetch = 0 : i64, scratch_operands = 0 : i64, tpu.core_type = #tpu.core_type<tc>, window_params = [{transform_indices = @transform_0, window_bounds = array<i64: 1024, 128>}, {}, {transform_indices = @transform_2, window_bounds = array<i64: 1, 32, 4096>}]} {
    %get3A = arith.constant 0 : index
    %get3A_0 = arith.constant 0 : index
    %get3A_1 = vector.load %arg1[%get3A, %get3A_0] : memref<1024x128xf32, #tpu.memory_space<vmem>>, vector<1024x128xf32>
    %transpose3A = tpu.transpose %get3A_1, [1, 0] : vector<1024x128xf32> -> vector<128x1024xf32>
    %slice3A = vector.extract_strided_slice %transpose3A {offsets = [0, 0], sizes = [32, 1024], strides = [1, 1]} : vector<128x1024xf32> to vector<32x1024xf32>
    %swap3A = arith.constant 0 : index
    %swap3A_2 = arith.constant 0 : index
    %swap3A_3 = arith.constant 0 : index
    %swap3A_4 = vector.load %arg3[%swap3A, %swap3A_2, %swap3A_3] : memref<1x32x4096xf32, #tpu.memory_space<vmem>>, vector<1x32x1024xf32>
    %swap3A_5 = vector.shape_cast %swap3A_4 : vector<1x32x1024xf32> to vector<32x1024xf32>
    %swap3A_6 = vector.shape_cast %slice3A : vector<32x1024xf32> to vector<1x32x1024xf32>
    tpu.vector_store %arg3[%swap3A, %swap3A_2, %swap3A_3], %swap3A_6 {strides = array<i32>} : memref<1x32x4096xf32, #tpu.memory_space<vmem>>, vector<1x32x1024xf32>,
    %slice3A_7 = vector.extract_strided_slice %transpose3A {offsets = [32, 0], sizes = [32, 1024], strides = [1, 1]} : vector<128x1024xf32> to vector<32x1024xf32>
    %swap3A_8 = arith.constant 0 : index
    %swap3A_9 = arith.constant 0 : index
    %swap3A_10 = arith.constant 1024 : index
    %swap3A_11 = vector.load %arg3[%swap3A_8, %swap3A_9, %swap3A_10] : memref<1x32x4096xf32, #tpu.memory_space<vmem>>, vector<1x32x1024xf32>
    %swap3A_12 = vector.shape_cast %swap3A_11 : vector<1x32x1024xf32> to vector<32x1024xf32>
    %swap3A_13 = vector.shape_cast %slice3A_7 : vector<32x1024xf32> to vector<1x32x1024xf32>
    tpu.vector_store %arg3[%swap3A_8, %swap3A_9, %swap3A_10], %swap3A_13 {strides = array<i32>} : memref<1x32x4096xf32, #tpu.memory_space<vmem>>, vector<1x32x1024xf32>,
    %slice3A_14 = vector.extract_strided_slice %transpose3A {offsets = [64, 0], sizes = [32, 1024], strides = [1, 1]} : vector<128x1024xf32> to vector<32x1024xf32>
    %swap3A_15 = arith.constant 0 : index
    %swap3A_16 = arith.constant 0 : index
    %swap3A_17 = arith.constant 2048 : index
    %swap3A_18 = vector.load %arg3[%swap3A_15, %swap3A_16, %swap3A_17] : memref<1x32x4096xf32, #tpu.memory_space<vmem>>, vector<1x32x1024xf32>
    %swap3A_19 = vector.shape_cast %swap3A_18 : vector<1x32x1024xf32> to vector<32x1024xf32>
    %swap3A_20 = vector.shape_cast %slice3A_14 : vector<32x1024xf32> to vector<1x32x1024xf32>
    tpu.vector_store %arg3[%swap3A_15, %swap3A_16, %swap3A_17], %swap3A_20 {strides = array<i32>} : memref<1x32x4096xf32, #tpu.memory_space<vmem>>, vector<1x32x1024xf32>,
    %slice3A_21 = vector.extract_strided_slice %transpose3A {offsets = [96, 0], sizes = [32, 1024], strides = [1, 1]} : vector<128x1024xf32> to vector<32x1024xf32>
    %swap3A_22 = arith.constant 0 : index
    %swap3A_23 = arith.constant 0 : index
    %swap3A_24 = arith.constant 3072 : index
    %swap3A_25 = vector.load %arg3[%swap3A_22, %swap3A_23, %swap3A_24] : memref<1x32x4096xf32, #tpu.memory_space<vmem>>, vector<1x32x1024xf32>
    %swap3A_26 = vector.shape_cast %swap3A_25 : vector<1x32x1024xf32> to vector<32x1024xf32>
    %swap3A_27 = vector.shape_cast %slice3A_21 : vector<32x1024xf32> to vector<1x32x1024xf32>
    tpu.vector_store %arg3[%swap3A_22, %swap3A_23, %swap3A_24], %swap3A_27 {strides = array<i32>} : memref<1x32x4096xf32, #tpu.memory_space<vmem>>, vector<1x32x1024xf32>,
    return
  }
  func.func @transform_0(%arg0: i32) -> (i32, i32) {
    %c0_i32 = arith.constant 0 : i32
    %c0_i32_0 = arith.constant 0 : i32
    return %arg0, %c0_i32 : i32, i32
  }
  func.func @transform_2(%arg0: i32) -> (i32, i32, i32) {
    %add3A = arith.constant 50 : i32
    %add3A_0 = arith.addi %add3A, %arg0 : i32
    %c0_i32 = arith.constant 0 : i32
    %c0_i32_1 = arith.constant 0 : i32
    %c0_i32_2 = arith.constant 0 : i32
    return %add3A_0, %c0_i32, %c0_i32_1 : i32, i32, i32
  }
}

module attributes {stable_mosaic.version = 14 : i64} {
  func.func @_transpose_block_acc(%arg0: i32, %arg1: memref<1024x128xf32, #tpu.memory_space<vmem>>, %arg2: memref<200x32x4096xf32, #tpu.memory_space<any>>, %arg3: memref<1x32x4096xf32, #tpu.memory_space<vmem>>) attributes {dimension_semantics = [#tpu.dimension_semantics<arbitrary>], iteration_bounds = array<i64: 50>, scalar_prefetch = 0 : i64, scratch_operands = 0 : i64, tpu.core_type = #tpu.core_type<tc>, window_params = [{transform_indices = @transform_0, window_bounds = array<i64: 1024, 128>}, {}, {transform_indices = @transform_2, window_bounds = array<i64: 1, 32, 4096>}]} {
    %get3A = arith.constant 0 : index
    %get3A_0 = arith.constant 0 : index
    %get3A_1 = vector.load %arg1[%get3A, %get3A_0] : memref<1024x128xf32, #tpu.memory_space<vmem>>, vector<1024x128xf32>
    %transpose3A = tpu.transpose %get3A_1, [1, 0] : vector<1024x128xf32> -> vector<128x1024xf32>
    %slice3A = vector.extract_strided_slice %transpose3A {offsets = [0, 0], sizes = [32, 1024], strides = [1, 1]} : vector<128x1024xf32> to vector<32x1024xf32>
    %swap3A = arith.constant 0 : index
    %swap3A_2 = arith.constant 0 : index
    %swap3A_3 = arith.constant 0 : index
    %swap3A_4 = vector.load %arg3[%swap3A, %swap3A_2, %swap3A_3] : memref<1x32x4096xf32, #tpu.memory_space<vmem>>, vector<1x32x1024xf32>
    %swap3A_5 = vector.shape_cast %swap3A_4 : vector<1x32x1024xf32> to vector<32x1024xf32>
    %swap3A_6 = vector.shape_cast %slice3A : vector<32x1024xf32> to vector<1x32x1024xf32>
    tpu.vector_store %arg3[%swap3A, %swap3A_2, %swap3A_3], %swap3A_6 {strides = array<i32>} : memref<1x32x4096xf32, #tpu.memory_space<vmem>>, vector<1x32x1024xf32>,
    %slice3A_7 = vector.extract_strided_slice %transpose3A {offsets = [32, 0], sizes = [32, 1024], strides = [1, 1]} : vector<128x1024xf32> to vector<32x1024xf32>
    %swap3A_8 = arith.constant 0 : index
    %swap3A_9 = arith.constant 0 : index
    %swap3A_10 = arith.constant 1024 : index
    %swap3A_11 = vector.load %arg3[%swap3A_8, %swap3A_9, %swap3A_10] : memref<1x32x4096xf32, #tpu.memory_space<vmem>>, vector<1x32x1024xf32>
    %swap3A_12 = vector.shape_cast %swap3A_11 : vector<1x32x1024xf32> to vector<32x1024xf32>
    %swap3A_13 = vector.shape_cast %slice3A_7 : vector<32x1024xf32> to vector<1x32x1024xf32>
    tpu.vector_store %arg3[%swap3A_8, %swap3A_9, %swap3A_10], %swap3A_13 {strides = array<i32>} : memref<1x32x4096xf32, #tpu.memory_space<vmem>>, vector<1x32x1024xf32>,
    %slice3A_14 = vector.extract_strided_slice %transpose3A {offsets = [64, 0], sizes = [32, 1024], strides = [1, 1]} : vector<128x1024xf32> to vector<32x1024xf32>
    %swap3A_15 = arith.constant 0 : index
    %swap3A_16 = arith.constant 0 : index
    %swap3A_17 = arith.constant 2048 : index
    %swap3A_18 = vector.load %arg3[%swap3A_15, %swap3A_16, %swap3A_17] : memref<1x32x4096xf32, #tpu.memory_space<vmem>>, vector<1x32x1024xf32>
    %swap3A_19 = vector.shape_cast %swap3A_18 : vector<1x32x1024xf32> to vector<32x1024xf32>
    %swap3A_20 = vector.shape_cast %slice3A_14 : vector<32x1024xf32> to vector<1x32x1024xf32>
    tpu.vector_store %arg3[%swap3A_15, %swap3A_16, %swap3A_17], %swap3A_20 {strides = array<i32>} : memref<1x32x4096xf32, #tpu.memory_space<vmem>>, vector<1x32x1024xf32>,
    %slice3A_21 = vector.extract_strided_slice %transpose3A {offsets = [96, 0], sizes = [32, 1024], strides = [1, 1]} : vector<128x1024xf32> to vector<32x1024xf32>
    %swap3A_22 = arith.constant 0 : index
    %swap3A_23 = arith.constant 0 : index
    %swap3A_24 = arith.constant 3072 : index
    %swap3A_25 = vector.load %arg3[%swap3A_22, %swap3A_23, %swap3A_24] : memref<1x32x4096xf32, #tpu.memory_space<vmem>>, vector<1x32x1024xf32>
    %swap3A_26 = vector.shape_cast %swap3A_25 : vector<1x32x1024xf32> to vector<32x1024xf32>
    %swap3A_27 = vector.shape_cast %slice3A_21 : vector<32x1024xf32> to vector<1x32x1024xf32>
    tpu.vector_store %arg3[%swap3A_22, %swap3A_23, %swap3A_24], %swap3A_27 {strides = array<i32>} : memref<1x32x4096xf32, #tpu.memory_space<vmem>>, vector<1x32x1024xf32>,
    return
  }
  func.func @transform_0(%arg0: i32) -> (i32, i32) {
    %c0_i32 = arith.constant 0 : i32
    %c0_i32_0 = arith.constant 0 : i32
    return %arg0, %c0_i32 : i32, i32
  }
  func.func @transform_2(%arg0: i32) -> (i32, i32, i32) {
    %add3A = arith.constant 100 : i32
    %add3A_0 = arith.addi %add3A, %arg0 : i32
    %c0_i32 = arith.constant 0 : i32
    %c0_i32_1 = arith.constant 0 : i32
    %c0_i32_2 = arith.constant 0 : i32
    return %add3A_0, %c0_i32, %c0_i32_1 : i32, i32, i32
  }
}

module attributes {stable_mosaic.version = 14 : i64} {
  func.func @_transpose_block_acc(%arg0: i32, %arg1: memref<1024x128xf32, #tpu.memory_space<vmem>>, %arg2: memref<200x32x4096xf32, #tpu.memory_space<any>>, %arg3: memref<1x32x4096xf32, #tpu.memory_space<vmem>>) attributes {dimension_semantics = [#tpu.dimension_semantics<arbitrary>], iteration_bounds = array<i64: 50>, scalar_prefetch = 0 : i64, scratch_operands = 0 : i64, tpu.core_type = #tpu.core_type<tc>, window_params = [{transform_indices = @transform_0, window_bounds = array<i64: 1024, 128>}, {}, {transform_indices = @transform_2, window_bounds = array<i64: 1, 32, 4096>}]} {
    %get3A = arith.constant 0 : index
    %get3A_0 = arith.constant 0 : index
    %get3A_1 = vector.load %arg1[%get3A, %get3A_0] : memref<1024x128xf32, #tpu.memory_space<vmem>>, vector<1024x128xf32>
    %transpose3A = tpu.transpose %get3A_1, [1, 0] : vector<1024x128xf32> -> vector<128x1024xf32>
    %slice3A = vector.extract_strided_slice %transpose3A {offsets = [0, 0], sizes = [32, 1024], strides = [1, 1]} : vector<128x1024xf32> to vector<32x1024xf32>
    %swap3A = arith.constant 0 : index
    %swap3A_2 = arith.constant 0 : index
    %swap3A_3 = arith.constant 0 : index
    %swap3A_4 = vector.load %arg3[%swap3A, %swap3A_2, %swap3A_3] : memref<1x32x4096xf32, #tpu.memory_space<vmem>>, vector<1x32x1024xf32>
    %swap3A_5 = vector.shape_cast %swap3A_4 : vector<1x32x1024xf32> to vector<32x1024xf32>
    %swap3A_6 = vector.shape_cast %slice3A : vector<32x1024xf32> to vector<1x32x1024xf32>
    tpu.vector_store %arg3[%swap3A, %swap3A_2, %swap3A_3], %swap3A_6 {strides = array<i32>} : memref<1x32x4096xf32, #tpu.memory_space<vmem>>, vector<1x32x1024xf32>,
    %slice3A_7 = vector.extract_strided_slice %transpose3A {offsets = [32, 0], sizes = [32, 1024], strides = [1, 1]} : vector<128x1024xf32> to vector<32x1024xf32>
    %swap3A_8 = arith.constant 0 : index
    %swap3A_9 = arith.constant 0 : index
    %swap3A_10 = arith.constant 1024 : index
    %swap3A_11 = vector.load %arg3[%swap3A_8, %swap3A_9, %swap3A_10] : memref<1x32x4096xf32, #tpu.memory_space<vmem>>, vector<1x32x1024xf32>
    %swap3A_12 = vector.shape_cast %swap3A_11 : vector<1x32x1024xf32> to vector<32x1024xf32>
    %swap3A_13 = vector.shape_cast %slice3A_7 : vector<32x1024xf32> to vector<1x32x1024xf32>
    tpu.vector_store %arg3[%swap3A_8, %swap3A_9, %swap3A_10], %swap3A_13 {strides = array<i32>} : memref<1x32x4096xf32, #tpu.memory_space<vmem>>, vector<1x32x1024xf32>,
    %slice3A_14 = vector.extract_strided_slice %transpose3A {offsets = [64, 0], sizes = [32, 1024], strides = [1, 1]} : vector<128x1024xf32> to vector<32x1024xf32>
    %swap3A_15 = arith.constant 0 : index
    %swap3A_16 = arith.constant 0 : index
    %swap3A_17 = arith.constant 2048 : index
    %swap3A_18 = vector.load %arg3[%swap3A_15, %swap3A_16, %swap3A_17] : memref<1x32x4096xf32, #tpu.memory_space<vmem>>, vector<1x32x1024xf32>
    %swap3A_19 = vector.shape_cast %swap3A_18 : vector<1x32x1024xf32> to vector<32x1024xf32>
    %swap3A_20 = vector.shape_cast %slice3A_14 : vector<32x1024xf32> to vector<1x32x1024xf32>
    tpu.vector_store %arg3[%swap3A_15, %swap3A_16, %swap3A_17], %swap3A_20 {strides = array<i32>} : memref<1x32x4096xf32, #tpu.memory_space<vmem>>, vector<1x32x1024xf32>,
    %slice3A_21 = vector.extract_strided_slice %transpose3A {offsets = [96, 0], sizes = [32, 1024], strides = [1, 1]} : vector<128x1024xf32> to vector<32x1024xf32>
    %swap3A_22 = arith.constant 0 : index
    %swap3A_23 = arith.constant 0 : index
    %swap3A_24 = arith.constant 3072 : index
    %swap3A_25 = vector.load %arg3[%swap3A_22, %swap3A_23, %swap3A_24] : memref<1x32x4096xf32, #tpu.memory_space<vmem>>, vector<1x32x1024xf32>
    %swap3A_26 = vector.shape_cast %swap3A_25 : vector<1x32x1024xf32> to vector<32x1024xf32>
    %swap3A_27 = vector.shape_cast %slice3A_21 : vector<32x1024xf32> to vector<1x32x1024xf32>
    tpu.vector_store %arg3[%swap3A_22, %swap3A_23, %swap3A_24], %swap3A_27 {strides = array<i32>} : memref<1x32x4096xf32, #tpu.memory_space<vmem>>, vector<1x32x1024xf32>,
    return
  }
  func.func @transform_0(%arg0: i32) -> (i32, i32) {
    %c0_i32 = arith.constant 0 : i32
    %c0_i32_0 = arith.constant 0 : i32
    return %arg0, %c0_i32 : i32, i32
  }
  func.func @transform_2(%arg0: i32) -> (i32, i32, i32) {
    %add3A = arith.constant 150 : i32
    %add3A_0 = arith.addi %add3A, %arg0 : i32
    %c0_i32 = arith.constant 0 : i32
    %c0_i32_1 = arith.constant 0 : i32
    %c0_i32_2 = arith.constant 0 : i32
    return %add3A_0, %c0_i32, %c0_i32_1 : i32, i32, i32
  }
}

</mosaic_0001>

<sc_bundles>
// kernel: kernel.10.cloned.1.call-start
scs
__scs_entry_jumppad:
0x0: {  	(pc) =	sbr.rel $0x88, $3  }
0x1: {  	(tag) =	ssettag $0x0;
	lr =	simm.s32 $0x1  }
0x2: {  	[smem:$0x3F9F] =	sst lr;
	_ =	strace $0xD0000000  }
0x3: {  	_ = 	snop  }
0x4: {  	_ = 	snop  }
0x5: {  	_ = 	snop  }
0x6: {  	_ = 	snop  }
0x7: {  	_ = 	snop  }
__scs_overlays_trampoline_lowered:
0x8: {  	[smem:$0x3FAE] =	sst s0  }
0x9: {  	[smem:$0x3FAF] =	sst s1  }
0xa: {  	[smem:$0x3FB0] =	sst s2  }
0xb: {  	[smem:$0x3FB1] =	sst s3  }
0xc: {  	[smem:$0x3FB2] =	sst s4  }
0xd: {  	[smem:$0x3FB3] =	sst s5  }
0xe: {  	[smem:$0x3FB4] =	sst s6  }
0xf: {  	[smem:$0x3FB5] =	sst s7  }
0x10: {  	[smem:$0x3FB6] =	sst s8  }
0x11: {  	[smem:$0x3FB7] =	sst s9;
	s0 =	simm.s32 @!p0 $0x0  }
0x12: {  	s1 =	sld [smem:$0x3F9D];
	s0 =	simm.s32 @p0 $0x1  }
0x13: {  	[smem:$0x3FB8] =	sst s0;
	s0 =	simm.s32 @!p1 $0x0  }
0x14: {  	s2 =	sld [smem:$0x3F9C];
	s0 =	simm.s32 @p1 $0x1  }
0x15: {  	[smem:$0x3FB9] =	sst s0;
	s0 =	simm.s32 @!p2 $0x0  }
0x16: {  	s3 =	sld [smem:$0x3FDB];
	s0 =	simm.s32 @p2 $0x1  }
0x17: {  	s4 =	simm.s32 $0x1BF5;
	[smem:$0x3FBB] =	sst s0  }
0x18: {  	s0 =	sld [smem:$0x3F9E];
	_ =	swait.ge [sflag:s4], $0x0  }
0x19: {  	s7 =	sld [smem:$0x3F9F]  }
0x1a: {  	s8 =	sadd.s32 $0xFFFFE003, lr  }
0x1b: {  	s9 =	sadd.s32 $0xFFFFFEF7, lr;
	s5 =	simm.s32 $0xFFFFFFFF;
	p2 =	slt.u32 s8, $0xFFFFF086  }
0x1c: {  	p1 =	slt.u32 s9, $0xF7A;
	s5 =	simm.s32 @!p2 $0x0  }
0x1d: {  	s5 =	simm.s32 @p1 $0x1;
	p0 =	seq.s32 s7, s2  }
0x1e: {  	s7 =	smul.u32 @!p0 $0xF7A, s2;
	p2 =	seq.s32 @!p0 s5, $0x0  }
0x1f: {  	s9 =	smul.u32 $0xF7A, s1;
	s8 =	simm.s32 @!p0 $0x1BF5;
	p2 =	por !p2, p0  }
0x20: {  	[sflag:s8] =	ssyncset.s32 @!p0 $0xFFFFF086;
	s6 =	sadd.s32 @!p0 s3, s7;
	s7 =	simm.s32 @!p0 $0x108  }
0x21: {  	s3 =	sadd.s32 s3, s9;
	s6 =	sadd.s32 @!p0 $0x88, s6;
	s7 =	simm.s32 @p2 $0x1082  }
0x22: {  	[simem:s7], [sflag:s8] =	dma.local @!p0 [hbm:s6], $0xF7A  }
0x23: {  	s9 =	sor.u32 $0xD0000000, s2;
	s6 =	simm.s32 $0x108;
	_ =	swait.ge @!p0 [sflag:s8], $0x0  }
0x24: {  	s3 =	sadd.s32 $0x88, s3;
	s6 =	simm.s32 @!p1 $0x1082;
	[sflag:s4] =	ssyncset.s32 $0xFFFFF086  }
0x25: {  	[simem:s6], [sflag:s4] =	dma.local [hbm:s3], $0xF7A  }
0x26: {  	[smem:$0x3F9F] =	sst s1;
	(tag) =	ssettag s2;
	_ =	strace s9  }
0x27: {  	s1 =	sld [smem:$0x3FAF]  }
0x28: {  	s2 =	sld [smem:$0x3FB0]  }
0x29: {  	s4 =	sld [smem:$0x3FB2]  }
0x2a: {  	p0 =	seq.s32 s5, $0x0;
	s5 =	sld [smem:$0x3FB3]  }
0x2b: {  	s6 =	sld [smem:$0x3FB4]  }
0x2c: {  	s7 =	sld [smem:$0x3FB5]  }
0x2d: {  	s3 =	simm.s32 $0x108;
	s8 =	sld [smem:$0x3FB6]  }
0x2e: {  	s3 =	simm.s32 @!p0 $0x1082;
	s9 =	sld [smem:$0x3FB7]  }
0x2f: {  	lr =	sadd.s32 s0, s3;
	s0 =	sld [smem:$0x3FAE]  }
0x30: {  	s3 =	sld [smem:$0x3FB1]  }
0x31: {  	[smem:$0x3FBA] =	sst s10  }
0x32: {  	s10 =	sld [smem:$0x3FB8];
	_ =	sdelay $0x3  }
0x33: {  	p0 =	seq.s32 s10, $0x1;
	s10 =	sld [smem:$0x3FBA];
	_ =	sdelay $0x3  }
0x34: {  	[smem:$0x3FBA] =	sst s10  }
0x35: {  	s10 =	sld [smem:$0x3FB9];
	_ =	sdelay $0x3  }
0x36: {  	p1 =	seq.s32 s10, $0x1;
	s10 =	sld [smem:$0x3FBA];
	_ =	sdelay $0x3  }
0x37: {  	[smem:$0x3FBA] =	sst s10  }
0x38: {  	s10 =	sld [smem:$0x3FBB]  }
0x39: {  	_ = 	snop;
	(pc) =	sbr.ind lr, $3  }
0x3a: {  	_ = 	snop  }
0x3b: {  	_ = 	snop  }
0x3c: {  	p2 =	seq.s32 s10, $0x1;
	s10 =	sld [smem:$0x3FBA]  }
0x3d: {  	_ =	shalt  }
0x3e: {  	_ =	shalt  }
0x3f: {  	_ =	shalt  }
0x40: {  	_ =	shalt  }
0x41: {  	_ =	shalt  }
0x42: {  	_ =	shalt  }
0x43: {  	_ =	shalt  }
0x44: {  	_ =	shalt  }
0x45: {  	_ =	shalt  }
0x46: {  	_ =	shalt  }
0x47: {  	_ =	shalt  }
0x48: {  	_ =	shalt  }
0x49: {  	_ =	shalt  }
0x4a: {  	_ =	shalt  }
0x4b: {  	_ =	shalt  }
0x4c: {  	_ =	shalt  }
0x4d: {  	_ =	shalt  }
0x4e: {  	_ =	shalt  }
0x4f: {  	_ =	shalt  }
0x50: {  	_ =	shalt  }
0x51: {  	_ =	shalt  }
0x52: {  	_ =	shalt  }
0x53: {  	_ =	shalt  }
0x54: {  	_ =	shalt  }
0x55: {  	_ =	shalt  }
0x56: {  	_ =	shalt  }
0x57: {  	_ =	shalt  }
0x58: {  	_ =	shalt  }
0x59: {  	_ =	shalt  }
0x5a: {  	_ =	shalt  }
0x5b: {  	_ =	shalt  }
0x5c: {  	_ =	shalt  }
0x5d: {  	_ =	shalt  }
0x5e: {  	_ =	shalt  }
0x5f: {  	_ =	shalt  }
0x60: {  	_ =	shalt  }
0x61: {  	_ =	shalt  }
0x62: {  	_ =	shalt  }
0x63: {  	_ =	shalt  }
0x64: {  	_ =	shalt  }
0x65: {  	_ =	shalt  }
0x66: {  	_ =	shalt  }
0x67: {  	_ =	shalt  }
0x68: {  	_ =	shalt  }
0x69: {  	_ =	shalt  }
0x6a: {  	_ =	shalt  }
0x6b: {  	_ =	shalt  }
0x6c: {  	_ =	shalt  }
0x6d: {  	_ =	shalt  }
0x6e: {  	_ =	shalt  }
0x6f: {  	_ =	shalt  }
0x70: {  	_ =	shalt  }
0x71: {  	_ =	shalt  }
0x72: {  	_ =	shalt  }
0x73: {  	_ =	shalt  }
0x74: {  	_ =	shalt  }
0x75: {  	_ =	shalt  }
0x76: {  	_ =	shalt  }
0x77: {  	_ =	shalt  }
0x78: {  	_ =	shalt  }
0x79: {  	_ =	shalt  }
0x7a: {  	_ =	shalt  }
0x7b: {  	_ =	shalt  }
0x7c: {  	_ =	shalt  }
0x7d: {  	_ =	shalt  }
0x7e: {  	_ =	shalt  }
0x7f: {  	_ =	shalt  }
0x80: {  	_ =	shalt  }
0x81: {  	_ =	shalt  }
0x82: {  	_ =	shalt  }
0x83: {  	_ =	shalt  }
0x84: {  	_ =	shalt  }
0x85: {  	_ =	shalt  }
0x86: {  	_ =	shalt  }
0x87: {  	_ =	shalt  }
.Lfunc_end0:
.L_simem_size_0:
called_computation_lowered:
.L_overlay_start_0:
0x88: {  	s2 =	sld [smem:$0x3FD9]  }
0x89: {  	s3 =	sld [smem:$0x3FFE];
	_ =	sdelay $0x1  }
0x8a: {  	s1 =	srdreg.scid  }
0x8b: {  	s0 =	sand.u32 $0x1, s1  }
0x8c: {  	s16 =	sshll.u32 s0, $0xA;
	s2 =	sadd.s32 s3, s2  }
0x8d: {  	s2 =	sadd.s32 s2, s16  }
0x8e: {  	[smem:$0x3FC6] =	sst s2  }
0x8f: {  	_ = 	snop  }
0x90: {  	(tm) =	ssettm $0x1  }
0x91: {  	s17 =	sld [smem:$0x3FFB];
	_ =	sdelay $0x3  }
0x92: {  	_ =	strace s17  }
0x93: {  	s2 =	sld [smem:$0x3FFC];
	_ =	sdelay $0x3  }
0x94: {  	_ =	strace s2  }
0x95: {  	s2 =	sld [smem:$0x3FFD];
	_ =	sdelay $0x3  }
0x96: {  	_ =	strace s2  }
0x97: {  	_ =	strace $0x8FFFFFFF  }
0x98: {  	s18 =	sld [smem:$0x3FDB];
	_ =	sdelay $0x1  }
0x99: {  	s19 =	simm.s32 $_scs_section_size  }
0x9a: {  	s4 =	simm.s32 $_size__tile_overlayer_lowered;
	s5 =	simm.s32 $_tile_overlayer_lowered  }
0x9b: {  	s22 =	simm.s32 $0x1BFF;
	s21 =	sshll.u32 s5, $0x1;
	s2 =	sadd.s32 s19, s18  }
0x9c: {  	s6 =	simm.s32 $0x0;
	s20 =	sshll.u32 s4, $0x1;
	s4 =	sadd.s32 s21, s2  }
0x9d: {  	[timem:s6], [sflag:s22] =	dma.local [hbm:s4], s20  }
0x9e: {  	_ =	swait.ge [sflag:s22], s20  }
0x9f: {  	s3 =	ssub.s32 $0x0, s20;
	[sflag:s22] =	ssyncset.done $0x0  }
0xa0: {  	[sflag:s22] =	ssyncadd.s32 s3;
	_ =	sdelay $0x1  }
0xa1: {  	s23 =	simm.s32 $0x1B8B  }
0xa2: {  	_ =	swait.ge [sflag:s23], $0x1  }
0xa3: {  	[sflag:s23] =	ssyncset.done $0x0  }
0xa4: {  	s25 =	simm.s32 $0x1B8E;
	s24 =	sld [smem:$0x3FFE];
	[sflag:s23] =	ssyncadd.s32 $0xFFFFFFFF  }
0xa5: {  	s26 =	simm.s32 $execute0_lowered;
	[smem:$0x3FD2] =	sst s25  }
0xa6: {  	s4 =	sshll.u32 s26, $0x1;
	_ =	strace $0x80000046;
	[dreg:$0x1] =	wrdreg $0xFFFFFFFF  }
0xa7: {  	s28 =	simm.s32 $_size_execute0_lowered;
	s2 =	sadd.s32 s2, s4;
	[dreg:$0x0] =	wrdreg $0x0  }
0xa8: {  	s4 =	sshll.u32 s28, $0x1;
	[dreg:$0x2] =	wrdreg s2  }
0xa9: {  	[dreg:$0x3] =	wrdreg s4  }
0xaa: {  	[dreg:$0x4] =	wrdreg $0xC0  }
0xab: {  	_ =	task [dreg:s6], $0x5FFFF  }
0xac: {  	[dreg:$0x1] =	wrdreg $0xFFFFFFFF  }
0xad: {  	[dreg:$0x0] =	wrdreg $0x60  }
0xae: {  	[dreg:$0x2] =	wrdreg s24  }
0xaf: {  	[dreg:$0x3] =	wrdreg $0x9  }
0xb0: {  	_ =	task.clear_ibuf [dreg:s6], $0x4FFFF;
	_ =	strace $0x90000046  }
0xb1: {  	s29 =	simm.s32 $0x9;
	_ =	strace $0x80000048  }
0xb2: {  	_ =	swait.ge [sflag:s29], $0x1  }
0xb3: {  	[sflag:s29] =	ssyncadd.s32 $0xFFFFFFFF  }
0xb4: {  	_ =	strace $0x90000048  }
0xb5: {  	_ =	sfence  }
0xb6: {  	s30 =	sld [smem:$0x0];
	_ =	sdelay $0x2  }
0xb7: {  	s31 =	sshll.u32 s1, $0xD;
	s1 =	sshrl.u32 s1, $0x2  }
0xb8: {  	s3 =	sand.u32 $0x4000, s31;
	s1 =	sadd.s32 s1, s30  }
0xb9: {  	s0 =	sor.u32 s3, s0;
	s1 =	sshll.u32 s1, $0x11  }
0xba: {  	s0 =	sor.u32 s1, s0  }
0xbb: {  	s0 =	sadd.s32 $0x8F2B, s0  }
0xbc: {  	[sflag:s0] =	ssyncadd.remote.s32 $0x1  }
0xbd: {  	_ =	sfence.sel $0xFFFF  }
0xbe: {  	[dreg:$0x0] =	wrdreg $0xFFFFFFFF;
	(pc) =	sbr.abs _section_cstart, $3  }
0xbf: {  	[dreg:$0x1] =	wrdreg $0xFFFFFFFF  }
0xc0: {  	_ =	task.clear_ibuf [dreg:s6], $0x2FFFF;
	_ =	strace $0x9FFFFFFF  }
0xc1: {  	(tm) =	ssettm $0x7FFFFFFF  }
tec
execute0_lowered:
.L_overlay_start_1:
0x0: {  	(tag) =	ssettag $0x1  }
0x1: {  	v0 =	vimm.s32 $0xC03;
	vm0 =	vcmask $0x300  }
0x2: {  	s1 =	srdreg.scid;
	vm14 =	vcmask $0x704;
	v0 =	vsel vm0, $0x0, v0  }
0x3: {  	s0 =	stileid.u32;
	vm15 =	vcmask $0xB08;
	s6 =	rddreg [dreg:$0x0];
	v0 =	vsel vm14, $0x400, v0  }
0x4: {  	vm4 =	vcmask $0xF0C;
	s2 =	simm.s32 $0x0;
	s16 =	simm.s32 $0x3100;
	s7 =	smul.u32 $0xC800, s0;
	v0 =	vsel vm15, $0x800, v0  }
0x5: {  	vm5 =	vcmask $0x1310;
	s17 =	simm.s32 $0x6900;
	s18 =	simm.s32 $0x1;
	s8 =	smul.u32 $0xC80, s0;
	v0 =	vsel vm4, $0xC00, v0  }
0x6: {  	vm6 =	vcmask $0x1714;
	s19 =	simm.s32 $0x2;
	s5 =	sand.u32 $0x1, s1;
	s11 =	smul.u32 $0x64, s0;
	v0 =	vsel vm5, $0x1, v0  }
0x7: {  	vm7 =	vcmask $0x1B18;
	s20 =	simm.s32 $0x0;
	s29 =	sshll.u32 s0, $0x1;
	s9 =	smul.u32 $0x640, s5;
	v0 =	vsel vm6, $0x401, v0  }
0x8: {  	vm8 =	vcmask $0x1F1C;
	[smem:$0x7FF] =	sst s2;
	s3 =	sadd.s32 $0x1200, s6;
	s14 =	smul.u32 $0x32, s5;
	v0 =	vsel vm7, $0x801, v0  }
0x9: {  	vm9 =	vcmask $0x2320;
	s1 =	sor.u32 s5, s29;
	s10 =	ssub.s32 $0x2, s5;
	s30 =	smul.u32 $0x6400, s5;
	v0 =	vsel vm8, $0xC01, v0  }
0xa: {  	vm10 =	vcmask $0x2724;
	s4 =	smul.u32 $0x32, s1;
	s1 =	rddreg [dreg:$0x1];
	s13 =	sshrl.u32 s10, $0x1;
	v0 =	vsel vm9, $0x2, v0  }
0xb: {  	vm11 =	vcmask $0x2B28;
	_ =	strace $0x80000047;
	s15 =	sadd.s32 s7, s6;
	s10 =	ssub.s32 s10, s13;
	v0 =	vsel vm10, $0x402, v0  }
0xc: {  	vm12 =	vcmask $0x2F2C;
	s7 =	sadd.s32 s9, s8;
	s8 =	sadd.s32 s14, s11;
	s31 =	sadd.s32 s30, s15;
	v0 =	vsel vm11, $0x802, v0  }
0xd: {  	vm13 =	vcmask $0x3330;
	s11 =	simm.s32 $0x80;
	s13 =	simm.s32 $0x4900;
	s4 =	sshrl.u32 s4, $0x5;
	v0 =	vsel vm12, $0xC02, v0  }
0xe: {  	vm14 =	vcmask $0x3734;
	s14 =	simm.s32 $0x3080;
	s15 =	simm.s32 $0x5900;
	s12 =	sshll.u32 s4, $0x9;
	v0 =	vsel vm13, $0x3, v0  }
0xf: {  	vm15 =	vcmask $0x3B38;
	s9 =	sadd.s32 $0x7BE00, s31;
	s12 =	sadd.s32 s12, s6;
	s6 =	smax.u32 s10, $0x1;
	v0 =	vsel vm14, $0x403, v0  }
0x10: {  	s10 =	simm.s32 $0x3;
	s5 =	sadd.s32 $0x62E00, s12;
	s12 =	simm.s32 $0x3000;
	v0 =	vsel vm15, $0x803, v0  }
.LBB2_1:
0x11: {  	s21 =	sadd.s32 $0x0, s8  }
0x12: {  	s21 =	sshrl.u32 s21, $0x5  }
0x13: {  	s21 =	ssub.s32 s21, s4  }
0x14: {  	s22 =	sand.u32 $0x3E0, s7;
	s21 =	sshll.u32 s21, $0xC  }
0x15: {  	s22 =	sor.u32 s22, s21  }
0x16: {  	v1 =	vor.u32 s22, v0  }
0x17: {  	[tilespmem:s2], [sflag:$0x3] =	stream.linear.gather [hbm4b:s5+s2], $0x3000, $0x38;
	[tilespmem:$0x9900] =	vst v63  }
0x18: {  	_ =	swait.ge [sflag:s10], $0x3000  }
0x19: {  	[sflag:s10] =	ssyncset.done $0x0  }
0x1a: {  	[sflag:s10] =	ssyncadd.s32 $0xFFFFD000  }
0x1b: {  	s21 =	sor.u32 $0x4, s22;
	v1 =	vld.idx.msk [tilespmem:v1+s2+$0x0], $0xffff  }
0x1c: {  	v2 =	vor.u32 s21, v0;
	_ =	sdelay $0x2  }
0x1d: {  	s21 =	simm.s32 $0x3040  }
0x1e: {  	[tilespmem:s21+$0xFFFFFFC0] =	vst v1  }
0x1f: {  	s23 =	sor.u32 $0x8, s22;
	v1 =	vld.idx.msk [tilespmem:v2+s2+$0x0], $0xffff  }
0x20: {  	v2 =	vor.u32 s23, v0;
	_ =	sdelay $0x3  }
0x21: {  	[tilespmem:s21+$0xFFFFFFD0] =	vst v1  }
0x22: {  	s28 =	sor.u32 $0xC, s22;
	v1 =	vld.idx.msk [tilespmem:v2+s2+$0x0], $0xffff  }
0x23: {  	v2 =	vor.u32 s28, v0;
	_ =	sdelay $0x3  }
0x24: {  	[tilespmem:s21+$0xFFFFFFE0] =	vst v1  }
0x25: {  	s29 =	sor.u32 $0x10, s22;
	v1 =	vld.idx.msk [tilespmem:v2+s2+$0x0], $0xffff  }
0x26: {  	v2 =	vor.u32 s29, v0;
	_ =	sdelay $0x3  }
0x27: {  	[tilespmem:s21+$0xFFFFFFF0] =	vst v1  }
0x28: {  	s30 =	sor.u32 $0x14, s22;
	v1 =	vld.idx.msk [tilespmem:v2+s2+$0x0], $0xffff  }
0x29: {  	v2 =	vor.u32 s30, v0;
	_ =	sdelay $0x3  }
0x2a: {  	[tilespmem:s21+$0x0] =	vst v1  }
0x2b: {  	s31 =	sor.u32 $0x18, s22;
	v1 =	vld.idx.msk [tilespmem:v2+s2+$0x0], $0xffff  }
0x2c: {  	v2 =	vor.u32 s31, v0;
	_ =	sdelay $0x3  }
0x2d: {  	[tilespmem:s21+$0x10] =	vst v1  }
0x2e: {  	s22 =	sor.u32 $0x1C, s22;
	v2 =	vld.idx.msk [tilespmem:v2+s2+$0x0], $0xffff  }
0x2f: {  	v1 =	vor.u32 s22, v0;
	_ =	sdelay $0x1  }
0x30: {  	s24 =	sadd.s32 $0x1, s8;
	s23 =	simm.s32 $0x2;
	s22 =	smov.u32 s7  }
.LBB2_2:
0x31: {  	p0 =	sne.s32 s23, $0x31;
	s24 =	sshrl.u32 s24, $0x5  }
0x32: {  	s22 =	sadd.s32 $0x20, s22;
	s24 =	ssub.s32 s24, s4;
	[tilespmem:s21+$0x20] =	vst v2  }
0x33: {  	s25 =	sand.u32 $0x3E0, s22;
	s24 =	sshll.u32 s24, $0xC;
	v1 =	vld.idx.msk [tilespmem:v1+s2+$0x0], $0xffff  }
0x34: {  	s24 =	sor.u32 s25, s24  }
0x35: {  	v2 =	vor.u32 s24, v0;
	_ =	sdelay $0x3  }
0x36: {  	[tilespmem:s21+$0x30] =	vst v1  }
0x37: {  	v1 =	vld.idx.msk [tilespmem:v2+s2+$0x0], $0xffff  }
0x38: {  	s25 =	sor.u32 $0x4, s24  }
0x39: {  	v2 =	vor.u32 s25, v0;
	_ =	sdelay $0x2  }
0x3a: {  	s21 =	sadd.s32 $0x80, s21  }
0x3b: {  	[tilespmem:s21+$0xFFFFFFC0] =	vst v1  }
0x3c: {  	v1 =	vld.idx.msk [tilespmem:v2+s2+$0x0], $0xffff  }
0x3d: {  	s25 =	sor.u32 $0x8, s24  }
0x3e: {  	v2 =	vor.u32 s25, v0;
	_ =	sdelay $0x3  }
0x3f: {  	[tilespmem:s21+$0xFFFFFFD0] =	vst v1  }
0x40: {  	v1 =	vld.idx.msk [tilespmem:v2+s2+$0x0], $0xffff  }
0x41: {  	s25 =	sor.u32 $0xC, s24  }
0x42: {  	v2 =	vor.u32 s25, v0;
	_ =	sdelay $0x3  }
0x43: {  	[tilespmem:s21+$0xFFFFFFE0] =	vst v1  }
0x44: {  	v1 =	vld.idx.msk [tilespmem:v2+s2+$0x0], $0xffff  }
0x45: {  	s25 =	sor.u32 $0x10, s24  }
0x46: {  	v2 =	vor.u32 s25, v0;
	_ =	sdelay $0x3  }
0x47: {  	[tilespmem:s21+$0xFFFFFFF0] =	vst v1  }
0x48: {  	v1 =	vld.idx.msk [tilespmem:v2+s2+$0x0], $0xffff  }
0x49: {  	s25 =	sor.u32 $0x14, s24  }
0x4a: {  	v2 =	vor.u32 s25, v0;
	_ =	sdelay $0x3  }
0x4b: {  	[tilespmem:s21+$0x0] =	vst v1  }
0x4c: {  	v1 =	vld.idx.msk [tilespmem:v2+s2+$0x0], $0xffff  }
0x4d: {  	s25 =	sor.u32 $0x18, s24  }
0x4e: {  	v2 =	vor.u32 s25, v0;
	_ =	sdelay $0x3  }
0x4f: {  	[tilespmem:s21+$0x10] =	vst v1  }
.Ltmp0:
0x50: {  	v2 =	vld.idx.msk [tilespmem:v2+s2+$0x0], $0xffff;
	(pc) =	sbr.rel @p0 .LBB2_2-.Ltmp0, $3  }
0x51: {  	s24 =	sor.u32 $0x1C, s24  }
0x52: {  	v1 =	vor.u32 s24, v0;
	_ =	sdelay $0x1  }
0x53: {  	s24 =	sadd.s32 s23, s8;
	s23 =	sadd.s32 $0x1, s23  }
0x54: {  	_ = 	snop  }
0x55: {  	s23 =	sshrl.u32 s24, $0x5  }
0x56: {  	s22 =	sadd.s32 $0x20, s22;
	s23 =	ssub.s32 s23, s4  }
0x57: {  	[tilespmem:s21+$0x20] =	vst v2;
	s22 =	sand.u32 $0x3E0, s22;
	s23 =	sshll.u32 s23, $0xC  }
0x58: {  	v1 =	vld.idx.msk [tilespmem:v1+s2+$0x0], $0xffff;
	s22 =	sor.u32 s22, s23  }
0x59: {  	v2 =	vor.u32 s22, v0;
	_ =	sdelay $0x3  }
0x5a: {  	[tilespmem:s21+$0x30] =	vst v1  }
0x5b: {  	s23 =	sor.u32 $0x4, s22;
	v1 =	vld.idx.msk [tilespmem:v2+s2+$0x0], $0xffff  }
0x5c: {  	v2 =	vor.u32 s23, v0;
	_ =	sdelay $0x2  }
0x5d: {  	s25 =	sadd.s32 $0x80, s21  }
0x5e: {  	[tilespmem:s25+$0xFFFFFFC0] =	vst v1  }
0x5f: {  	s26 =	sor.u32 $0x8, s22;
	v1 =	vld.idx.msk [tilespmem:v2+s2+$0x0], $0xffff  }
0x60: {  	v2 =	vor.u32 s26, v0;
	_ =	sdelay $0x3  }
0x61: {  	[tilespmem:s25+$0xFFFFFFD0] =	vst v1  }
0x62: {  	s28 =	sor.u32 $0xC, s22;
	v1 =	vld.idx.msk [tilespmem:v2+s2+$0x0], $0xffff  }
0x63: {  	v2 =	vor.u32 s28, v0;
	_ =	sdelay $0x3  }
0x64: {  	[tilespmem:s25+$0xFFFFFFE0] =	vst v1  }
0x65: {  	s29 =	sor.u32 $0x10, s22;
	v1 =	vld.idx.msk [tilespmem:v2+s2+$0x0], $0xffff  }
0x66: {  	v2 =	vor.u32 s29, v0;
	_ =	sdelay $0x3  }
0x67: {  	[tilespmem:s25+$0xFFFFFFF0] =	vst v1  }
0x68: {  	s30 =	sor.u32 $0x14, s22;
	v1 =	vld.idx.msk [tilespmem:v2+s2+$0x0], $0xffff  }
0x69: {  	v2 =	vor.u32 s30, v0;
	_ =	sdelay $0x3  }
0x6a: {  	[tilespmem:s25+$0x0] =	vst v1  }
0x6b: {  	s31 =	sor.u32 $0x18, s22;
	v1 =	vld.idx.msk [tilespmem:v2+s2+$0x0], $0xffff  }
0x6c: {  	v2 =	vor.u32 s31, v0;
	_ =	sdelay $0x3  }
0x6d: {  	[tilespmem:s25+$0x10] =	vst v1  }
0x6e: {  	s22 =	sor.u32 $0x1C, s22;
	v1 =	vld.idx.msk [tilespmem:v2+s2+$0x0], $0xffff  }
0x6f: {  	v2 =	vor.u32 s22, v0;
	_ =	sdelay $0x3  }
0x70: {  	[tilespmem:s25+$0x20] =	vst v1  }
0x71: {  	v1 =	vld.idx.msk [tilespmem:v2+s2+$0x0], $0xffff;
	_ =	sdelay $0x4  }
0x72: {  	[tilespmem:s25+$0x30] =	vst v1  }
0x73: {  	[tilespmem:s13], [sflag:$0x1] =	stream.indirect.gather [hbm4b:s3+s11], $0x20, s12, s11, $0xb8;
	[tilespmem:$0x9900] =	vst v63  }
0x74: {  	_ = 	snop  }
0x75: {  	[tilespmem:s15], [sflag:$0x1] =	stream.indirect.gather [hbm4b:s3+s11], $0x20, s14, s11, $0xb8;
	[tilespmem:$0x9900] =	vst v63  }
0x76: {  	s21 =	simm.s32 $0x0;
	s23 =	smov.u32 s9;
	s22 =	simm.s32 $0x3180  }
0x77: {  	[tilespmem:s17], [sflag:$0x1] =	stream.indirect.gather [hbm4b:s3+s11], $0x20, s16, s11, $0xb8;
	[tilespmem:$0x9900] =	vst v63  }
.LBB2_4:
0x78: {  	s24 =	smul.u32 $0xCD, s21;
	_ =	sdelay $0x1  }
0x79: {  	s24 =	sshrl.u32 s24, $0xA  }
0x7a: {  	s24 =	sand.u32 $0x3F, s24  }
0x7b: {  	s24 =	smul.u32 $0x5, s24;
	_ =	sdelay $0x1  }
0x7c: {  	s24 =	ssub.s32 s21, s24  }
0x7d: {  	_ =	swait.ge [sflag:s18], $0x1000;
	s24 =	sand.u32 $0xFF, s24  }
0x7e: {  	[sflag:s18] =	ssyncset.done $0x0;
	s24 =	sshll.u32 s24, $0xC  }
0x7f: {  	p0 =	slt.u32 s21, $0x2;
	[sflag:s18] =	ssyncadd.s32 $0xFFFFF000;
	s24 =	sadd.s32 $0x4900, s24  }
0x80: {  	[hbm4b:s23+s2] =	stream.linear.scatter [tilespmem:s24], [sflag:$0x2], $0x1000, $0x38;
	[tilespmem:$0x9900] =	vst v63  }
0x81: {  	s24 =	simm.s32 @!p0 $0x2  }
0x82: {  	p1 =	sgt.u32 @!p0 s21, $0x2E;
	_ =	swait.ge @!p0 [sflag:s24], $0x1000  }
0x83: {  	p1 =	por p0, !p1;
	[sflag:s24] =	ssyncset.done @!p0 $0x0  }
0x84: {  	[sflag:s24] =	ssyncadd.s32 @!p0 $0xFFFFF000;
	s24 =	sadd.s32 @p1 $0x3, s21  }
0x85: {  	s25 =	smul.u32 @p1 $0xCD, s24;
	_ =	sdelay $0x1  }
0x86: {  	s25 =	sshrl.u32 @p1 s25, $0xA  }
0x87: {  	s25 =	sand.u32 @p1 $0x3F, s25  }
0x88: {  	s25 =	smul.u32 @p1 $0x5, s25  }
0x89: {  	s21 =	sadd.s32 $0x1, s21  }
0x8a: {  	p0 =	sne.s32 s21, $0x32;
	s24 =	ssub.s32 @p1 s24, s25  }
.Ltmp1:
0x8b: {  	s24 =	sand.u32 @p1 $0xFF, s24;
	(pc) =	sbr.rel @p0 .LBB2_4-.Ltmp1, $4  }
0x8c: {  	s24 =	sshll.u32 @p1 s24, $0xC  }
0x8d: {  	s24 =	sadd.s32 @p1 $0x4900, s24  }
0x8e: {  	[tilespmem:s24], [sflag:$0x1] =	stream.indirect.gather @p1 [hbm4b:s3+s11], $0x20, s22, s11, $0xb8;
	[tilespmem:$0x9900] =	vst v63  }
0x8f: {  	s23 =	sadd.s32 $0x200, s23;
	s22 =	sadd.s32 $0x80, s22  }
0x90: {  	s20 =	sadd.s32 $0x1, s20  }
0x91: {  	_ =	swait.ge [sflag:s19], $0x1000;
	p0 =	sne.s32 s20, s6  }
.Ltmp2:
0x92: {  	[sflag:s19] =	ssyncset.done $0x0;
	(pc) =	sbr.rel @p0 .LBB2_1-.Ltmp2, $4  }
0x93: {  	[sflag:s19] =	ssyncadd.s32 $0xFFFFF000  }
0x94: {  	_ =	swait.ge [sflag:s19], $0x1000  }
0x95: {  	[sflag:s19] =	ssyncset.done $0x0  }
0x96: {  	[sflag:s19] =	ssyncadd.s32 $0xFFFFF000  }
0x97: {  	_ =	sfence.sel $0x180000  }
0x98: {  	[bflag:$0x0] =	sbarrier.arrive $0xFFFF  }
0x99: {  	p0 =	sne.s32 s0, $0x0;
	_ =	strace $0x90000047  }
0x9a: {  	s0 =	sadd.s32 @!p0 $0x100000, s1;
	[bflag:$0x2] =	sbarrier.arrive $0xFFFF  }
0x9b: {  	[sflag:s0] =	ssyncadd.tile.s32 @!p0 $0x1;
	_ =	shalt  }
.Lfunc_end2:
_tile_overlayer_lowered:
.L_overlay_start_2:
0x9c: {  	(tag) =	ssettag $0x2  }
0x9d: {  	s0 =	rddreg [dreg:$0x0];
	s2 =	stileid.u32  }
0x9e: {  	s1 =	rddreg [dreg:$0x1];
	p0 =	sne.s32 s2, $0x0  }
0x9f: {  	s3 =	rddreg [dreg:$0x2];
	[bflag:$0x3] =	sbarrier.arrive $0xFFFF;
	s2 =	simm.s32 @!p0 $0x1C03  }
0xa0: {  	[timem:s3], [sflag:s2] =	dma.local @!p0 [hbm:s0], s1  }
0xa1: {  	s0 =	simm.s32 @!p0 $0x3  }
0xa2: {  	_ =	swait.ge @!p0 [sflag:s0], s1  }
0xa3: {  	s1 =	ssub.s32 @!p0 $0x0, s1;
	[sflag:s0] =	ssyncset.done @!p0 $0x0  }
0xa4: {  	[sflag:s0] =	ssyncadd.s32 @!p0 s1  }
0xa5: {  	[bflag:$0x3] =	sbarrier.arrive $0xFFFF  }
0xa6: {  	_ =	shalt  }

// kernel: kernel.13.cloned.1.call-start
scs
__scs_entry_jumppad:
0x0: {  	(pc) =	sbr.rel $0x88, $3  }
0x1: {  	(tag) =	ssettag $0x0;
	lr =	simm.s32 $0x1  }
0x2: {  	[smem:$0x3F9F] =	sst lr;
	_ =	strace $0xD0000000  }
0x3: {  	_ = 	snop  }
0x4: {  	_ = 	snop  }
0x5: {  	_ = 	snop  }
0x6: {  	_ = 	snop  }
0x7: {  	_ = 	snop  }
__scs_overlays_trampoline_lowered:
0x8: {  	[smem:$0x3FAE] =	sst s0  }
0x9: {  	[smem:$0x3FAF] =	sst s1  }
0xa: {  	[smem:$0x3FB0] =	sst s2  }
0xb: {  	[smem:$0x3FB1] =	sst s3  }
0xc: {  	[smem:$0x3FB2] =	sst s4  }
0xd: {  	[smem:$0x3FB3] =	sst s5  }
0xe: {  	[smem:$0x3FB4] =	sst s6  }
0xf: {  	[smem:$0x3FB5] =	sst s7  }
0x10: {  	[smem:$0x3FB6] =	sst s8  }
0x11: {  	[smem:$0x3FB7] =	sst s9;
	s0 =	simm.s32 @!p0 $0x0  }
0x12: {  	s1 =	sld [smem:$0x3F9D];
	s0 =	simm.s32 @p0 $0x1  }
0x13: {  	[smem:$0x3FB8] =	sst s0;
	s0 =	simm.s32 @!p1 $0x0  }
0x14: {  	s2 =	sld [smem:$0x3F9C];
	s0 =	simm.s32 @p1 $0x1  }
0x15: {  	[smem:$0x3FB9] =	sst s0;
	s0 =	simm.s32 @!p2 $0x0  }
0x16: {  	s3 =	sld [smem:$0x3FDB];
	s0 =	simm.s32 @p2 $0x1  }
0x17: {  	s4 =	simm.s32 $0x1BF5;
	[smem:$0x3FBB] =	sst s0  }
0x18: {  	s0 =	sld [smem:$0x3F9E];
	_ =	swait.ge [sflag:s4], $0x0  }
0x19: {  	s7 =	sld [smem:$0x3F9F]  }
0x1a: {  	s8 =	sadd.s32 $0xFFFFE003, lr  }
0x1b: {  	s9 =	sadd.s32 $0xFFFFFEF7, lr;
	s5 =	simm.s32 $0xFFFFFFFF;
	p2 =	slt.u32 s8, $0xFFFFF086  }
0x1c: {  	p1 =	slt.u32 s9, $0xF7A;
	s5 =	simm.s32 @!p2 $0x0  }
0x1d: {  	s5 =	simm.s32 @p1 $0x1;
	p0 =	seq.s32 s7, s2  }
0x1e: {  	s7 =	smul.u32 @!p0 $0xF7A, s2;
	p2 =	seq.s32 @!p0 s5, $0x0  }
0x1f: {  	s9 =	smul.u32 $0xF7A, s1;
	s8 =	simm.s32 @!p0 $0x1BF5;
	p2 =	por !p2, p0  }
0x20: {  	[sflag:s8] =	ssyncset.s32 @!p0 $0xFFFFF086;
	s6 =	sadd.s32 @!p0 s3, s7;
	s7 =	simm.s32 @!p0 $0x108  }
0x21: {  	s3 =	sadd.s32 s3, s9;
	s6 =	sadd.s32 @!p0 $0x88, s6;
	s7 =	simm.s32 @p2 $0x1082  }
0x22: {  	[simem:s7], [sflag:s8] =	dma.local @!p0 [hbm:s6], $0xF7A  }
0x23: {  	s9 =	sor.u32 $0xD0000000, s2;
	s6 =	simm.s32 $0x108;
	_ =	swait.ge @!p0 [sflag:s8], $0x0  }
0x24: {  	s3 =	sadd.s32 $0x88, s3;
	s6 =	simm.s32 @!p1 $0x1082;
	[sflag:s4] =	ssyncset.s32 $0xFFFFF086  }
0x25: {  	[simem:s6], [sflag:s4] =	dma.local [hbm:s3], $0xF7A  }
0x26: {  	[smem:$0x3F9F] =	sst s1;
	(tag) =	ssettag s2;
	_ =	strace s9  }
0x27: {  	s1 =	sld [smem:$0x3FAF]  }
0x28: {  	s2 =	sld [smem:$0x3FB0]  }
0x29: {  	s4 =	sld [smem:$0x3FB2]  }
0x2a: {  	p0 =	seq.s32 s5, $0x0;
	s5 =	sld [smem:$0x3FB3]  }
0x2b: {  	s6 =	sld [smem:$0x3FB4]  }
0x2c: {  	s7 =	sld [smem:$0x3FB5]  }
0x2d: {  	s3 =	simm.s32 $0x108;
	s8 =	sld [smem:$0x3FB6]  }
0x2e: {  	s3 =	simm.s32 @!p0 $0x1082;
	s9 =	sld [smem:$0x3FB7]  }
0x2f: {  	lr =	sadd.s32 s0, s3;
	s0 =	sld [smem:$0x3FAE]  }
0x30: {  	s3 =	sld [smem:$0x3FB1]  }
0x31: {  	[smem:$0x3FBA] =	sst s10  }
0x32: {  	s10 =	sld [smem:$0x3FB8];
	_ =	sdelay $0x3  }
0x33: {  	p0 =	seq.s32 s10, $0x1;
	s10 =	sld [smem:$0x3FBA];
	_ =	sdelay $0x3  }
0x34: {  	[smem:$0x3FBA] =	sst s10  }
0x35: {  	s10 =	sld [smem:$0x3FB9];
	_ =	sdelay $0x3  }
0x36: {  	p1 =	seq.s32 s10, $0x1;
	s10 =	sld [smem:$0x3FBA];
	_ =	sdelay $0x3  }
0x37: {  	[smem:$0x3FBA] =	sst s10  }
0x38: {  	s10 =	sld [smem:$0x3FBB]  }
0x39: {  	_ = 	snop;
	(pc) =	sbr.ind lr, $3  }
0x3a: {  	_ = 	snop  }
0x3b: {  	_ = 	snop  }
0x3c: {  	p2 =	seq.s32 s10, $0x1;
	s10 =	sld [smem:$0x3FBA]  }
0x3d: {  	_ =	shalt  }
0x3e: {  	_ =	shalt  }
0x3f: {  	_ =	shalt  }
0x40: {  	_ =	shalt  }
0x41: {  	_ =	shalt  }
0x42: {  	_ =	shalt  }
0x43: {  	_ =	shalt  }
0x44: {  	_ =	shalt  }
0x45: {  	_ =	shalt  }
0x46: {  	_ =	shalt  }
0x47: {  	_ =	shalt  }
0x48: {  	_ =	shalt  }
0x49: {  	_ =	shalt  }
0x4a: {  	_ =	shalt  }
0x4b: {  	_ =	shalt  }
0x4c: {  	_ =	shalt  }
0x4d: {  	_ =	shalt  }
0x4e: {  	_ =	shalt  }
0x4f: {  	_ =	shalt  }
0x50: {  	_ =	shalt  }
0x51: {  	_ =	shalt  }
0x52: {  	_ =	shalt  }
0x53: {  	_ =	shalt  }
0x54: {  	_ =	shalt  }
0x55: {  	_ =	shalt  }
0x56: {  	_ =	shalt  }
0x57: {  	_ =	shalt  }
0x58: {  	_ =	shalt  }
0x59: {  	_ =	shalt  }
0x5a: {  	_ =	shalt  }
0x5b: {  	_ =	shalt  }
0x5c: {  	_ =	shalt  }
0x5d: {  	_ =	shalt  }
0x5e: {  	_ =	shalt  }
0x5f: {  	_ =	shalt  }
0x60: {  	_ =	shalt  }
0x61: {  	_ =	shalt  }
0x62: {  	_ =	shalt  }
0x63: {  	_ =	shalt  }
0x64: {  	_ =	shalt  }
0x65: {  	_ =	shalt  }
0x66: {  	_ =	shalt  }
0x67: {  	_ =	shalt  }
0x68: {  	_ =	shalt  }
0x69: {  	_ =	shalt  }
0x6a: {  	_ =	shalt  }
0x6b: {  	_ =	shalt  }
0x6c: {  	_ =	shalt  }
0x6d: {  	_ =	shalt  }
0x6e: {  	_ =	shalt  }
0x6f: {  	_ =	shalt  }
0x70: {  	_ =	shalt  }
0x71: {  	_ =	shalt  }
0x72: {  	_ =	shalt  }
0x73: {  	_ =	shalt  }
0x74: {  	_ =	shalt  }
0x75: {  	_ =	shalt  }
0x76: {  	_ =	shalt  }
0x77: {  	_ =	shalt  }
0x78: {  	_ =	shalt  }
0x79: {  	_ =	shalt  }
0x7a: {  	_ =	shalt  }
0x7b: {  	_ =	shalt  }
0x7c: {  	_ =	shalt  }
0x7d: {  	_ =	shalt  }
0x7e: {  	_ =	shalt  }
0x7f: {  	_ =	shalt  }
0x80: {  	_ =	shalt  }
0x81: {  	_ =	shalt  }
0x82: {  	_ =	shalt  }
0x83: {  	_ =	shalt  }
0x84: {  	_ =	shalt  }
0x85: {  	_ =	shalt  }
0x86: {  	_ =	shalt  }
0x87: {  	_ =	shalt  }
.Lfunc_end0:
.L_simem_size_0:
called_computation.1_lowered:
.L_overlay_start_0:
0x88: {  	s2 =	sld [smem:$0x3FD9]  }
0x89: {  	s3 =	sld [smem:$0x3FFE];
	_ =	sdelay $0x1  }
0x8a: {  	s1 =	srdreg.scid  }
0x8b: {  	s0 =	sand.u32 $0x1, s1  }
0x8c: {  	s17 =	sshll.u32 s0, $0xA;
	s2 =	sadd.s32 s3, s2  }
0x8d: {  	s2 =	sadd.s32 s2, s17  }
0x8e: {  	[smem:$0x3FC6] =	sst s2  }
0x8f: {  	_ = 	snop  }
0x90: {  	(tm) =	ssettm $0x1  }
0x91: {  	s18 =	sld [smem:$0x3FFB];
	_ =	sdelay $0x3  }
0x92: {  	_ =	strace s18  }
0x93: {  	s2 =	sld [smem:$0x3FFC];
	_ =	sdelay $0x3  }
0x94: {  	_ =	strace s2  }
0x95: {  	s2 =	sld [smem:$0x3FFD];
	_ =	sdelay $0x3  }
0x96: {  	_ =	strace s2  }
0x97: {  	_ =	strace $0x8FFFFFFF  }
0x98: {  	s19 =	sld [smem:$0x3FDB];
	_ =	sdelay $0x1  }
0x99: {  	s20 =	simm.s32 $_scs_section_size  }
0x9a: {  	s4 =	simm.s32 $_size__tile_overlayer_lowered;
	s5 =	simm.s32 $_tile_overlayer_lowered  }
0x9b: {  	s6 =	simm.s32 $0x1BFF;
	s21 =	sshll.u32 s5, $0x1;
	s3 =	sadd.s32 s20, s19  }
0x9c: {  	s22 =	simm.s32 $0x0;
	s4 =	sshll.u32 s4, $0x1;
	s5 =	sadd.s32 s21, s3  }
0x9d: {  	[timem:s22], [sflag:s6] =	dma.local [hbm:s5], s4  }
0x9e: {  	_ =	swait.ge [sflag:s6], s4  }
0x9f: {  	s4 =	ssub.s32 $0x0, s4;
	[sflag:s6] =	ssyncset.done $0x0  }
0xa0: {  	[sflag:s6] =	ssyncadd.s32 s4;
	_ =	sdelay $0x1  }
0xa1: {  	s23 =	simm.s32 $0x1B8B  }
0xa2: {  	_ =	swait.ge [sflag:s23], $0x1  }
0xa3: {  	[sflag:s23] =	ssyncset.done $0x0  }
0xa4: {  	[sflag:s23] =	ssyncadd.s32 $0xFFFFFFFF  }
0xa5: {  	s4 =	sld [smem:$0x0]  }
0xa6: {  	s5 =	sand.u32 $0xFFFFFFFE, s1  }
0xa7: {  	p0 =	sne.s32 s1, s5  }
0xa8: {  	s5 =	sshll.u32 @p0 s5, $0xE  }
0xa9: {  	s5 =	sadd.s32 @p0 $0x11B8D, s5;
	s6 =	sshll.u32 @p0 s4, $0x11  }
0xaa: {  	s5 =	sor.u32 @p0 s6, s5  }
0xab: {  	[sflag:s5] =	ssyncadd.remote.s32 @p0 $0x1;
	_ =	sdelay $0x1  }
0xac: {  	s5 =	simm.s32 @p0 $0x1B8D  }
0xad: {  	_ =	swait.eq @p0 [sflag:s5], $0x1  }
0xae: {  	[sflag:s5] =	ssyncadd.s32 @p0 $0xFFFFFFFF  }
0xaf: {  	s6 =	sshll.u32 @!p0 s1, $0xE  }
0xb0: {  	s6 =	sor.u32 @!p0 $0x4000, s6;
	s5 =	simm.s32 @!p0 $0x1B8D  }
0xb1: {  	s4 =	sshll.u32 @!p0 s4, $0x11;
	s6 =	sadd.s32 @!p0 $0x11B8D, s6;
	_ =	swait.eq @!p0 [sflag:s5], $0x1  }
0xb2: {  	s4 =	sor.u32 @!p0 s4, s6;
	[sflag:s5] =	ssyncadd.s32 @!p0 $0xFFFFFFFF  }
0xb3: {  	s25 =	simm.s32 $0x1B8E;
	s24 =	sld [smem:$0x3FFE];
	[sflag:s4] =	ssyncadd.remote.s32 @!p0 $0x1  }
0xb4: {  	s26 =	simm.s32 $execute0_lowered;
	[smem:$0x3FD2] =	sst s25  }
0xb5: {  	s5 =	sshll.u32 s26, $0x1;
	_ =	strace $0x80000049;
	[dreg:$0x1] =	wrdreg $0xFFFFFFFF  }
0xb6: {  	s28 =	simm.s32 $_size_execute0_lowered;
	s3 =	sadd.s32 s3, s5;
	[dreg:$0x0] =	wrdreg $0x0  }
0xb7: {  	s5 =	sshll.u32 s28, $0x1;
	[dreg:$0x2] =	wrdreg s3  }
0xb8: {  	[dreg:$0x3] =	wrdreg s5  }
0xb9: {  	[dreg:$0x4] =	wrdreg $0xC0  }
0xba: {  	_ =	task [dreg:s22], $0x5FFFF  }
0xbb: {  	[dreg:$0x1] =	wrdreg $0xFFFFFFFF  }
0xbc: {  	[dreg:$0x0] =	wrdreg $0x60  }
0xbd: {  	[dreg:$0x2] =	wrdreg s24  }
0xbe: {  	[dreg:$0x3] =	wrdreg $0xA  }
0xbf: {  	_ =	task.clear_ibuf [dreg:s22], $0x4FFFF;
	_ =	strace $0x90000049  }
0xc0: {  	s29 =	simm.s32 $0xA;
	_ =	strace $0x8000004B  }
0xc1: {  	_ =	swait.ge [sflag:s29], $0x1  }
0xc2: {  	[sflag:s29] =	ssyncadd.s32 $0xFFFFFFFF  }
0xc3: {  	_ =	strace $0x9000004B  }
0xc4: {  	_ =	sfence  }
0xc5: {  	s30 =	sld [smem:$0x0];
	_ =	sdelay $0x2  }
0xc6: {  	s31 =	sshll.u32 s1, $0xD;
	s1 =	sshrl.u32 s1, $0x2  }
0xc7: {  	s4 =	sand.u32 $0x4000, s31;
	s1 =	sadd.s32 s1, s30  }
0xc8: {  	s0 =	sor.u32 s4, s0;
	s1 =	sshll.u32 s1, $0x11  }
0xc9: {  	s0 =	sor.u32 s1, s0  }
0xca: {  	s0 =	sadd.s32 $0x8F2B, s0  }
0xcb: {  	[sflag:s0] =	ssyncadd.remote.s32 $0x1  }
0xcc: {  	_ =	sfence.sel $0xFFFF  }
0xcd: {  	[dreg:$0x0] =	wrdreg $0xFFFFFFFF;
	(pc) =	sbr.abs _section_cstart, $3  }
0xce: {  	[dreg:$0x1] =	wrdreg $0xFFFFFFFF  }
0xcf: {  	_ =	task.clear_ibuf [dreg:s22], $0x2FFFF;
	_ =	strace $0x9FFFFFFF  }
0xd0: {  	(tm) =	ssettm $0x7FFFFFFF  }
0xd1: {  	_ =	shalt  }
tec
execute0_lowered:
.L_overlay_start_1:
0x0: {  	(tag) =	ssettag $0x1  }
0x1: {  	v0 =	vimm.s32 $0xC03;
	vm0 =	vcmask $0x300  }
0x2: {  	s1 =	srdreg.scid;
	vm14 =	vcmask $0x704;
	v0 =	vsel vm0, $0x0, v0  }
0x3: {  	s0 =	stileid.u32;
	vm15 =	vcmask $0xB08;
	s6 =	rddreg [dreg:$0x0];
	v0 =	vsel vm14, $0x400, v0  }
0x4: {  	vm4 =	vcmask $0xF0C;
	s2 =	simm.s32 $0x0;
	s12 =	simm.s32 $0x3000;
	s13 =	simm.s32 $0x4900;
	v0 =	vsel vm15, $0x800, v0  }
0x5: {  	vm5 =	vcmask $0x1310;
	s14 =	simm.s32 $0x3080;
	s15 =	simm.s32 $0x5900;
	s16 =	simm.s32 $0x3100;
	v0 =	vsel vm4, $0xC00, v0  }
0x6: {  	vm6 =	vcmask $0x1714;
	s17 =	simm.s32 $0x6900;
	s18 =	simm.s32 $0x1;
	s7 =	smul.u32 $0xC800, s0;
	v0 =	vsel vm5, $0x1, v0  }
0x7: {  	vm7 =	vcmask $0x1B18;
	s19 =	simm.s32 $0x2;
	s5 =	sand.u32 $0x1, s1;
	s8 =	smul.u32 $0x64, s0;
	v0 =	vsel vm6, $0x401, v0  }
0x8: {  	vm8 =	vcmask $0x1F1C;
	s20 =	simm.s32 $0x0;
	s26 =	sshll.u32 s0, $0x1;
	s10 =	smul.u32 $0x32, s5;
	v0 =	vsel vm7, $0x801, v0  }
0x9: {  	vm9 =	vcmask $0x2320;
	[smem:$0x7FF] =	sst s2;
	s1 =	sor.u32 s5, s26;
	s30 =	smul.u32 $0x6400, s5;
	v0 =	vsel vm8, $0xC01, v0  }
0xa: {  	vm10 =	vcmask $0x2724;
	s4 =	sadd.s32 $0x1200, s6;
	s28 =	ssub.s32 $0x2, s5;
	s3 =	smul.u32 $0x32, s1;
	v0 =	vsel vm9, $0x2, v0  }
0xb: {  	vm11 =	vcmask $0x2B28;
	s1 =	rddreg [dreg:$0x1];
	_ =	strace $0x8000004A;
	s11 =	sadd.s32 s7, s6;
	v0 =	vsel vm10, $0x402, v0  }
0xc: {  	vm12 =	vcmask $0x2F2C;
	s29 =	sshrl.u32 s28, $0x1;
	s8 =	sadd.s32 s10, s8;
	s3 =	sshrl.u32 s3, $0x5;
	v0 =	vsel vm11, $0x802, v0  }
0xd: {  	vm13 =	vcmask $0x3330;
	s7 =	ssub.s32 s28, s29;
	s31 =	sadd.s32 s30, s11;
	s3 =	sadd.s32 $0x32, s3;
	v0 =	vsel vm12, $0xC02, v0  }
0xe: {  	vm14 =	vcmask $0x3734;
	s10 =	simm.s32 $0x3;
	s11 =	simm.s32 $0x80;
	s9 =	sshll.u32 s3, $0x9;
	v0 =	vsel vm13, $0x3, v0  }
0xf: {  	vm15 =	vcmask $0x3B38;
	s7 =	smax.u32 s7, $0x1;
	s9 =	sadd.s32 s9, s6;
	s6 =	sadd.s32 $0x640, s8;
	v0 =	vsel vm14, $0x403, v0  }
0x10: {  	s5 =	sadd.s32 $0x62E00, s9;
	s8 =	sshll.u32 s6, $0x5;
	s9 =	sadd.s32 $0x143E00, s31;
	v0 =	vsel vm15, $0x803, v0  }
.LBB2_1:
0x11: {  	s21 =	sadd.s32 $0x0, s6  }
0x12: {  	s21 =	sshrl.u32 s21, $0x5  }
0x13: {  	s21 =	ssub.s32 s21, s3  }
0x14: {  	s22 =	sand.u32 $0x3E0, s8;
	s21 =	sshll.u32 s21, $0xC  }
0x15: {  	s22 =	sor.u32 s22, s21  }
0x16: {  	v1 =	vor.u32 s22, v0  }
0x17: {  	[tilespmem:s2], [sflag:$0x3] =	stream.linear.gather [hbm4b:s5+s2], $0x3000, $0x38;
	[tilespmem:$0x9900] =	vst v63  }
0x18: {  	_ =	swait.ge [sflag:s10], $0x3000  }
0x19: {  	[sflag:s10] =	ssyncset.done $0x0  }
0x1a: {  	[sflag:s10] =	ssyncadd.s32 $0xFFFFD000  }
0x1b: {  	s21 =	sor.u32 $0x4, s22;
	v1 =	vld.idx.msk [tilespmem:v1+s2+$0x0], $0xffff  }
0x1c: {  	v2 =	vor.u32 s21, v0;
	_ =	sdelay $0x2  }
0x1d: {  	s21 =	simm.s32 $0x3040  }
0x1e: {  	[tilespmem:s21+$0xFFFFFFC0] =	vst v1  }
0x1f: {  	s23 =	sor.u32 $0x8, s22;
	v1 =	vld.idx.msk [tilespmem:v2+s2+$0x0], $0xffff  }
0x20: {  	v2 =	vor.u32 s23, v0;
	_ =	sdelay $0x3  }
0x21: {  	[tilespmem:s21+$0xFFFFFFD0] =	vst v1  }
0x22: {  	s28 =	sor.u32 $0xC, s22;
	v1 =	vld.idx.msk [tilespmem:v2+s2+$0x0], $0xffff  }
0x23: {  	v2 =	vor.u32 s28, v0;
	_ =	sdelay $0x3  }
0x24: {  	[tilespmem:s21+$0xFFFFFFE0] =	vst v1  }
0x25: {  	s29 =	sor.u32 $0x10, s22;
	v1 =	vld.idx.msk [tilespmem:v2+s2+$0x0], $0xffff  }
0x26: {  	v2 =	vor.u32 s29, v0;
	_ =	sdelay $0x3  }
0x27: {  	[tilespmem:s21+$0xFFFFFFF0] =	vst v1  }
0x28: {  	s30 =	sor.u32 $0x14, s22;
	v1 =	vld.idx.msk [tilespmem:v2+s2+$0x0], $0xffff  }
0x29: {  	v2 =	vor.u32 s30, v0;
	_ =	sdelay $0x3  }
0x2a: {  	[tilespmem:s21+$0x0] =	vst v1  }
0x2b: {  	s31 =	sor.u32 $0x18, s22;
	v1 =	vld.idx.msk [tilespmem:v2+s2+$0x0], $0xffff  }
0x2c: {  	v2 =	vor.u32 s31, v0;
	_ =	sdelay $0x3  }
0x2d: {  	[tilespmem:s21+$0x10] =	vst v1  }
0x2e: {  	s22 =	sor.u32 $0x1C, s22;
	v2 =	vld.idx.msk [tilespmem:v2+s2+$0x0], $0xffff  }
0x2f: {  	v1 =	vor.u32 s22, v0;
	_ =	sdelay $0x1  }
0x30: {  	s24 =	sadd.s32 $0x1, s6;
	s23 =	simm.s32 $0x2;
	s22 =	smov.u32 s8  }
.LBB2_2:
0x31: {  	p0 =	sne.s32 s23, $0x31;
	s24 =	sshrl.u32 s24, $0x5  }
0x32: {  	s22 =	sadd.s32 $0x20, s22;
	s24 =	ssub.s32 s24, s3;
	[tilespmem:s21+$0x20] =	vst v2  }
0x33: {  	s25 =	sand.u32 $0x3E0, s22;
	s24 =	sshll.u32 s24, $0xC;
	v1 =	vld.idx.msk [tilespmem:v1+s2+$0x0], $0xffff  }
0x34: {  	s24 =	sor.u32 s25, s24  }
0x35: {  	v2 =	vor.u32 s24, v0;
	_ =	sdelay $0x3  }
0x36: {  	[tilespmem:s21+$0x30] =	vst v1  }
0x37: {  	v1 =	vld.idx.msk [tilespmem:v2+s2+$0x0], $0xffff  }
0x38: {  	s25 =	sor.u32 $0x4, s24  }
0x39: {  	v2 =	vor.u32 s25, v0;
	_ =	sdelay $0x2  }
0x3a: {  	s21 =	sadd.s32 $0x80, s21  }
0x3b: {  	[tilespmem:s21+$0xFFFFFFC0] =	vst v1  }
0x3c: {  	v1 =	vld.idx.msk [tilespmem:v2+s2+$0x0], $0xffff  }
0x3d: {  	s25 =	sor.u32 $0x8, s24  }
0x3e: {  	v2 =	vor.u32 s25, v0;
	_ =	sdelay $0x3  }
0x3f: {  	[tilespmem:s21+$0xFFFFFFD0] =	vst v1  }
0x40: {  	v1 =	vld.idx.msk [tilespmem:v2+s2+$0x0], $0xffff  }
0x41: {  	s25 =	sor.u32 $0xC, s24  }
0x42: {  	v2 =	vor.u32 s25, v0;
	_ =	sdelay $0x3  }
0x43: {  	[tilespmem:s21+$0xFFFFFFE0] =	vst v1  }
0x44: {  	v1 =	vld.idx.msk [tilespmem:v2+s2+$0x0], $0xffff  }
0x45: {  	s25 =	sor.u32 $0x10, s24  }
0x46: {  	v2 =	vor.u32 s25, v0;
	_ =	sdelay $0x3  }
0x47: {  	[tilespmem:s21+$0xFFFFFFF0] =	vst v1  }
0x48: {  	v1 =	vld.idx.msk [tilespmem:v2+s2+$0x0], $0xffff  }
0x49: {  	s25 =	sor.u32 $0x14, s24  }
0x4a: {  	v2 =	vor.u32 s25, v0;
	_ =	sdelay $0x3  }
0x4b: {  	[tilespmem:s21+$0x0] =	vst v1  }
0x4c: {  	v1 =	vld.idx.msk [tilespmem:v2+s2+$0x0], $0xffff  }
0x4d: {  	s25 =	sor.u32 $0x18, s24  }
0x4e: {  	v2 =	vor.u32 s25, v0;
	_ =	sdelay $0x3  }
0x4f: {  	[tilespmem:s21+$0x10] =	vst v1  }
.Ltmp0:
0x50: {  	v2 =	vld.idx.msk [tilespmem:v2+s2+$0x0], $0xffff;
	(pc) =	sbr.rel @p0 .LBB2_2-.Ltmp0, $3  }
0x51: {  	s24 =	sor.u32 $0x1C, s24  }
0x52: {  	v1 =	vor.u32 s24, v0;
	_ =	sdelay $0x1  }
0x53: {  	s24 =	sadd.s32 s23, s6;
	s23 =	sadd.s32 $0x1, s23  }
0x54: {  	_ = 	snop  }
0x55: {  	s23 =	sshrl.u32 s24, $0x5  }
0x56: {  	s22 =	sadd.s32 $0x20, s22;
	s23 =	ssub.s32 s23, s3  }
0x57: {  	[tilespmem:s21+$0x20] =	vst v2;
	s22 =	sand.u32 $0x3E0, s22;
	s23 =	sshll.u32 s23, $0xC  }
0x58: {  	v1 =	vld.idx.msk [tilespmem:v1+s2+$0x0], $0xffff;
	s22 =	sor.u32 s22, s23  }
0x59: {  	v2 =	vor.u32 s22, v0;
	_ =	sdelay $0x3  }
0x5a: {  	[tilespmem:s21+$0x30] =	vst v1  }
0x5b: {  	s23 =	sor.u32 $0x4, s22;
	v1 =	vld.idx.msk [tilespmem:v2+s2+$0x0], $0xffff  }
0x5c: {  	v2 =	vor.u32 s23, v0;
	_ =	sdelay $0x2  }
0x5d: {  	s25 =	sadd.s32 $0x80, s21  }
0x5e: {  	[tilespmem:s25+$0xFFFFFFC0] =	vst v1  }
0x5f: {  	s26 =	sor.u32 $0x8, s22;
	v1 =	vld.idx.msk [tilespmem:v2+s2+$0x0], $0xffff  }
0x60: {  	v2 =	vor.u32 s26, v0;
	_ =	sdelay $0x3  }
0x61: {  	[tilespmem:s25+$0xFFFFFFD0] =	vst v1  }
0x62: {  	s28 =	sor.u32 $0xC, s22;
	v1 =	vld.idx.msk [tilespmem:v2+s2+$0x0], $0xffff  }
0x63: {  	v2 =	vor.u32 s28, v0;
	_ =	sdelay $0x3  }
0x64: {  	[tilespmem:s25+$0xFFFFFFE0] =	vst v1  }
0x65: {  	s29 =	sor.u32 $0x10, s22;
	v1 =	vld.idx.msk [tilespmem:v2+s2+$0x0], $0xffff  }
0x66: {  	v2 =	vor.u32 s29, v0;
	_ =	sdelay $0x3  }
0x67: {  	[tilespmem:s25+$0xFFFFFFF0] =	vst v1  }
0x68: {  	s30 =	sor.u32 $0x14, s22;
	v1 =	vld.idx.msk [tilespmem:v2+s2+$0x0], $0xffff  }
0x69: {  	v2 =	vor.u32 s30, v0;
	_ =	sdelay $0x3  }
0x6a: {  	[tilespmem:s25+$0x0] =	vst v1  }
0x6b: {  	s31 =	sor.u32 $0x18, s22;
	v1 =	vld.idx.msk [tilespmem:v2+s2+$0x0], $0xffff  }
0x6c: {  	v2 =	vor.u32 s31, v0;
	_ =	sdelay $0x3  }
0x6d: {  	[tilespmem:s25+$0x10] =	vst v1  }
0x6e: {  	s22 =	sor.u32 $0x1C, s22;
	v1 =	vld.idx.msk [tilespmem:v2+s2+$0x0], $0xffff  }
0x6f: {  	v2 =	vor.u32 s22, v0;
	_ =	sdelay $0x3  }
0x70: {  	[tilespmem:s25+$0x20] =	vst v1  }
0x71: {  	v1 =	vld.idx.msk [tilespmem:v2+s2+$0x0], $0xffff;
	_ =	sdelay $0x4  }
0x72: {  	[tilespmem:s25+$0x30] =	vst v1  }
0x73: {  	[tilespmem:s13], [sflag:$0x1] =	stream.indirect.gather [hbm4b:s4+s11], $0x20, s12, s11, $0xb8;
	[tilespmem:$0x9900] =	vst v63  }
0x74: {  	_ = 	snop  }
0x75: {  	[tilespmem:s15], [sflag:$0x1] =	stream.indirect.gather [hbm4b:s4+s11], $0x20, s14, s11, $0xb8;
	[tilespmem:$0x9900] =	vst v63  }
0x76: {  	s21 =	simm.s32 $0x0;
	s23 =	smov.u32 s9;
	s22 =	simm.s32 $0x3180  }
0x77: {  	[tilespmem:s17], [sflag:$0x1] =	stream.indirect.gather [hbm4b:s4+s11], $0x20, s16, s11, $0xb8;
	[tilespmem:$0x9900] =	vst v63  }
.LBB2_4:
0x78: {  	s24 =	smul.u32 $0xCD, s21;
	_ =	sdelay $0x1  }
0x79: {  	s24 =	sshrl.u32 s24, $0xA  }
0x7a: {  	s24 =	sand.u32 $0x3F, s24  }
0x7b: {  	s24 =	smul.u32 $0x5, s24;
	_ =	sdelay $0x1  }
0x7c: {  	s24 =	ssub.s32 s21, s24  }
0x7d: {  	_ =	swait.ge [sflag:s18], $0x1000;
	s24 =	sand.u32 $0xFF, s24  }
0x7e: {  	[sflag:s18] =	ssyncset.done $0x0;
	s24 =	sshll.u32 s24, $0xC  }
0x7f: {  	p0 =	slt.u32 s21, $0x2;
	[sflag:s18] =	ssyncadd.s32 $0xFFFFF000;
	s24 =	sadd.s32 $0x4900, s24  }
0x80: {  	[hbm4b:s23+s2] =	stream.linear.scatter [tilespmem:s24], [sflag:$0x2], $0x1000, $0x38;
	[tilespmem:$0x9900] =	vst v63  }
0x81: {  	s24 =	simm.s32 @!p0 $0x2  }
0x82: {  	p1 =	sgt.u32 @!p0 s21, $0x2E;
	_ =	swait.ge @!p0 [sflag:s24], $0x1000  }
0x83: {  	p1 =	por p0, !p1;
	[sflag:s24] =	ssyncset.done @!p0 $0x0  }
0x84: {  	[sflag:s24] =	ssyncadd.s32 @!p0 $0xFFFFF000;
	s24 =	sadd.s32 @p1 $0x3, s21  }
0x85: {  	s25 =	smul.u32 @p1 $0xCD, s24;
	_ =	sdelay $0x1  }
0x86: {  	s25 =	sshrl.u32 @p1 s25, $0xA  }
0x87: {  	s25 =	sand.u32 @p1 $0x3F, s25  }
0x88: {  	s25 =	smul.u32 @p1 $0x5, s25  }
0x89: {  	s21 =	sadd.s32 $0x1, s21  }
0x8a: {  	p0 =	sne.s32 s21, $0x32;
	s24 =	ssub.s32 @p1 s24, s25  }
.Ltmp1:
0x8b: {  	s24 =	sand.u32 @p1 $0xFF, s24;
	(pc) =	sbr.rel @p0 .LBB2_4-.Ltmp1, $4  }
0x8c: {  	s24 =	sshll.u32 @p1 s24, $0xC  }
0x8d: {  	s24 =	sadd.s32 @p1 $0x4900, s24  }
0x8e: {  	[tilespmem:s24], [sflag:$0x1] =	stream.indirect.gather @p1 [hbm4b:s4+s11], $0x20, s22, s11, $0xb8;
	[tilespmem:$0x9900] =	vst v63  }
0x8f: {  	s23 =	sadd.s32 $0x200, s23;
	s22 =	sadd.s32 $0x80, s22  }
0x90: {  	s20 =	sadd.s32 $0x1, s20  }
0x91: {  	_ =	swait.ge [sflag:s19], $0x1000;
	p0 =	sne.s32 s20, s7  }
.Ltmp2:
0x92: {  	[sflag:s19] =	ssyncset.done $0x0;
	(pc) =	sbr.rel @p0 .LBB2_1-.Ltmp2, $4  }
0x93: {  	[sflag:s19] =	ssyncadd.s32 $0xFFFFF000  }
0x94: {  	_ =	swait.ge [sflag:s19], $0x1000  }
0x95: {  	[sflag:s19] =	ssyncset.done $0x0  }
0x96: {  	[sflag:s19] =	ssyncadd.s32 $0xFFFFF000  }
0x97: {  	_ =	sfence.sel $0x180000  }
0x98: {  	[bflag:$0x0] =	sbarrier.arrive $0xFFFF  }
0x99: {  	p0 =	sne.s32 s0, $0x0;
	_ =	strace $0x9000004A  }
0x9a: {  	s0 =	sadd.s32 @!p0 $0x100000, s1;
	[bflag:$0x2] =	sbarrier.arrive $0xFFFF  }
0x9b: {  	[sflag:s0] =	ssyncadd.tile.s32 @!p0 $0x1;
	_ =	shalt  }
.Lfunc_end2:
_tile_overlayer_lowered:
.L_overlay_start_2:
0x9c: {  	(tag) =	ssettag $0x2  }
0x9d: {  	s0 =	rddreg [dreg:$0x0];
	s2 =	stileid.u32  }
0x9e: {  	s1 =	rddreg [dreg:$0x1];
	p0 =	sne.s32 s2, $0x0  }
0x9f: {  	s3 =	rddreg [dreg:$0x2];
	[bflag:$0x3] =	sbarrier.arrive $0xFFFF;
	s2 =	simm.s32 @!p0 $0x1C03  }
0xa0: {  	[timem:s3], [sflag:s2] =	dma.local @!p0 [hbm:s0], s1  }
0xa1: {  	s0 =	simm.s32 @!p0 $0x3  }
0xa2: {  	_ =	swait.ge @!p0 [sflag:s0], s1  }
0xa3: {  	s1 =	ssub.s32 @!p0 $0x0, s1;
	[sflag:s0] =	ssyncset.done @!p0 $0x0  }
0xa4: {  	[sflag:s0] =	ssyncadd.s32 @!p0 s1  }
0xa5: {  	[bflag:$0x3] =	sbarrier.arrive $0xFFFF  }
0xa6: {  	_ =	shalt  }

// kernel: kernel.16.cloned.1.call-start
scs
__scs_entry_jumppad:
0x0: {  	(pc) =	sbr.rel $0x88, $3  }
0x1: {  	(tag) =	ssettag $0x0;
	lr =	simm.s32 $0x1  }
0x2: {  	[smem:$0x3F9F] =	sst lr;
	_ =	strace $0xD0000000  }
0x3: {  	_ = 	snop  }
0x4: {  	_ = 	snop  }
0x5: {  	_ = 	snop  }
0x6: {  	_ = 	snop  }
0x7: {  	_ = 	snop  }
__scs_overlays_trampoline_lowered:
0x8: {  	[smem:$0x3FAE] =	sst s0  }
0x9: {  	[smem:$0x3FAF] =	sst s1  }
0xa: {  	[smem:$0x3FB0] =	sst s2  }
0xb: {  	[smem:$0x3FB1] =	sst s3  }
0xc: {  	[smem:$0x3FB2] =	sst s4  }
0xd: {  	[smem:$0x3FB3] =	sst s5  }
0xe: {  	[smem:$0x3FB4] =	sst s6  }
0xf: {  	[smem:$0x3FB5] =	sst s7  }
0x10: {  	[smem:$0x3FB6] =	sst s8  }
0x11: {  	[smem:$0x3FB7] =	sst s9;
	s0 =	simm.s32 @!p0 $0x0  }
0x12: {  	s1 =	sld [smem:$0x3F9D];
	s0 =	simm.s32 @p0 $0x1  }
0x13: {  	[smem:$0x3FB8] =	sst s0;
	s0 =	simm.s32 @!p1 $0x0  }
0x14: {  	s2 =	sld [smem:$0x3F9C];
	s0 =	simm.s32 @p1 $0x1  }
0x15: {  	[smem:$0x3FB9] =	sst s0;
	s0 =	simm.s32 @!p2 $0x0  }
0x16: {  	s3 =	sld [smem:$0x3FDB];
	s0 =	simm.s32 @p2 $0x1  }
0x17: {  	s4 =	simm.s32 $0x1BF5;
	[smem:$0x3FBB] =	sst s0  }
0x18: {  	s0 =	sld [smem:$0x3F9E];
	_ =	swait.ge [sflag:s4], $0x0  }
0x19: {  	s7 =	sld [smem:$0x3F9F]  }
0x1a: {  	s8 =	sadd.s32 $0xFFFFE003, lr  }
0x1b: {  	s9 =	sadd.s32 $0xFFFFFEF7, lr;
	s5 =	simm.s32 $0xFFFFFFFF;
	p2 =	slt.u32 s8, $0xFFFFF086  }
0x1c: {  	p1 =	slt.u32 s9, $0xF7A;
	s5 =	simm.s32 @!p2 $0x0  }
0x1d: {  	s5 =	simm.s32 @p1 $0x1;
	p0 =	seq.s32 s7, s2  }
0x1e: {  	s7 =	smul.u32 @!p0 $0xF7A, s2;
	p2 =	seq.s32 @!p0 s5, $0x0  }
0x1f: {  	s9 =	smul.u32 $0xF7A, s1;
	s8 =	simm.s32 @!p0 $0x1BF5;
	p2 =	por !p2, p0  }
0x20: {  	[sflag:s8] =	ssyncset.s32 @!p0 $0xFFFFF086;
	s6 =	sadd.s32 @!p0 s3, s7;
	s7 =	simm.s32 @!p0 $0x108  }
0x21: {  	s3 =	sadd.s32 s3, s9;
	s6 =	sadd.s32 @!p0 $0x88, s6;
	s7 =	simm.s32 @p2 $0x1082  }
0x22: {  	[simem:s7], [sflag:s8] =	dma.local @!p0 [hbm:s6], $0xF7A  }
0x23: {  	s9 =	sor.u32 $0xD0000000, s2;
	s6 =	simm.s32 $0x108;
	_ =	swait.ge @!p0 [sflag:s8], $0x0  }
0x24: {  	s3 =	sadd.s32 $0x88, s3;
	s6 =	simm.s32 @!p1 $0x1082;
	[sflag:s4] =	ssyncset.s32 $0xFFFFF086  }
0x25: {  	[simem:s6], [sflag:s4] =	dma.local [hbm:s3], $0xF7A  }
0x26: {  	[smem:$0x3F9F] =	sst s1;
	(tag) =	ssettag s2;
	_ =	strace s9  }
0x27: {  	s1 =	sld [smem:$0x3FAF]  }
0x28: {  	s2 =	sld [smem:$0x3FB0]  }
0x29: {  	s4 =	sld [smem:$0x3FB2]  }
0x2a: {  	p0 =	seq.s32 s5, $0x0;
	s5 =	sld [smem:$0x3FB3]  }
0x2b: {  	s6 =	sld [smem:$0x3FB4]  }
0x2c: {  	s7 =	sld [smem:$0x3FB5]  }
0x2d: {  	s3 =	simm.s32 $0x108;
	s8 =	sld [smem:$0x3FB6]  }
0x2e: {  	s3 =	simm.s32 @!p0 $0x1082;
	s9 =	sld [smem:$0x3FB7]  }
0x2f: {  	lr =	sadd.s32 s0, s3;
	s0 =	sld [smem:$0x3FAE]  }
0x30: {  	s3 =	sld [smem:$0x3FB1]  }
0x31: {  	[smem:$0x3FBA] =	sst s10  }
0x32: {  	s10 =	sld [smem:$0x3FB8];
	_ =	sdelay $0x3  }
0x33: {  	p0 =	seq.s32 s10, $0x1;
	s10 =	sld [smem:$0x3FBA];
	_ =	sdelay $0x3  }
0x34: {  	[smem:$0x3FBA] =	sst s10  }
0x35: {  	s10 =	sld [smem:$0x3FB9];
	_ =	sdelay $0x3  }
0x36: {  	p1 =	seq.s32 s10, $0x1;
	s10 =	sld [smem:$0x3FBA];
	_ =	sdelay $0x3  }
0x37: {  	[smem:$0x3FBA] =	sst s10  }
0x38: {  	s10 =	sld [smem:$0x3FBB]  }
0x39: {  	_ = 	snop;
	(pc) =	sbr.ind lr, $3  }
0x3a: {  	_ = 	snop  }
0x3b: {  	_ = 	snop  }
0x3c: {  	p2 =	seq.s32 s10, $0x1;
	s10 =	sld [smem:$0x3FBA]  }
0x3d: {  	_ =	shalt  }
0x3e: {  	_ =	shalt  }
0x3f: {  	_ =	shalt  }
0x40: {  	_ =	shalt  }
0x41: {  	_ =	shalt  }
0x42: {  	_ =	shalt  }
0x43: {  	_ =	shalt  }
0x44: {  	_ =	shalt  }
0x45: {  	_ =	shalt  }
0x46: {  	_ =	shalt  }
0x47: {  	_ =	shalt  }
0x48: {  	_ =	shalt  }
0x49: {  	_ =	shalt  }
0x4a: {  	_ =	shalt  }
0x4b: {  	_ =	shalt  }
0x4c: {  	_ =	shalt  }
0x4d: {  	_ =	shalt  }
0x4e: {  	_ =	shalt  }
0x4f: {  	_ =	shalt  }
0x50: {  	_ =	shalt  }
0x51: {  	_ =	shalt  }
0x52: {  	_ =	shalt  }
0x53: {  	_ =	shalt  }
0x54: {  	_ =	shalt  }
0x55: {  	_ =	shalt  }
0x56: {  	_ =	shalt  }
0x57: {  	_ =	shalt  }
0x58: {  	_ =	shalt  }
0x59: {  	_ =	shalt  }
0x5a: {  	_ =	shalt  }
0x5b: {  	_ =	shalt  }
0x5c: {  	_ =	shalt  }
0x5d: {  	_ =	shalt  }
0x5e: {  	_ =	shalt  }
0x5f: {  	_ =	shalt  }
0x60: {  	_ =	shalt  }
0x61: {  	_ =	shalt  }
0x62: {  	_ =	shalt  }
0x63: {  	_ =	shalt  }
0x64: {  	_ =	shalt  }
0x65: {  	_ =	shalt  }
0x66: {  	_ =	shalt  }
0x67: {  	_ =	shalt  }
0x68: {  	_ =	shalt  }
0x69: {  	_ =	shalt  }
0x6a: {  	_ =	shalt  }
0x6b: {  	_ =	shalt  }
0x6c: {  	_ =	shalt  }
0x6d: {  	_ =	shalt  }
0x6e: {  	_ =	shalt  }
0x6f: {  	_ =	shalt  }
0x70: {  	_ =	shalt  }
0x71: {  	_ =	shalt  }
0x72: {  	_ =	shalt  }
0x73: {  	_ =	shalt  }
0x74: {  	_ =	shalt  }
0x75: {  	_ =	shalt  }
0x76: {  	_ =	shalt  }
0x77: {  	_ =	shalt  }
0x78: {  	_ =	shalt  }
0x79: {  	_ =	shalt  }
0x7a: {  	_ =	shalt  }
0x7b: {  	_ =	shalt  }
0x7c: {  	_ =	shalt  }
0x7d: {  	_ =	shalt  }
0x7e: {  	_ =	shalt  }
0x7f: {  	_ =	shalt  }
0x80: {  	_ =	shalt  }
0x81: {  	_ =	shalt  }
0x82: {  	_ =	shalt  }
0x83: {  	_ =	shalt  }
0x84: {  	_ =	shalt  }
0x85: {  	_ =	shalt  }
0x86: {  	_ =	shalt  }
0x87: {  	_ =	shalt  }
.Lfunc_end0:
.L_simem_size_0:
called_computation.2_lowered:
.L_overlay_start_0:
0x88: {  	s2 =	sld [smem:$0x3FD9]  }
0x89: {  	s3 =	sld [smem:$0x3FFE];
	_ =	sdelay $0x1  }
0x8a: {  	s1 =	srdreg.scid  }
0x8b: {  	s0 =	sand.u32 $0x1, s1  }
0x8c: {  	s17 =	sshll.u32 s0, $0xA;
	s2 =	sadd.s32 s3, s2  }
0x8d: {  	s2 =	sadd.s32 s2, s17  }
0x8e: {  	[smem:$0x3FC6] =	sst s2  }
0x8f: {  	_ = 	snop  }
0x90: {  	(tm) =	ssettm $0x1  }
0x91: {  	s18 =	sld [smem:$0x3FFB];
	_ =	sdelay $0x3  }
0x92: {  	_ =	strace s18  }
0x93: {  	s2 =	sld [smem:$0x3FFC];
	_ =	sdelay $0x3  }
0x94: {  	_ =	strace s2  }
0x95: {  	s2 =	sld [smem:$0x3FFD];
	_ =	sdelay $0x3  }
0x96: {  	_ =	strace s2  }
0x97: {  	_ =	strace $0x8FFFFFFF  }
0x98: {  	s19 =	sld [smem:$0x3FDB];
	_ =	sdelay $0x1  }
0x99: {  	s20 =	simm.s32 $_scs_section_size  }
0x9a: {  	s4 =	simm.s32 $_size__tile_overlayer_lowered;
	s5 =	simm.s32 $_tile_overlayer_lowered  }
0x9b: {  	s6 =	simm.s32 $0x1BFF;
	s21 =	sshll.u32 s5, $0x1;
	s3 =	sadd.s32 s20, s19  }
0x9c: {  	s22 =	simm.s32 $0x0;
	s4 =	sshll.u32 s4, $0x1;
	s5 =	sadd.s32 s21, s3  }
0x9d: {  	[timem:s22], [sflag:s6] =	dma.local [hbm:s5], s4  }
0x9e: {  	_ =	swait.ge [sflag:s6], s4  }
0x9f: {  	s4 =	ssub.s32 $0x0, s4;
	[sflag:s6] =	ssyncset.done $0x0  }
0xa0: {  	[sflag:s6] =	ssyncadd.s32 s4;
	_ =	sdelay $0x1  }
0xa1: {  	s23 =	simm.s32 $0x1B8B  }
0xa2: {  	_ =	swait.ge [sflag:s23], $0x1  }
0xa3: {  	[sflag:s23] =	ssyncset.done $0x0  }
0xa4: {  	[sflag:s23] =	ssyncadd.s32 $0xFFFFFFFF  }
0xa5: {  	s4 =	sld [smem:$0x0]  }
0xa6: {  	s5 =	sand.u32 $0xFFFFFFFE, s1  }
0xa7: {  	p0 =	sne.s32 s1, s5  }
0xa8: {  	s5 =	sshll.u32 @p0 s5, $0xE  }
0xa9: {  	s5 =	sadd.s32 @p0 $0x11B8D, s5;
	s6 =	sshll.u32 @p0 s4, $0x11  }
0xaa: {  	s5 =	sor.u32 @p0 s6, s5  }
0xab: {  	[sflag:s5] =	ssyncadd.remote.s32 @p0 $0x1;
	_ =	sdelay $0x1  }
0xac: {  	s5 =	simm.s32 @p0 $0x1B8D  }
0xad: {  	_ =	swait.eq @p0 [sflag:s5], $0x1  }
0xae: {  	[sflag:s5] =	ssyncadd.s32 @p0 $0xFFFFFFFF  }
0xaf: {  	s6 =	sshll.u32 @!p0 s1, $0xE  }
0xb0: {  	s6 =	sor.u32 @!p0 $0x4000, s6;
	s5 =	simm.s32 @!p0 $0x1B8D  }
0xb1: {  	s4 =	sshll.u32 @!p0 s4, $0x11;
	s6 =	sadd.s32 @!p0 $0x11B8D, s6;
	_ =	swait.eq @!p0 [sflag:s5], $0x1  }
0xb2: {  	s4 =	sor.u32 @!p0 s4, s6;
	[sflag:s5] =	ssyncadd.s32 @!p0 $0xFFFFFFFF  }
0xb3: {  	s25 =	simm.s32 $0x1B8E;
	s24 =	sld [smem:$0x3FFE];
	[sflag:s4] =	ssyncadd.remote.s32 @!p0 $0x1  }
0xb4: {  	s26 =	simm.s32 $execute0_lowered;
	[smem:$0x3FD2] =	sst s25  }
0xb5: {  	s5 =	sshll.u32 s26, $0x1;
	_ =	strace $0x8000004C;
	[dreg:$0x1] =	wrdreg $0xFFFFFFFF  }
0xb6: {  	s28 =	simm.s32 $_size_execute0_lowered;
	s3 =	sadd.s32 s3, s5;
	[dreg:$0x0] =	wrdreg $0x0  }
0xb7: {  	s5 =	sshll.u32 s28, $0x1;
	[dreg:$0x2] =	wrdreg s3  }
0xb8: {  	[dreg:$0x3] =	wrdreg s5  }
0xb9: {  	[dreg:$0x4] =	wrdreg $0xC0  }
0xba: {  	_ =	task [dreg:s22], $0x5FFFF  }
0xbb: {  	[dreg:$0x1] =	wrdreg $0xFFFFFFFF  }
0xbc: {  	[dreg:$0x0] =	wrdreg $0x60  }
0xbd: {  	[dreg:$0x2] =	wrdreg s24  }
0xbe: {  	[dreg:$0x3] =	wrdreg $0xB  }
0xbf: {  	_ =	task.clear_ibuf [dreg:s22], $0x4FFFF;
	_ =	strace $0x9000004C  }
0xc0: {  	s29 =	simm.s32 $0xB;
	_ =	strace $0x8000004E  }
0xc1: {  	_ =	swait.ge [sflag:s29], $0x1  }
0xc2: {  	[sflag:s29] =	ssyncadd.s32 $0xFFFFFFFF  }
0xc3: {  	_ =	strace $0x9000004E  }
0xc4: {  	_ =	sfence  }
0xc5: {  	s30 =	sld [smem:$0x0];
	_ =	sdelay $0x2  }
0xc6: {  	s31 =	sshll.u32 s1, $0xD;
	s1 =	sshrl.u32 s1, $0x2  }
0xc7: {  	s4 =	sand.u32 $0x4000, s31;
	s1 =	sadd.s32 s1, s30  }
0xc8: {  	s0 =	sor.u32 s4, s0;
	s1 =	sshll.u32 s1, $0x11  }
0xc9: {  	s0 =	sor.u32 s1, s0  }
0xca: {  	s0 =	sadd.s32 $0x8F2B, s0  }
0xcb: {  	[sflag:s0] =	ssyncadd.remote.s32 $0x1  }
0xcc: {  	_ =	sfence.sel $0xFFFF  }
0xcd: {  	[dreg:$0x0] =	wrdreg $0xFFFFFFFF;
	(pc) =	sbr.abs _section_cstart, $3  }
0xce: {  	[dreg:$0x1] =	wrdreg $0xFFFFFFFF  }
0xcf: {  	_ =	task.clear_ibuf [dreg:s22], $0x2FFFF;
	_ =	strace $0x9FFFFFFF  }
0xd0: {  	(tm) =	ssettm $0x7FFFFFFF  }
0xd1: {  	_ =	shalt  }
tec
execute0_lowered:
.L_overlay_start_1:
0x0: {  	(tag) =	ssettag $0x1  }
0x1: {  	v0 =	vimm.s32 $0xC03;
	vm0 =	vcmask $0x300  }
0x2: {  	s1 =	srdreg.scid;
	vm14 =	vcmask $0x704;
	v0 =	vsel vm0, $0x0, v0  }
0x3: {  	s0 =	stileid.u32;
	vm15 =	vcmask $0xB08;
	s6 =	rddreg [dreg:$0x0];
	v0 =	vsel vm14, $0x400, v0  }
0x4: {  	vm4 =	vcmask $0xF0C;
	s2 =	simm.s32 $0x0;
	s12 =	simm.s32 $0x3000;
	s13 =	simm.s32 $0x4900;
	v0 =	vsel vm15, $0x800, v0  }
0x5: {  	vm5 =	vcmask $0x1310;
	s14 =	simm.s32 $0x3080;
	s15 =	simm.s32 $0x5900;
	s16 =	simm.s32 $0x3100;
	v0 =	vsel vm4, $0xC00, v0  }
0x6: {  	vm6 =	vcmask $0x1714;
	s17 =	simm.s32 $0x6900;
	s18 =	simm.s32 $0x1;
	s7 =	smul.u32 $0xC800, s0;
	v0 =	vsel vm5, $0x1, v0  }
0x7: {  	vm7 =	vcmask $0x1B18;
	s19 =	simm.s32 $0x2;
	s5 =	sand.u32 $0x1, s1;
	s8 =	smul.u32 $0x64, s0;
	v0 =	vsel vm6, $0x401, v0  }
0x8: {  	vm8 =	vcmask $0x1F1C;
	s20 =	simm.s32 $0x0;
	s26 =	sshll.u32 s0, $0x1;
	s10 =	smul.u32 $0x32, s5;
	v0 =	vsel vm7, $0x801, v0  }
0x9: {  	vm9 =	vcmask $0x2320;
	[smem:$0x7FF] =	sst s2;
	s1 =	sor.u32 s5, s26;
	s30 =	smul.u32 $0x6400, s5;
	v0 =	vsel vm8, $0xC01, v0  }
0xa: {  	vm10 =	vcmask $0x2724;
	s4 =	sadd.s32 $0x1200, s6;
	s28 =	ssub.s32 $0x2, s5;
	s3 =	smul.u32 $0x32, s1;
	v0 =	vsel vm9, $0x2, v0  }
0xb: {  	vm11 =	vcmask $0x2B28;
	s1 =	rddreg [dreg:$0x1];
	_ =	strace $0x8000004D;
	s11 =	sadd.s32 s7, s6;
	v0 =	vsel vm10, $0x402, v0  }
0xc: {  	vm12 =	vcmask $0x2F2C;
	s29 =	sshrl.u32 s28, $0x1;
	s8 =	sadd.s32 s10, s8;
	s3 =	sshrl.u32 s3, $0x5;
	v0 =	vsel vm11, $0x802, v0  }
0xd: {  	vm13 =	vcmask $0x3330;
	s7 =	ssub.s32 s28, s29;
	s31 =	sadd.s32 s30, s11;
	s3 =	sadd.s32 $0x64, s3;
	v0 =	vsel vm12, $0xC02, v0  }
0xe: {  	vm14 =	vcmask $0x3734;
	s10 =	simm.s32 $0x3;
	s11 =	simm.s32 $0x80;
	s9 =	sshll.u32 s3, $0x9;
	v0 =	vsel vm13, $0x3, v0  }
0xf: {  	vm15 =	vcmask $0x3B38;
	s7 =	smax.u32 s7, $0x1;
	s9 =	sadd.s32 s9, s6;
	s6 =	sadd.s32 $0xC80, s8;
	v0 =	vsel vm14, $0x403, v0  }
0x10: {  	s5 =	sadd.s32 $0x62E00, s9;
	s8 =	sshll.u32 s6, $0x5;
	s9 =	sadd.s32 $0x20BE00, s31;
	v0 =	vsel vm15, $0x803, v0  }
.LBB2_1:
0x11: {  	s21 =	sadd.s32 $0x0, s6  }
0x12: {  	s21 =	sshrl.u32 s21, $0x5  }
0x13: {  	s21 =	ssub.s32 s21, s3  }
0x14: {  	s22 =	sand.u32 $0x3E0, s8;
	s21 =	sshll.u32 s21, $0xC  }
0x15: {  	s22 =	sor.u32 s22, s21  }
0x16: {  	v1 =	vor.u32 s22, v0  }
0x17: {  	[tilespmem:s2], [sflag:$0x3] =	stream.linear.gather [hbm4b:s5+s2], $0x3000, $0x38;
	[tilespmem:$0x9900] =	vst v63  }
0x18: {  	_ =	swait.ge [sflag:s10], $0x3000  }
0x19: {  	[sflag:s10] =	ssyncset.done $0x0  }
0x1a: {  	[sflag:s10] =	ssyncadd.s32 $0xFFFFD000  }
0x1b: {  	s21 =	sor.u32 $0x4, s22;
	v1 =	vld.idx.msk [tilespmem:v1+s2+$0x0], $0xffff  }
0x1c: {  	v2 =	vor.u32 s21, v0;
	_ =	sdelay $0x2  }
0x1d: {  	s21 =	simm.s32 $0x3040  }
0x1e: {  	[tilespmem:s21+$0xFFFFFFC0] =	vst v1  }
0x1f: {  	s23 =	sor.u32 $0x8, s22;
	v1 =	vld.idx.msk [tilespmem:v2+s2+$0x0], $0xffff  }
0x20: {  	v2 =	vor.u32 s23, v0;
	_ =	sdelay $0x3  }
0x21: {  	[tilespmem:s21+$0xFFFFFFD0] =	vst v1  }
0x22: {  	s28 =	sor.u32 $0xC, s22;
	v1 =	vld.idx.msk [tilespmem:v2+s2+$0x0], $0xffff  }
0x23: {  	v2 =	vor.u32 s28, v0;
	_ =	sdelay $0x3  }
0x24: {  	[tilespmem:s21+$0xFFFFFFE0] =	vst v1  }
0x25: {  	s29 =	sor.u32 $0x10, s22;
	v1 =	vld.idx.msk [tilespmem:v2+s2+$0x0], $0xffff  }
0x26: {  	v2 =	vor.u32 s29, v0;
	_ =	sdelay $0x3  }
0x27: {  	[tilespmem:s21+$0xFFFFFFF0] =	vst v1  }
0x28: {  	s30 =	sor.u32 $0x14, s22;
	v1 =	vld.idx.msk [tilespmem:v2+s2+$0x0], $0xffff  }
0x29: {  	v2 =	vor.u32 s30, v0;
	_ =	sdelay $0x3  }
0x2a: {  	[tilespmem:s21+$0x0] =	vst v1  }
0x2b: {  	s31 =	sor.u32 $0x18, s22;
	v1 =	vld.idx.msk [tilespmem:v2+s2+$0x0], $0xffff  }
0x2c: {  	v2 =	vor.u32 s31, v0;
	_ =	sdelay $0x3  }
0x2d: {  	[tilespmem:s21+$0x10] =	vst v1  }
0x2e: {  	s22 =	sor.u32 $0x1C, s22;
	v2 =	vld.idx.msk [tilespmem:v2+s2+$0x0], $0xffff  }
0x2f: {  	v1 =	vor.u32 s22, v0;
	_ =	sdelay $0x1  }
0x30: {  	s24 =	sadd.s32 $0x1, s6;
	s23 =	simm.s32 $0x2;
	s22 =	smov.u32 s8  }
.LBB2_2:
0x31: {  	p0 =	sne.s32 s23, $0x31;
	s24 =	sshrl.u32 s24, $0x5  }
0x32: {  	s22 =	sadd.s32 $0x20, s22;
	s24 =	ssub.s32 s24, s3;
	[tilespmem:s21+$0x20] =	vst v2  }
0x33: {  	s25 =	sand.u32 $0x3E0, s22;
	s24 =	sshll.u32 s24, $0xC;
	v1 =	vld.idx.msk [tilespmem:v1+s2+$0x0], $0xffff  }
0x34: {  	s24 =	sor.u32 s25, s24  }
0x35: {  	v2 =	vor.u32 s24, v0;
	_ =	sdelay $0x3  }
0x36: {  	[tilespmem:s21+$0x30] =	vst v1  }
0x37: {  	v1 =	vld.idx.msk [tilespmem:v2+s2+$0x0], $0xffff  }
0x38: {  	s25 =	sor.u32 $0x4, s24  }
0x39: {  	v2 =	vor.u32 s25, v0;
	_ =	sdelay $0x2  }
0x3a: {  	s21 =	sadd.s32 $0x80, s21  }
0x3b: {  	[tilespmem:s21+$0xFFFFFFC0] =	vst v1  }
0x3c: {  	v1 =	vld.idx.msk [tilespmem:v2+s2+$0x0], $0xffff  }
0x3d: {  	s25 =	sor.u32 $0x8, s24  }
0x3e: {  	v2 =	vor.u32 s25, v0;
	_ =	sdelay $0x3  }
0x3f: {  	[tilespmem:s21+$0xFFFFFFD0] =	vst v1  }
0x40: {  	v1 =	vld.idx.msk [tilespmem:v2+s2+$0x0], $0xffff  }
0x41: {  	s25 =	sor.u32 $0xC, s24  }
0x42: {  	v2 =	vor.u32 s25, v0;
	_ =	sdelay $0x3  }
0x43: {  	[tilespmem:s21+$0xFFFFFFE0] =	vst v1  }
0x44: {  	v1 =	vld.idx.msk [tilespmem:v2+s2+$0x0], $0xffff  }
0x45: {  	s25 =	sor.u32 $0x10, s24  }
0x46: {  	v2 =	vor.u32 s25, v0;
	_ =	sdelay $0x3  }
0x47: {  	[tilespmem:s21+$0xFFFFFFF0] =	vst v1  }
0x48: {  	v1 =	vld.idx.msk [tilespmem:v2+s2+$0x0], $0xffff  }
0x49: {  	s25 =	sor.u32 $0x14, s24  }
0x4a: {  	v2 =	vor.u32 s25, v0;
	_ =	sdelay $0x3  }
0x4b: {  	[tilespmem:s21+$0x0] =	vst v1  }
0x4c: {  	v1 =	vld.idx.msk [tilespmem:v2+s2+$0x0], $0xffff  }
0x4d: {  	s25 =	sor.u32 $0x18, s24  }
0x4e: {  	v2 =	vor.u32 s25, v0;
	_ =	sdelay $0x3  }
0x4f: {  	[tilespmem:s21+$0x10] =	vst v1  }
.Ltmp0:
0x50: {  	v2 =	vld.idx.msk [tilespmem:v2+s2+$0x0], $0xffff;
	(pc) =	sbr.rel @p0 .LBB2_2-.Ltmp0, $3  }
0x51: {  	s24 =	sor.u32 $0x1C, s24  }
0x52: {  	v1 =	vor.u32 s24, v0;
	_ =	sdelay $0x1  }
0x53: {  	s24 =	sadd.s32 s23, s6;
	s23 =	sadd.s32 $0x1, s23  }
0x54: {  	_ = 	snop  }
0x55: {  	s23 =	sshrl.u32 s24, $0x5  }
0x56: {  	s22 =	sadd.s32 $0x20, s22;
	s23 =	ssub.s32 s23, s3  }
0x57: {  	[tilespmem:s21+$0x20] =	vst v2;
	s22 =	sand.u32 $0x3E0, s22;
	s23 =	sshll.u32 s23, $0xC  }
0x58: {  	v1 =	vld.idx.msk [tilespmem:v1+s2+$0x0], $0xffff;
	s22 =	sor.u32 s22, s23  }
0x59: {  	v2 =	vor.u32 s22, v0;
	_ =	sdelay $0x3  }
0x5a: {  	[tilespmem:s21+$0x30] =	vst v1  }
0x5b: {  	s23 =	sor.u32 $0x4, s22;
	v1 =	vld.idx.msk [tilespmem:v2+s2+$0x0], $0xffff  }
0x5c: {  	v2 =	vor.u32 s23, v0;
	_ =	sdelay $0x2  }
0x5d: {  	s25 =	sadd.s32 $0x80, s21  }
0x5e: {  	[tilespmem:s25+$0xFFFFFFC0] =	vst v1  }
0x5f: {  	s26 =	sor.u32 $0x8, s22;
	v1 =	vld.idx.msk [tilespmem:v2+s2+$0x0], $0xffff  }
0x60: {  	v2 =	vor.u32 s26, v0;
	_ =	sdelay $0x3  }
0x61: {  	[tilespmem:s25+$0xFFFFFFD0] =	vst v1  }
0x62: {  	s28 =	sor.u32 $0xC, s22;
	v1 =	vld.idx.msk [tilespmem:v2+s2+$0x0], $0xffff  }
0x63: {  	v2 =	vor.u32 s28, v0;
	_ =	sdelay $0x3  }
0x64: {  	[tilespmem:s25+$0xFFFFFFE0] =	vst v1  }
0x65: {  	s29 =	sor.u32 $0x10, s22;
	v1 =	vld.idx.msk [tilespmem:v2+s2+$0x0], $0xffff  }
0x66: {  	v2 =	vor.u32 s29, v0;
	_ =	sdelay $0x3  }
0x67: {  	[tilespmem:s25+$0xFFFFFFF0] =	vst v1  }
0x68: {  	s30 =	sor.u32 $0x14, s22;
	v1 =	vld.idx.msk [tilespmem:v2+s2+$0x0], $0xffff  }
0x69: {  	v2 =	vor.u32 s30, v0;
	_ =	sdelay $0x3  }
0x6a: {  	[tilespmem:s25+$0x0] =	vst v1  }
0x6b: {  	s31 =	sor.u32 $0x18, s22;
	v1 =	vld.idx.msk [tilespmem:v2+s2+$0x0], $0xffff  }
0x6c: {  	v2 =	vor.u32 s31, v0;
	_ =	sdelay $0x3  }
0x6d: {  	[tilespmem:s25+$0x10] =	vst v1  }
0x6e: {  	s22 =	sor.u32 $0x1C, s22;
	v1 =	vld.idx.msk [tilespmem:v2+s2+$0x0], $0xffff  }
0x6f: {  	v2 =	vor.u32 s22, v0;
	_ =	sdelay $0x3  }
0x70: {  	[tilespmem:s25+$0x20] =	vst v1  }
0x71: {  	v1 =	vld.idx.msk [tilespmem:v2+s2+$0x0], $0xffff;
	_ =	sdelay $0x4  }
0x72: {  	[tilespmem:s25+$0x30] =	vst v1  }
0x73: {  	[tilespmem:s13], [sflag:$0x1] =	stream.indirect.gather [hbm4b:s4+s11], $0x20, s12, s11, $0xb8;
	[tilespmem:$0x9900] =	vst v63  }
0x74: {  	_ = 	snop  }
0x75: {  	[tilespmem:s15], [sflag:$0x1] =	stream.indirect.gather [hbm4b:s4+s11], $0x20, s14, s11, $0xb8;
	[tilespmem:$0x9900] =	vst v63  }
0x76: {  	s21 =	simm.s32 $0x0;
	s23 =	smov.u32 s9;
	s22 =	simm.s32 $0x3180  }
0x77: {  	[tilespmem:s17], [sflag:$0x1] =	stream.indirect.gather [hbm4b:s4+s11], $0x20, s16, s11, $0xb8;
	[tilespmem:$0x9900] =	vst v63  }
.LBB2_4:
0x78: {  	s24 =	smul.u32 $0xCD, s21;
	_ =	sdelay $0x1  }
0x79: {  	s24 =	sshrl.u32 s24, $0xA  }
0x7a: {  	s24 =	sand.u32 $0x3F, s24  }
0x7b: {  	s24 =	smul.u32 $0x5, s24;
	_ =	sdelay $0x1  }
0x7c: {  	s24 =	ssub.s32 s21, s24  }
0x7d: {  	_ =	swait.ge [sflag:s18], $0x1000;
	s24 =	sand.u32 $0xFF, s24  }
0x7e: {  	[sflag:s18] =	ssyncset.done $0x0;
	s24 =	sshll.u32 s24, $0xC  }
0x7f: {  	p0 =	slt.u32 s21, $0x2;
	[sflag:s18] =	ssyncadd.s32 $0xFFFFF000;
	s24 =	sadd.s32 $0x4900, s24  }
0x80: {  	[hbm4b:s23+s2] =	stream.linear.scatter [tilespmem:s24], [sflag:$0x2], $0x1000, $0x38;
	[tilespmem:$0x9900] =	vst v63  }
0x81: {  	s24 =	simm.s32 @!p0 $0x2  }
0x82: {  	p1 =	sgt.u32 @!p0 s21, $0x2E;
	_ =	swait.ge @!p0 [sflag:s24], $0x1000  }
0x83: {  	p1 =	por p0, !p1;
	[sflag:s24] =	ssyncset.done @!p0 $0x0  }
0x84: {  	[sflag:s24] =	ssyncadd.s32 @!p0 $0xFFFFF000;
	s24 =	sadd.s32 @p1 $0x3, s21  }
0x85: {  	s25 =	smul.u32 @p1 $0xCD, s24;
	_ =	sdelay $0x1  }
0x86: {  	s25 =	sshrl.u32 @p1 s25, $0xA  }
0x87: {  	s25 =	sand.u32 @p1 $0x3F, s25  }
0x88: {  	s25 =	smul.u32 @p1 $0x5, s25  }
0x89: {  	s21 =	sadd.s32 $0x1, s21  }
0x8a: {  	p0 =	sne.s32 s21, $0x32;
	s24 =	ssub.s32 @p1 s24, s25  }
.Ltmp1:
0x8b: {  	s24 =	sand.u32 @p1 $0xFF, s24;
	(pc) =	sbr.rel @p0 .LBB2_4-.Ltmp1, $4  }
0x8c: {  	s24 =	sshll.u32 @p1 s24, $0xC  }
0x8d: {  	s24 =	sadd.s32 @p1 $0x4900, s24  }
0x8e: {  	[tilespmem:s24], [sflag:$0x1] =	stream.indirect.gather @p1 [hbm4b:s4+s11], $0x20, s22, s11, $0xb8;
	[tilespmem:$0x9900] =	vst v63  }
0x8f: {  	s23 =	sadd.s32 $0x200, s23;
	s22 =	sadd.s32 $0x80, s22  }
0x90: {  	s20 =	sadd.s32 $0x1, s20  }
0x91: {  	_ =	swait.ge [sflag:s19], $0x1000;
	p0 =	sne.s32 s20, s7  }
.Ltmp2:
0x92: {  	[sflag:s19] =	ssyncset.done $0x0;
	(pc) =	sbr.rel @p0 .LBB2_1-.Ltmp2, $4  }
0x93: {  	[sflag:s19] =	ssyncadd.s32 $0xFFFFF000  }
0x94: {  	_ =	swait.ge [sflag:s19], $0x1000  }
0x95: {  	[sflag:s19] =	ssyncset.done $0x0  }
0x96: {  	[sflag:s19] =	ssyncadd.s32 $0xFFFFF000  }
0x97: {  	_ =	sfence.sel $0x180000  }
0x98: {  	[bflag:$0x0] =	sbarrier.arrive $0xFFFF  }
0x99: {  	p0 =	sne.s32 s0, $0x0;
	_ =	strace $0x9000004D  }
0x9a: {  	s0 =	sadd.s32 @!p0 $0x100000, s1;
	[bflag:$0x2] =	sbarrier.arrive $0xFFFF  }
0x9b: {  	[sflag:s0] =	ssyncadd.tile.s32 @!p0 $0x1;
	_ =	shalt  }
.Lfunc_end2:
_tile_overlayer_lowered:
.L_overlay_start_2:
0x9c: {  	(tag) =	ssettag $0x2  }
0x9d: {  	s0 =	rddreg [dreg:$0x0];
	s2 =	stileid.u32  }
0x9e: {  	s1 =	rddreg [dreg:$0x1];
	p0 =	sne.s32 s2, $0x0  }
0x9f: {  	s3 =	rddreg [dreg:$0x2];
	[bflag:$0x3] =	sbarrier.arrive $0xFFFF;
	s2 =	simm.s32 @!p0 $0x1C03  }
0xa0: {  	[timem:s3], [sflag:s2] =	dma.local @!p0 [hbm:s0], s1  }
0xa1: {  	s0 =	simm.s32 @!p0 $0x3  }
0xa2: {  	_ =	swait.ge @!p0 [sflag:s0], s1  }
0xa3: {  	s1 =	ssub.s32 @!p0 $0x0, s1;
	[sflag:s0] =	ssyncset.done @!p0 $0x0  }
0xa4: {  	[sflag:s0] =	ssyncadd.s32 @!p0 s1  }
0xa5: {  	[bflag:$0x3] =	sbarrier.arrive $0xFFFF  }
0xa6: {  	_ =	shalt  }

// kernel: kernel.19.cloned.1.call-start
scs
__scs_entry_jumppad:
0x0: {  	(pc) =	sbr.rel $0x88, $3  }
0x1: {  	(tag) =	ssettag $0x0;
	lr =	simm.s32 $0x1  }
0x2: {  	[smem:$0x3F9F] =	sst lr;
	_ =	strace $0xD0000000  }
0x3: {  	_ = 	snop  }
0x4: {  	_ = 	snop  }
0x5: {  	_ = 	snop  }
0x6: {  	_ = 	snop  }
0x7: {  	_ = 	snop  }
__scs_overlays_trampoline_lowered:
0x8: {  	[smem:$0x3FAE] =	sst s0  }
0x9: {  	[smem:$0x3FAF] =	sst s1  }
0xa: {  	[smem:$0x3FB0] =	sst s2  }
0xb: {  	[smem:$0x3FB1] =	sst s3  }
0xc: {  	[smem:$0x3FB2] =	sst s4  }
0xd: {  	[smem:$0x3FB3] =	sst s5  }
0xe: {  	[smem:$0x3FB4] =	sst s6  }
0xf: {  	[smem:$0x3FB5] =	sst s7  }
0x10: {  	[smem:$0x3FB6] =	sst s8  }
0x11: {  	[smem:$0x3FB7] =	sst s9;
	s0 =	simm.s32 @!p0 $0x0  }
0x12: {  	s1 =	sld [smem:$0x3F9D];
	s0 =	simm.s32 @p0 $0x1  }
0x13: {  	[smem:$0x3FB8] =	sst s0;
	s0 =	simm.s32 @!p1 $0x0  }
0x14: {  	s2 =	sld [smem:$0x3F9C];
	s0 =	simm.s32 @p1 $0x1  }
0x15: {  	[smem:$0x3FB9] =	sst s0;
	s0 =	simm.s32 @!p2 $0x0  }
0x16: {  	s3 =	sld [smem:$0x3FDB];
	s0 =	simm.s32 @p2 $0x1  }
0x17: {  	s4 =	simm.s32 $0x1BF5;
	[smem:$0x3FBB] =	sst s0  }
0x18: {  	s0 =	sld [smem:$0x3F9E];
	_ =	swait.ge [sflag:s4], $0x0  }
0x19: {  	s7 =	sld [smem:$0x3F9F]  }
0x1a: {  	s8 =	sadd.s32 $0xFFFFE003, lr  }
0x1b: {  	s9 =	sadd.s32 $0xFFFFFEF7, lr;
	s5 =	simm.s32 $0xFFFFFFFF;
	p2 =	slt.u32 s8, $0xFFFFF086  }
0x1c: {  	p1 =	slt.u32 s9, $0xF7A;
	s5 =	simm.s32 @!p2 $0x0  }
0x1d: {  	s5 =	simm.s32 @p1 $0x1;
	p0 =	seq.s32 s7, s2  }
0x1e: {  	s7 =	smul.u32 @!p0 $0xF7A, s2;
	p2 =	seq.s32 @!p0 s5, $0x0  }
0x1f: {  	s9 =	smul.u32 $0xF7A, s1;
	s8 =	simm.s32 @!p0 $0x1BF5;
	p2 =	por !p2, p0  }
0x20: {  	[sflag:s8] =	ssyncset.s32 @!p0 $0xFFFFF086;
	s6 =	sadd.s32 @!p0 s3, s7;
	s7 =	simm.s32 @!p0 $0x108  }
0x21: {  	s3 =	sadd.s32 s3, s9;
	s6 =	sadd.s32 @!p0 $0x88, s6;
	s7 =	simm.s32 @p2 $0x1082  }
0x22: {  	[simem:s7], [sflag:s8] =	dma.local @!p0 [hbm:s6], $0xF7A  }
0x23: {  	s9 =	sor.u32 $0xD0000000, s2;
	s6 =	simm.s32 $0x108;
	_ =	swait.ge @!p0 [sflag:s8], $0x0  }
0x24: {  	s3 =	sadd.s32 $0x88, s3;
	s6 =	simm.s32 @!p1 $0x1082;
	[sflag:s4] =	ssyncset.s32 $0xFFFFF086  }
0x25: {  	[simem:s6], [sflag:s4] =	dma.local [hbm:s3], $0xF7A  }
0x26: {  	[smem:$0x3F9F] =	sst s1;
	(tag) =	ssettag s2;
	_ =	strace s9  }
0x27: {  	s1 =	sld [smem:$0x3FAF]  }
0x28: {  	s2 =	sld [smem:$0x3FB0]  }
0x29: {  	s4 =	sld [smem:$0x3FB2]  }
0x2a: {  	p0 =	seq.s32 s5, $0x0;
	s5 =	sld [smem:$0x3FB3]  }
0x2b: {  	s6 =	sld [smem:$0x3FB4]  }
0x2c: {  	s7 =	sld [smem:$0x3FB5]  }
0x2d: {  	s3 =	simm.s32 $0x108;
	s8 =	sld [smem:$0x3FB6]  }
0x2e: {  	s3 =	simm.s32 @!p0 $0x1082;
	s9 =	sld [smem:$0x3FB7]  }
0x2f: {  	lr =	sadd.s32 s0, s3;
	s0 =	sld [smem:$0x3FAE]  }
0x30: {  	s3 =	sld [smem:$0x3FB1]  }
0x31: {  	[smem:$0x3FBA] =	sst s10  }
0x32: {  	s10 =	sld [smem:$0x3FB8];
	_ =	sdelay $0x3  }
0x33: {  	p0 =	seq.s32 s10, $0x1;
	s10 =	sld [smem:$0x3FBA];
	_ =	sdelay $0x3  }
0x34: {  	[smem:$0x3FBA] =	sst s10  }
0x35: {  	s10 =	sld [smem:$0x3FB9];
	_ =	sdelay $0x3  }
0x36: {  	p1 =	seq.s32 s10, $0x1;
	s10 =	sld [smem:$0x3FBA];
	_ =	sdelay $0x3  }
0x37: {  	[smem:$0x3FBA] =	sst s10  }
0x38: {  	s10 =	sld [smem:$0x3FBB]  }
0x39: {  	_ = 	snop;
	(pc) =	sbr.ind lr, $3  }
0x3a: {  	_ = 	snop  }
0x3b: {  	_ = 	snop  }
0x3c: {  	p2 =	seq.s32 s10, $0x1;
	s10 =	sld [smem:$0x3FBA]  }
0x3d: {  	_ =	shalt  }
0x3e: {  	_ =	shalt  }
0x3f: {  	_ =	shalt  }
0x40: {  	_ =	shalt  }
0x41: {  	_ =	shalt  }
0x42: {  	_ =	shalt  }
0x43: {  	_ =	shalt  }
0x44: {  	_ =	shalt  }
0x45: {  	_ =	shalt  }
0x46: {  	_ =	shalt  }
0x47: {  	_ =	shalt  }
0x48: {  	_ =	shalt  }
0x49: {  	_ =	shalt  }
0x4a: {  	_ =	shalt  }
0x4b: {  	_ =	shalt  }
0x4c: {  	_ =	shalt  }
0x4d: {  	_ =	shalt  }
0x4e: {  	_ =	shalt  }
0x4f: {  	_ =	shalt  }
0x50: {  	_ =	shalt  }
0x51: {  	_ =	shalt  }
0x52: {  	_ =	shalt  }
0x53: {  	_ =	shalt  }
0x54: {  	_ =	shalt  }
0x55: {  	_ =	shalt  }
0x56: {  	_ =	shalt  }
0x57: {  	_ =	shalt  }
0x58: {  	_ =	shalt  }
0x59: {  	_ =	shalt  }
0x5a: {  	_ =	shalt  }
0x5b: {  	_ =	shalt  }
0x5c: {  	_ =	shalt  }
0x5d: {  	_ =	shalt  }
0x5e: {  	_ =	shalt  }
0x5f: {  	_ =	shalt  }
0x60: {  	_ =	shalt  }
0x61: {  	_ =	shalt  }
0x62: {  	_ =	shalt  }
0x63: {  	_ =	shalt  }
0x64: {  	_ =	shalt  }
0x65: {  	_ =	shalt  }
0x66: {  	_ =	shalt  }
0x67: {  	_ =	shalt  }
0x68: {  	_ =	shalt  }
0x69: {  	_ =	shalt  }
0x6a: {  	_ =	shalt  }
0x6b: {  	_ =	shalt  }
0x6c: {  	_ =	shalt  }
0x6d: {  	_ =	shalt  }
0x6e: {  	_ =	shalt  }
0x6f: {  	_ =	shalt  }
0x70: {  	_ =	shalt  }
0x71: {  	_ =	shalt  }
0x72: {  	_ =	shalt  }
0x73: {  	_ =	shalt  }
0x74: {  	_ =	shalt  }
0x75: {  	_ =	shalt  }
0x76: {  	_ =	shalt  }
0x77: {  	_ =	shalt  }
0x78: {  	_ =	shalt  }
0x79: {  	_ =	shalt  }
0x7a: {  	_ =	shalt  }
0x7b: {  	_ =	shalt  }
0x7c: {  	_ =	shalt  }
0x7d: {  	_ =	shalt  }
0x7e: {  	_ =	shalt  }
0x7f: {  	_ =	shalt  }
0x80: {  	_ =	shalt  }
0x81: {  	_ =	shalt  }
0x82: {  	_ =	shalt  }
0x83: {  	_ =	shalt  }
0x84: {  	_ =	shalt  }
0x85: {  	_ =	shalt  }
0x86: {  	_ =	shalt  }
0x87: {  	_ =	shalt  }
.Lfunc_end0:
.L_simem_size_0:
called_computation.3_lowered:
.L_overlay_start_0:
0x88: {  	s2 =	sld [smem:$0x3FD9]  }
0x89: {  	s3 =	sld [smem:$0x3FFE];
	_ =	sdelay $0x1  }
0x8a: {  	s1 =	srdreg.scid  }
0x8b: {  	s0 =	sand.u32 $0x1, s1  }
0x8c: {  	s17 =	sshll.u32 s0, $0xA;
	s2 =	sadd.s32 s3, s2  }
0x8d: {  	s2 =	sadd.s32 s2, s17  }
0x8e: {  	[smem:$0x3FC6] =	sst s2  }
0x8f: {  	_ = 	snop  }
0x90: {  	(tm) =	ssettm $0x1  }
0x91: {  	s18 =	sld [smem:$0x3FFB];
	_ =	sdelay $0x3  }
0x92: {  	_ =	strace s18  }
0x93: {  	s2 =	sld [smem:$0x3FFC];
	_ =	sdelay $0x3  }
0x94: {  	_ =	strace s2  }
0x95: {  	s2 =	sld [smem:$0x3FFD];
	_ =	sdelay $0x3  }
0x96: {  	_ =	strace s2  }
0x97: {  	_ =	strace $0x8FFFFFFF  }
0x98: {  	s19 =	sld [smem:$0x3FDB];
	_ =	sdelay $0x1  }
0x99: {  	s20 =	simm.s32 $_scs_section_size  }
0x9a: {  	s4 =	simm.s32 $_size__tile_overlayer_lowered;
	s5 =	simm.s32 $_tile_overlayer_lowered  }
0x9b: {  	s6 =	simm.s32 $0x1BFF;
	s21 =	sshll.u32 s5, $0x1;
	s3 =	sadd.s32 s20, s19  }
0x9c: {  	s22 =	simm.s32 $0x0;
	s4 =	sshll.u32 s4, $0x1;
	s5 =	sadd.s32 s21, s3  }
0x9d: {  	[timem:s22], [sflag:s6] =	dma.local [hbm:s5], s4  }
0x9e: {  	_ =	swait.ge [sflag:s6], s4  }
0x9f: {  	s4 =	ssub.s32 $0x0, s4;
	[sflag:s6] =	ssyncset.done $0x0  }
0xa0: {  	[sflag:s6] =	ssyncadd.s32 s4;
	_ =	sdelay $0x1  }
0xa1: {  	s23 =	simm.s32 $0x1B8B  }
0xa2: {  	_ =	swait.ge [sflag:s23], $0x1  }
0xa3: {  	[sflag:s23] =	ssyncset.done $0x0  }
0xa4: {  	[sflag:s23] =	ssyncadd.s32 $0xFFFFFFFF  }
0xa5: {  	s4 =	sld [smem:$0x0]  }
0xa6: {  	s5 =	sand.u32 $0xFFFFFFFE, s1  }
0xa7: {  	p0 =	sne.s32 s1, s5  }
0xa8: {  	s5 =	sshll.u32 @p0 s5, $0xE  }
0xa9: {  	s5 =	sadd.s32 @p0 $0x11B8D, s5;
	s6 =	sshll.u32 @p0 s4, $0x11  }
0xaa: {  	s5 =	sor.u32 @p0 s6, s5  }
0xab: {  	[sflag:s5] =	ssyncadd.remote.s32 @p0 $0x1;
	_ =	sdelay $0x1  }
0xac: {  	s5 =	simm.s32 @p0 $0x1B8D  }
0xad: {  	_ =	swait.eq @p0 [sflag:s5], $0x1  }
0xae: {  	[sflag:s5] =	ssyncadd.s32 @p0 $0xFFFFFFFF  }
0xaf: {  	s6 =	sshll.u32 @!p0 s1, $0xE  }
0xb0: {  	s6 =	sor.u32 @!p0 $0x4000, s6;
	s5 =	simm.s32 @!p0 $0x1B8D  }
0xb1: {  	s4 =	sshll.u32 @!p0 s4, $0x11;
	s6 =	sadd.s32 @!p0 $0x11B8D, s6;
	_ =	swait.eq @!p0 [sflag:s5], $0x1  }
0xb2: {  	s4 =	sor.u32 @!p0 s4, s6;
	[sflag:s5] =	ssyncadd.s32 @!p0 $0xFFFFFFFF  }
0xb3: {  	s25 =	simm.s32 $0x1B8E;
	s24 =	sld [smem:$0x3FFE];
	[sflag:s4] =	ssyncadd.remote.s32 @!p0 $0x1  }
0xb4: {  	s26 =	simm.s32 $execute0_lowered;
	[smem:$0x3FD2] =	sst s25  }
0xb5: {  	s5 =	sshll.u32 s26, $0x1;
	_ =	strace $0x8000004F;
	[dreg:$0x1] =	wrdreg $0xFFFFFFFF  }
0xb6: {  	s28 =	simm.s32 $_size_execute0_lowered;
	s3 =	sadd.s32 s3, s5;
	[dreg:$0x0] =	wrdreg $0x0  }
0xb7: {  	s5 =	sshll.u32 s28, $0x1;
	[dreg:$0x2] =	wrdreg s3  }
0xb8: {  	[dreg:$0x3] =	wrdreg s5  }
0xb9: {  	[dreg:$0x4] =	wrdreg $0xC0  }
0xba: {  	_ =	task [dreg:s22], $0x5FFFF  }
0xbb: {  	[dreg:$0x1] =	wrdreg $0xFFFFFFFF  }
0xbc: {  	[dreg:$0x0] =	wrdreg $0x60  }
0xbd: {  	[dreg:$0x2] =	wrdreg s24  }
0xbe: {  	[dreg:$0x3] =	wrdreg $0xC  }
0xbf: {  	_ =	task.clear_ibuf [dreg:s22], $0x4FFFF;
	_ =	strace $0x9000004F  }
0xc0: {  	s29 =	simm.s32 $0xC;
	_ =	strace $0x80000051  }
0xc1: {  	_ =	swait.ge [sflag:s29], $0x1  }
0xc2: {  	[sflag:s29] =	ssyncadd.s32 $0xFFFFFFFF  }
0xc3: {  	_ =	strace $0x90000051  }
0xc4: {  	_ =	sfence  }
0xc5: {  	s30 =	sld [smem:$0x0];
	_ =	sdelay $0x2  }
0xc6: {  	s31 =	sshll.u32 s1, $0xD;
	s1 =	sshrl.u32 s1, $0x2  }
0xc7: {  	s4 =	sand.u32 $0x4000, s31;
	s1 =	sadd.s32 s1, s30  }
0xc8: {  	s0 =	sor.u32 s4, s0;
	s1 =	sshll.u32 s1, $0x11  }
0xc9: {  	s0 =	sor.u32 s1, s0  }
0xca: {  	s0 =	sadd.s32 $0x8F2B, s0  }
0xcb: {  	[sflag:s0] =	ssyncadd.remote.s32 $0x1  }
0xcc: {  	_ =	sfence.sel $0xFFFF  }
0xcd: {  	[dreg:$0x0] =	wrdreg $0xFFFFFFFF;
	(pc) =	sbr.abs _section_cstart, $3  }
0xce: {  	[dreg:$0x1] =	wrdreg $0xFFFFFFFF  }
0xcf: {  	_ =	task.clear_ibuf [dreg:s22], $0x2FFFF;
	_ =	strace $0x9FFFFFFF  }
0xd0: {  	(tm) =	ssettm $0x7FFFFFFF  }
0xd1: {  	_ =	shalt  }
tec
execute0_lowered:
.L_overlay_start_1:
0x0: {  	(tag) =	ssettag $0x1  }
0x1: {  	v0 =	vimm.s32 $0xC03;
	vm0 =	vcmask $0x300  }
0x2: {  	s1 =	srdreg.scid;
	vm14 =	vcmask $0x704;
	v0 =	vsel vm0, $0x0, v0  }
0x3: {  	s0 =	stileid.u32;
	vm15 =	vcmask $0xB08;
	s6 =	rddreg [dreg:$0x0];
	s2 =	simm.s32 $0x0;
	v0 =	vsel vm14, $0x400, v0  }
0x4: {  	vm4 =	vcmask $0xF0C;
	s12 =	simm.s32 $0x3000;
	s13 =	simm.s32 $0x4900;
	s14 =	simm.s32 $0x3080;
	v0 =	vsel vm15, $0x800, v0  }
0x5: {  	vm5 =	vcmask $0x1310;
	s15 =	simm.s32 $0x5900;
	s16 =	simm.s32 $0x3100;
	s17 =	simm.s32 $0x6900;
	v0 =	vsel vm4, $0xC00, v0  }
0x6: {  	vm6 =	vcmask $0x1714;
	s18 =	simm.s32 $0x1;
	s19 =	simm.s32 $0x2;
	s7 =	smul.u32 $0xC800, s0;
	v0 =	vsel vm5, $0x1, v0  }
0x7: {  	vm7 =	vcmask $0x1B18;
	s5 =	sand.u32 $0x1, s1;
	s26 =	sshll.u32 s0, $0x1;
	s8 =	smul.u32 $0x64, s0;
	v0 =	vsel vm6, $0x401, v0  }
0x8: {  	vm8 =	vcmask $0x1F1C;
	s20 =	simm.s32 $0x0;
	s1 =	sor.u32 s5, s26;
	s10 =	smul.u32 $0x32, s5;
	v0 =	vsel vm7, $0x801, v0  }
0x9: {  	vm9 =	vcmask $0x2320;
	[smem:$0x7FF] =	sst s2;
	s4 =	sadd.s32 $0x1200, s6;
	s3 =	smul.u32 $0x32, s1;
	v0 =	vsel vm8, $0xC01, v0  }
0xa: {  	vm10 =	vcmask $0x2724;
	s28 =	ssub.s32 $0x2, s5;
	s30 =	smul.u32 $0x6400, s5;
	s1 =	rddreg [dreg:$0x1];
	v0 =	vsel vm9, $0x2, v0  }
0xb: {  	vm11 =	vcmask $0x2B28;
	_ =	strace $0x80000050;
	s11 =	sadd.s32 s7, s6;
	s3 =	sshrl.u32 s3, $0x5;
	v0 =	vsel vm10, $0x402, v0  }
0xc: {  	vm12 =	vcmask $0x2F2C;
	s29 =	sshrl.u32 s28, $0x1;
	s8 =	sadd.s32 s10, s8;
	s3 =	sadd.s32 $0x96, s3;
	v0 =	vsel vm11, $0x802, v0  }
0xd: {  	vm13 =	vcmask $0x3330;
	s7 =	ssub.s32 s28, s29;
	s31 =	sadd.s32 s30, s11;
	s3 =	smin.u32 s3, $0xC5;
	v0 =	vsel vm12, $0xC02, v0  }
0xe: {  	vm14 =	vcmask $0x3734;
	s10 =	simm.s32 $0x3;
	s11 =	simm.s32 $0x80;
	s9 =	sshll.u32 s3, $0x9;
	v0 =	vsel vm13, $0x3, v0  }
0xf: {  	vm15 =	vcmask $0x3B38;
	s7 =	smax.u32 s7, $0x1;
	s9 =	sadd.s32 s9, s6;
	s6 =	sadd.s32 $0x12C0, s8;
	v0 =	vsel vm14, $0x403, v0  }
0x10: {  	s5 =	sadd.s32 $0x62E00, s9;
	s8 =	sshll.u32 s6, $0x5;
	s9 =	sadd.s32 $0x2D3E00, s31;
	v0 =	vsel vm15, $0x803, v0  }
.LBB2_1:
0x11: {  	s21 =	sadd.s32 $0x0, s6  }
0x12: {  	s21 =	sshrl.u32 s21, $0x5  }
0x13: {  	s21 =	ssub.s32 s21, s3  }
0x14: {  	s22 =	sand.u32 $0x3E0, s8;
	s21 =	sshll.u32 s21, $0xC  }
0x15: {  	s22 =	sor.u32 s22, s21  }
0x16: {  	v1 =	vor.u32 s22, v0  }
0x17: {  	[tilespmem:s2], [sflag:$0x3] =	stream.linear.gather [hbm4b:s5+s2], $0x3000, $0x38;
	[tilespmem:$0x9900] =	vst v63  }
0x18: {  	_ =	swait.ge [sflag:s10], $0x3000  }
0x19: {  	[sflag:s10] =	ssyncset.done $0x0  }
0x1a: {  	[sflag:s10] =	ssyncadd.s32 $0xFFFFD000  }
0x1b: {  	s21 =	sor.u32 $0x4, s22;
	v1 =	vld.idx.msk [tilespmem:v1+s2+$0x0], $0xffff  }
0x1c: {  	v2 =	vor.u32 s21, v0;
	_ =	sdelay $0x2  }
0x1d: {  	s21 =	simm.s32 $0x3040  }
0x1e: {  	[tilespmem:s21+$0xFFFFFFC0] =	vst v1  }
0x1f: {  	s23 =	sor.u32 $0x8, s22;
	v1 =	vld.idx.msk [tilespmem:v2+s2+$0x0], $0xffff  }
0x20: {  	v2 =	vor.u32 s23, v0;
	_ =	sdelay $0x3  }
0x21: {  	[tilespmem:s21+$0xFFFFFFD0] =	vst v1  }
0x22: {  	s28 =	sor.u32 $0xC, s22;
	v1 =	vld.idx.msk [tilespmem:v2+s2+$0x0], $0xffff  }
0x23: {  	v2 =	vor.u32 s28, v0;
	_ =	sdelay $0x3  }
0x24: {  	[tilespmem:s21+$0xFFFFFFE0] =	vst v1  }
0x25: {  	s29 =	sor.u32 $0x10, s22;
	v1 =	vld.idx.msk [tilespmem:v2+s2+$0x0], $0xffff  }
0x26: {  	v2 =	vor.u32 s29, v0;
	_ =	sdelay $0x3  }
0x27: {  	[tilespmem:s21+$0xFFFFFFF0] =	vst v1  }
0x28: {  	s30 =	sor.u32 $0x14, s22;
	v1 =	vld.idx.msk [tilespmem:v2+s2+$0x0], $0xffff  }
0x29: {  	v2 =	vor.u32 s30, v0;
	_ =	sdelay $0x3  }
0x2a: {  	[tilespmem:s21+$0x0] =	vst v1  }
0x2b: {  	s31 =	sor.u32 $0x18, s22;
	v1 =	vld.idx.msk [tilespmem:v2+s2+$0x0], $0xffff  }
0x2c: {  	v2 =	vor.u32 s31, v0;
	_ =	sdelay $0x3  }
0x2d: {  	[tilespmem:s21+$0x10] =	vst v1  }
0x2e: {  	s22 =	sor.u32 $0x1C, s22;
	v2 =	vld.idx.msk [tilespmem:v2+s2+$0x0], $0xffff  }
0x2f: {  	v1 =	vor.u32 s22, v0;
	_ =	sdelay $0x1  }
0x30: {  	s24 =	sadd.s32 $0x1, s6;
	s23 =	simm.s32 $0x2;
	s22 =	smov.u32 s8  }
.LBB2_2:
0x31: {  	p0 =	sne.s32 s23, $0x31;
	s24 =	sshrl.u32 s24, $0x5  }
0x32: {  	s22 =	sadd.s32 $0x20, s22;
	s24 =	ssub.s32 s24, s3;
	[tilespmem:s21+$0x20] =	vst v2  }
0x33: {  	s25 =	sand.u32 $0x3E0, s22;
	s24 =	sshll.u32 s24, $0xC;
	v1 =	vld.idx.msk [tilespmem:v1+s2+$0x0], $0xffff  }
0x34: {  	s24 =	sor.u32 s25, s24  }
0x35: {  	v2 =	vor.u32 s24, v0;
	_ =	sdelay $0x3  }
0x36: {  	[tilespmem:s21+$0x30] =	vst v1  }
0x37: {  	v1 =	vld.idx.msk [tilespmem:v2+s2+$0x0], $0xffff  }
0x38: {  	s25 =	sor.u32 $0x4, s24  }
0x39: {  	v2 =	vor.u32 s25, v0;
	_ =	sdelay $0x2  }
0x3a: {  	s21 =	sadd.s32 $0x80, s21  }
0x3b: {  	[tilespmem:s21+$0xFFFFFFC0] =	vst v1  }
0x3c: {  	v1 =	vld.idx.msk [tilespmem:v2+s2+$0x0], $0xffff  }
0x3d: {  	s25 =	sor.u32 $0x8, s24  }
0x3e: {  	v2 =	vor.u32 s25, v0;
	_ =	sdelay $0x3  }
0x3f: {  	[tilespmem:s21+$0xFFFFFFD0] =	vst v1  }
0x40: {  	v1 =	vld.idx.msk [tilespmem:v2+s2+$0x0], $0xffff  }
0x41: {  	s25 =	sor.u32 $0xC, s24  }
0x42: {  	v2 =	vor.u32 s25, v0;
	_ =	sdelay $0x3  }
0x43: {  	[tilespmem:s21+$0xFFFFFFE0] =	vst v1  }
0x44: {  	v1 =	vld.idx.msk [tilespmem:v2+s2+$0x0], $0xffff  }
0x45: {  	s25 =	sor.u32 $0x10, s24  }
0x46: {  	v2 =	vor.u32 s25, v0;
	_ =	sdelay $0x3  }
0x47: {  	[tilespmem:s21+$0xFFFFFFF0] =	vst v1  }
0x48: {  	v1 =	vld.idx.msk [tilespmem:v2+s2+$0x0], $0xffff  }
0x49: {  	s25 =	sor.u32 $0x14, s24  }
0x4a: {  	v2 =	vor.u32 s25, v0;
	_ =	sdelay $0x3  }
0x4b: {  	[tilespmem:s21+$0x0] =	vst v1  }
0x4c: {  	v1 =	vld.idx.msk [tilespmem:v2+s2+$0x0], $0xffff  }
0x4d: {  	s25 =	sor.u32 $0x18, s24  }
0x4e: {  	v2 =	vor.u32 s25, v0;
	_ =	sdelay $0x3  }
0x4f: {  	[tilespmem:s21+$0x10] =	vst v1  }
.Ltmp0:
0x50: {  	v2 =	vld.idx.msk [tilespmem:v2+s2+$0x0], $0xffff;
	(pc) =	sbr.rel @p0 .LBB2_2-.Ltmp0, $3  }
0x51: {  	s24 =	sor.u32 $0x1C, s24  }
0x52: {  	v1 =	vor.u32 s24, v0;
	_ =	sdelay $0x1  }
0x53: {  	s24 =	sadd.s32 s23, s6;
	s23 =	sadd.s32 $0x1, s23  }
0x54: {  	_ = 	snop  }
0x55: {  	s23 =	sshrl.u32 s24, $0x5  }
0x56: {  	s22 =	sadd.s32 $0x20, s22;
	s23 =	ssub.s32 s23, s3  }
0x57: {  	[tilespmem:s21+$0x20] =	vst v2;
	s22 =	sand.u32 $0x3E0, s22;
	s23 =	sshll.u32 s23, $0xC  }
0x58: {  	v1 =	vld.idx.msk [tilespmem:v1+s2+$0x0], $0xffff;
	s22 =	sor.u32 s22, s23  }
0x59: {  	v2 =	vor.u32 s22, v0;
	_ =	sdelay $0x3  }
0x5a: {  	[tilespmem:s21+$0x30] =	vst v1  }
0x5b: {  	s23 =	sor.u32 $0x4, s22;
	v1 =	vld.idx.msk [tilespmem:v2+s2+$0x0], $0xffff  }
0x5c: {  	v2 =	vor.u32 s23, v0;
	_ =	sdelay $0x2  }
0x5d: {  	s25 =	sadd.s32 $0x80, s21  }
0x5e: {  	[tilespmem:s25+$0xFFFFFFC0] =	vst v1  }
0x5f: {  	s26 =	sor.u32 $0x8, s22;
	v1 =	vld.idx.msk [tilespmem:v2+s2+$0x0], $0xffff  }
0x60: {  	v2 =	vor.u32 s26, v0;
	_ =	sdelay $0x3  }
0x61: {  	[tilespmem:s25+$0xFFFFFFD0] =	vst v1  }
0x62: {  	s28 =	sor.u32 $0xC, s22;
	v1 =	vld.idx.msk [tilespmem:v2+s2+$0x0], $0xffff  }
0x63: {  	v2 =	vor.u32 s28, v0;
	_ =	sdelay $0x3  }
0x64: {  	[tilespmem:s25+$0xFFFFFFE0] =	vst v1  }
0x65: {  	s29 =	sor.u32 $0x10, s22;
	v1 =	vld.idx.msk [tilespmem:v2+s2+$0x0], $0xffff  }
0x66: {  	v2 =	vor.u32 s29, v0;
	_ =	sdelay $0x3  }
0x67: {  	[tilespmem:s25+$0xFFFFFFF0] =	vst v1  }
0x68: {  	s30 =	sor.u32 $0x14, s22;
	v1 =	vld.idx.msk [tilespmem:v2+s2+$0x0], $0xffff  }
0x69: {  	v2 =	vor.u32 s30, v0;
	_ =	sdelay $0x3  }
0x6a: {  	[tilespmem:s25+$0x0] =	vst v1  }
0x6b: {  	s31 =	sor.u32 $0x18, s22;
	v1 =	vld.idx.msk [tilespmem:v2+s2+$0x0], $0xffff  }
0x6c: {  	v2 =	vor.u32 s31, v0;
	_ =	sdelay $0x3  }
0x6d: {  	[tilespmem:s25+$0x10] =	vst v1  }
0x6e: {  	s22 =	sor.u32 $0x1C, s22;
	v1 =	vld.idx.msk [tilespmem:v2+s2+$0x0], $0xffff  }
0x6f: {  	v2 =	vor.u32 s22, v0;
	_ =	sdelay $0x3  }
0x70: {  	[tilespmem:s25+$0x20] =	vst v1  }
0x71: {  	v1 =	vld.idx.msk [tilespmem:v2+s2+$0x0], $0xffff;
	_ =	sdelay $0x4  }
0x72: {  	[tilespmem:s25+$0x30] =	vst v1  }
0x73: {  	[tilespmem:s13], [sflag:$0x1] =	stream.indirect.gather [hbm4b:s4+s11], $0x20, s12, s11, $0xb8;
	[tilespmem:$0x9900] =	vst v63  }
0x74: {  	_ = 	snop  }
0x75: {  	[tilespmem:s15], [sflag:$0x1] =	stream.indirect.gather [hbm4b:s4+s11], $0x20, s14, s11, $0xb8;
	[tilespmem:$0x9900] =	vst v63  }
0x76: {  	s21 =	simm.s32 $0x0;
	s23 =	smov.u32 s9;
	s22 =	simm.s32 $0x3180  }
0x77: {  	[tilespmem:s17], [sflag:$0x1] =	stream.indirect.gather [hbm4b:s4+s11], $0x20, s16, s11, $0xb8;
	[tilespmem:$0x9900] =	vst v63  }
.LBB2_4:
0x78: {  	s24 =	smul.u32 $0xCD, s21;
	_ =	sdelay $0x1  }
0x79: {  	s24 =	sshrl.u32 s24, $0xA  }
0x7a: {  	s24 =	sand.u32 $0x3F, s24  }
0x7b: {  	s24 =	smul.u32 $0x5, s24;
	_ =	sdelay $0x1  }
0x7c: {  	s24 =	ssub.s32 s21, s24  }
0x7d: {  	_ =	swait.ge [sflag:s18], $0x1000;
	s24 =	sand.u32 $0xFF, s24  }
0x7e: {  	[sflag:s18] =	ssyncset.done $0x0;
	s24 =	sshll.u32 s24, $0xC  }
0x7f: {  	p0 =	slt.u32 s21, $0x2;
	[sflag:s18] =	ssyncadd.s32 $0xFFFFF000;
	s24 =	sadd.s32 $0x4900, s24  }
0x80: {  	[hbm4b:s23+s2] =	stream.linear.scatter [tilespmem:s24], [sflag:$0x2], $0x1000, $0x38;
	[tilespmem:$0x9900] =	vst v63  }
0x81: {  	s24 =	simm.s32 @!p0 $0x2  }
0x82: {  	p1 =	sgt.u32 @!p0 s21, $0x2E;
	_ =	swait.ge @!p0 [sflag:s24], $0x1000  }
0x83: {  	p1 =	por p0, !p1;
	[sflag:s24] =	ssyncset.done @!p0 $0x0  }
0x84: {  	[sflag:s24] =	ssyncadd.s32 @!p0 $0xFFFFF000;
	s24 =	sadd.s32 @p1 $0x3, s21  }
0x85: {  	s25 =	smul.u32 @p1 $0xCD, s24;
	_ =	sdelay $0x1  }
0x86: {  	s25 =	sshrl.u32 @p1 s25, $0xA  }
0x87: {  	s25 =	sand.u32 @p1 $0x3F, s25  }
0x88: {  	s25 =	smul.u32 @p1 $0x5, s25  }
0x89: {  	s21 =	sadd.s32 $0x1, s21  }
0x8a: {  	p0 =	sne.s32 s21, $0x32;
	s24 =	ssub.s32 @p1 s24, s25  }
.Ltmp1:
0x8b: {  	s24 =	sand.u32 @p1 $0xFF, s24;
	(pc) =	sbr.rel @p0 .LBB2_4-.Ltmp1, $4  }
0x8c: {  	s24 =	sshll.u32 @p1 s24, $0xC  }
0x8d: {  	s24 =	sadd.s32 @p1 $0x4900, s24  }
0x8e: {  	[tilespmem:s24], [sflag:$0x1] =	stream.indirect.gather @p1 [hbm4b:s4+s11], $0x20, s22, s11, $0xb8;
	[tilespmem:$0x9900] =	vst v63  }
0x8f: {  	s23 =	sadd.s32 $0x200, s23;
	s22 =	sadd.s32 $0x80, s22  }
0x90: {  	s20 =	sadd.s32 $0x1, s20  }
0x91: {  	_ =	swait.ge [sflag:s19], $0x1000;
	p0 =	sne.s32 s20, s7  }
.Ltmp2:
0x92: {  	[sflag:s19] =	ssyncset.done $0x0;
	(pc) =	sbr.rel @p0 .LBB2_1-.Ltmp2, $4  }
0x93: {  	[sflag:s19] =	ssyncadd.s32 $0xFFFFF000  }
0x94: {  	_ =	swait.ge [sflag:s19], $0x1000  }
0x95: {  	[sflag:s19] =	ssyncset.done $0x0  }
0x96: {  	[sflag:s19] =	ssyncadd.s32 $0xFFFFF000  }
0x97: {  	_ =	sfence.sel $0x180000  }
0x98: {  	[bflag:$0x0] =	sbarrier.arrive $0xFFFF  }
0x99: {  	p0 =	sne.s32 s0, $0x0;
	_ =	strace $0x90000050  }
0x9a: {  	s0 =	sadd.s32 @!p0 $0x100000, s1;
	[bflag:$0x2] =	sbarrier.arrive $0xFFFF  }
0x9b: {  	[sflag:s0] =	ssyncadd.tile.s32 @!p0 $0x1;
	_ =	shalt  }
.Lfunc_end2:
_tile_overlayer_lowered:
.L_overlay_start_2:
0x9c: {  	(tag) =	ssettag $0x2  }
0x9d: {  	s0 =	rddreg [dreg:$0x0];
	s2 =	stileid.u32  }
0x9e: {  	s1 =	rddreg [dreg:$0x1];
	p0 =	sne.s32 s2, $0x0  }
0x9f: {  	s3 =	rddreg [dreg:$0x2];
	[bflag:$0x3] =	sbarrier.arrive $0xFFFF;
	s2 =	simm.s32 @!p0 $0x1C03  }
0xa0: {  	[timem:s3], [sflag:s2] =	dma.local @!p0 [hbm:s0], s1  }
0xa1: {  	s0 =	simm.s32 @!p0 $0x3  }
0xa2: {  	_ =	swait.ge @!p0 [sflag:s0], s1  }
0xa3: {  	s1 =	ssub.s32 @!p0 $0x0, s1;
	[sflag:s0] =	ssyncset.done @!p0 $0x0  }
0xa4: {  	[sflag:s0] =	ssyncadd.s32 @!p0 s1  }
0xa5: {  	[bflag:$0x3] =	sbarrier.arrive $0xFFFF  }
0xa6: {  	_ =	shalt  }

</sc_bundles>
